<compile_context>
chip_gen: v7x
topology: tpu7x:2x2x1
jax: 0.10.2.dev20260603
libtpu: 0.0.44.dev20260713+nightly
codegen_flags: <defaults>
</compile_context>

<pallas_src>
import functools
import math

import ml_dtypes
import numpy as np
import jax
import jax.numpy as jnp
from jax import lax
from jax.experimental import pallas as pl
from jax.experimental.pallas import tpu as pltpu
from jax.experimental.pallas import tpu_sc as plsc

D_MODEL = 1024
MAX_LEN = 8192
SCALE = math.sqrt(D_MODEL)

NUM_CORES = 2
NUM_SUBCORES = 16
NW = NUM_CORES * NUM_SUBCORES
LANES = 16

NSLOT = 8
AHEAD = 4
CP = 8
UNROLL = 4


def _sinusoidal_pos_encoding_np(max_len, d_model):
    pos = np.arange(max_len, dtype=np.float32)[:, None]
    i = np.arange(0, d_model, 2, dtype=np.float32)[None, :]
    angle = pos / np.power(10000.0, i / d_model)
    enc = np.zeros((max_len, d_model), dtype=np.float32)
    enc[:, 0::2] = np.sin(angle)
    enc[:, 1::2] = np.cos(angle)
    return enc


def _pos_bf16_packed(max_len, d_model):
    p = _sinusoidal_pos_encoding_np(max_len, d_model)
    b = p.astype(ml_dtypes.bfloat16).view(np.uint16)
    b = b.reshape(max_len, d_model // 32, 32)
    lo = b[:, :, :16].astype(np.uint32)
    hi = b[:, :, 16:].astype(np.uint32)
    return (lo | (hi << 16)).reshape(max_len, d_model // 2).view(np.int32)


_POS_PACKED_NP = _pos_bf16_packed(MAX_LEN, D_MODEL)


def _make_kernel(BATCH, S):
    PPW = S // NW
    NCH = PPW // CP
    NITEM = NCH * BATCH
    assert BATCH == 4 and NSLOT == 2 * BATCH and NITEM % NSLOT == 0

    mesh = plsc.VectorSubcoreMesh(core_axis_name="c", subcore_axis_name="s")

    @functools.partial(
        pl.kernel,
        mesh=mesh,
        out_type=jax.ShapeDtypeStruct((BATCH * S, D_MODEL), jnp.float32),
        scratch_types=[
            pltpu.VMEM((BATCH * PPW,), jnp.int32),
            pltpu.VMEM((NSLOT, CP, D_MODEL), jnp.float32),
            pltpu.VMEM((2, CP, D_MODEL // 2), jnp.int32),
            pltpu.SemaphoreType.DMA((NSLOT,)),
            pltpu.SemaphoreType.DMA((2,)),
            pltpu.SemaphoreType.DMA((NSLOT,)),
        ],
    )
    def emb(x_hbm, tab_hbm, pos_hbm, out_hbm, idx_v, row_v, pos_v,
            gsem, psem, osem):
        wid = lax.axis_index("s") * NUM_CORES + lax.axis_index("c")
        p_base = wid * PPW

        for b in range(BATCH):
            pltpu.sync_copy(
                x_hbm.at[pl.ds(b * S + p_base, PPW)],
                idx_v.at[pl.ds(b * PPW, PPW)])

        def issue_gather(c, b, slot):
            pltpu.async_copy(
                tab_hbm.at[idx_v.at[pl.ds(b * PPW + c * CP, CP)]],
                row_v.at[slot], gsem.at[slot])

        def wait_gather(slot):
            pltpu.make_async_copy(
                tab_hbm.at[idx_v.at[pl.ds(0, CP)]], row_v.at[slot],
                gsem.at[slot]).wait()

        def issue_pos(c, pslot):
            pltpu.async_copy(
                pos_hbm.at[pl.ds(p_base + c * CP, CP)], pos_v.at[pslot],
                psem.at[pslot])

        def wait_pos(pslot):
            pltpu.make_async_copy(
                pos_hbm.at[pl.ds(0, CP)], pos_v.at[pslot],
                psem.at[pslot]).wait()

        def issue_out(c, b, slot):
            pltpu.async_copy(
                row_v.at[slot],
                out_hbm.at[pl.ds(b * S + p_base + c * CP, CP)],
                osem.at[slot])

        def wait_out(slot):
            pltpu.make_async_copy(
                row_v.at[slot], out_hbm.at[pl.ds(0, CP)],
                osem.at[slot]).wait()

        def compute(slot, pslot):
            @pl.loop(0, CP)
            def _row(r):
                rr = row_v.at[slot].at[r]
                pp = pos_v.at[pslot].at[r]

                @plsc.parallel_loop(0, D_MODEL // (2 * LANES),
                                    unroll=UNROLL)
                def _vec(k):
                    k0 = k * 2 * LANES
                    pw = pp[pl.ds(k * LANES, LANES)]
                    pa = lax.bitcast_convert_type(
                        pw << 16, jnp.float32)
                    pb = lax.bitcast_convert_type(
                        pw & jnp.int32(-65536), jnp.float32)
                    sl0 = pl.ds(k0, LANES)
                    sl1 = pl.ds(k0 + LANES, LANES)
                    rr[sl0] = rr[sl0] * SCALE + pa
                    rr[sl1] = rr[sl1] * SCALE + pb

        issue_pos(0, 0)
        for b in range(BATCH):
            issue_gather(0, b, b)

        @pl.loop(0, NITEM, step=NSLOT)
        def _grp(ii):
            c0 = ii >> 2
            for u in range(NSLOT):
                i = ii + u
                slot = u
                b = u % BATCH
                pslot = u // BATCH
                c = c0 + pslot

                if u == 0:
                    wait_pos(0)
                    issue_pos(c0 + 1, 1)
                if u == BATCH:
                    wait_pos(1)

                    @pl.when(c0 + 2 < NCH)
                    def _():
                        issue_pos(c0 + 2, 0)

                s4 = (u + AHEAD) % NSLOT

                @pl.when(i >= AHEAD)
                def _():
                    wait_out(s4)

                @pl.when(i + AHEAD < NITEM)
                def _():
                    issue_gather(c + 1, b, s4)

                wait_gather(slot)
                compute(slot, pslot)
                issue_out(c, b, slot)

        for u in range(AHEAD):
            wait_out((NITEM - AHEAD + u) % NSLOT)

    return emb


def kernel(x, table):
    B_, S_ = x.shape
    flat_x = x.reshape(-1).astype(jnp.int32)
    emb = _make_kernel(B_, S_)
    out = emb(flat_x, table, jnp.asarray(_POS_PACKED_NP))
    return out.reshape(B_, S_, D_MODEL)

# --- scband reference (transcript-rebuilt; emitter-appended) ---
"""Pipeline reference for scband-transformer-embedding-49967649521908 (READ-ONLY COPY).

The authoritative reference and input builder live on the scoring server;
editing this copy changes nothing except your own understanding.
"""

import jax, jax.numpy as jnp
import numpy as np
import math

VOCAB = 100000
D_MODEL = 1024
MAX_LEN = 8192
BATCH = 4
SEQ = 8192


def _sinusoidal_pos_encoding(max_len, d_model):
    pos = np.arange(max_len, dtype=np.float32)[:, None]
    i = np.arange(0, d_model, 2, dtype=np.float32)[None, :]
    angle = pos / np.power(10000.0, i / d_model)
    enc = np.zeros((max_len, d_model), dtype=np.float32)
    enc[:, 0::2] = np.sin(angle)
    enc[:, 1::2] = np.cos(angle)
    return jnp.asarray(enc)


def setup_inputs(seed: int = 0) -> dict:
    key = jax.random.key(seed)
    k1, k2 = jax.random.split(key)
    x = jax.random.randint(k1, (BATCH, SEQ), 0, VOCAB, dtype=jnp.int64 if jax.config.jax_enable_x64 else jnp.int32)
    table = jax.random.normal(k2, (VOCAB, D_MODEL), dtype=jnp.float32)
    return {"x": x, "table": table}


def reference(x, table):
    # TokenEmbedding: table lookup (gather)
    token_emb = jnp.take(table, x, axis=0)  # [B, S, d_model]
    # PositionalEmbedding: fixed sinusoidal, sliced to seq_len
    pos_enc = _sinusoidal_pos_encoding(MAX_LEN, D_MODEL)
    position_emb = pos_enc[: x.shape[1], :]  # [S, d_model], broadcasts over batch
    token_emb = token_emb * math.sqrt(D_MODEL)
    # Dropout with p=0.0 is identity
    return token_emb + position_emb[None, :, :]

if __name__ == "__main__":
    import jax
    _d = setup_inputs()
    print(jax.jit(kernel)(*tuple(_d.values())))

</pallas_src>

<mosaic_0001>
#map = affine_map<(d0, d1) -> (0)>
#map1 = affine_map<(d0, d1) -> (0, 0)>
module attributes {stable_mosaic.version = 14 : i64} {
  func.func @emb(%arg0: i32, %arg1: i32, %arg2: memref<32768xi32, #tpu.memory_space<hbm>>, %arg3: memref<100000x1024xf32, #tpu.memory_space<hbm>>, %arg4: memref<8192x512xi32, #tpu.memory_space<hbm>>, %arg5: memref<32768x1024xf32, #tpu.memory_space<hbm>>, %arg6: memref<1024xi32, #tpu.memory_space<vmem>>, %arg7: memref<8x8x1024xf32, #tpu.memory_space<vmem>>, %arg8: memref<2x8x512xi32, #tpu.memory_space<vmem>>, %arg9: memref<8x!tpu.dma_semaphore, #tpu.memory_space<semaphore_mem>>, %arg10: memref<2x!tpu.dma_semaphore, #tpu.memory_space<semaphore_mem>>, %arg11: memref<8x!tpu.dma_semaphore, #tpu.memory_space<semaphore_mem>>) attributes {dimension_semantics = [#tpu.dimension_semantics<core_parallel>, #tpu.dimension_semantics<subcore_parallel>], iteration_bounds = array<i64: 2, 16>, scalar_prefetch = 0 : i64, scratch_operands = 6 : i64, tpu.core_type = #tpu.core_type<sc_vector_subcore>, window_params = [{transform_indices = #map}, {transform_indices = #map1}, {transform_indices = #map1}, {transform_indices = #map1}]} {
    %mul3A = arith.constant 2 : i32
    %mul3A_0 = arith.muli %arg1, %mul3A : i32
    %add3A = arith.addi %mul3A_0, %arg0 : i32
    %mul3A_1 = arith.constant 256 : i32
    %mul3A_2 = arith.muli %add3A, %mul3A_1 : i32
    %add3A_3 = arith.constant 0 : i32
    %add3A_4 = arith.addi %add3A_3, %mul3A_2 : i32
    "tpu.region"() ({
      %run_scoped3A = tpu.sem_alloc : memref<!tpu.dma_semaphore, #tpu.memory_space<semaphore_mem>>
      %dma_start3A_155 = arith.constant 0 : i32
      %dma_start3A_156 = tpu.memref_slice %arg6[%dma_start3A_155] : memref<1024xi32, #tpu.memory_space<vmem>> -> memref<256xi32, #tpu.memory_space<vmem>>
      %dma_start3A_157 = tpu.memref_slice %arg2[%add3A_4] : memref<32768xi32, #tpu.memory_space<hbm>> -> memref<256xi32, #tpu.memory_space<hbm>>
      %dma_start3A_158 = arith.constant 0 : i32
      %dma_start3A_159 = tpu.memref_slice %arg6[%dma_start3A_158] : memref<1024xi32, #tpu.memory_space<vmem>> -> memref<256xi32, #tpu.memory_space<vmem>>
      %dma_start3A_160 = tpu.memref_slice %arg2[%add3A_4] : memref<32768xi32, #tpu.memory_space<hbm>> -> memref<256xi32, #tpu.memory_space<hbm>>
      tpu.enqueue_dma source(%dma_start3A_160 : memref<256xi32, #tpu.memory_space<hbm>>) target(%dma_start3A_159 : memref<256xi32, #tpu.memory_space<vmem>>) target_semaphore(%run_scoped3A : memref<!tpu.dma_semaphore, #tpu.memory_space<semaphore_mem>>)
      %dma_wait3A_161 = arith.constant 0 : i32
      %dma_wait3A_162 = tpu.memref_slice %arg6[%dma_wait3A_161] : memref<1024xi32, #tpu.memory_space<vmem>> -> memref<256xi32, #tpu.memory_space<vmem>>
      %dma_wait3A_163 = tpu.memref_slice %arg2[%add3A_4] : memref<32768xi32, #tpu.memory_space<hbm>> -> memref<256xi32, #tpu.memory_space<hbm>>
      %dma_wait3A_164 = arith.constant 0 : i32
      %dma_wait3A_165 = tpu.memref_slice %arg6[%dma_wait3A_164] : memref<1024xi32, #tpu.memory_space<vmem>> -> memref<256xi32, #tpu.memory_space<vmem>>
      %dma_wait3A_166 = tpu.memref_slice %arg2[%add3A_4] : memref<32768xi32, #tpu.memory_space<hbm>> -> memref<256xi32, #tpu.memory_space<hbm>>
      tpu.wait_dma2 semaphore(%run_scoped3A : memref<!tpu.dma_semaphore, #tpu.memory_space<semaphore_mem>>) src(%dma_wait3A_166 : memref<256xi32, #tpu.memory_space<hbm>>) dst(%dma_wait3A_165 : memref<256xi32, #tpu.memory_space<vmem>>)
      tpu.yield
    }) : () -> ()
    %add3A_5 = arith.constant 8192 : i32
    %add3A_6 = arith.addi %add3A_5, %mul3A_2 : i32
    "tpu.region"() ({
      %run_scoped3A = tpu.sem_alloc : memref<!tpu.dma_semaphore, #tpu.memory_space<semaphore_mem>>
      %dma_start3A_155 = arith.constant 256 : i32
      %dma_start3A_156 = tpu.memref_slice %arg6[%dma_start3A_155] : memref<1024xi32, #tpu.memory_space<vmem>> -> memref<256xi32, #tpu.memory_space<vmem>>
      %dma_start3A_157 = tpu.memref_slice %arg2[%add3A_6] : memref<32768xi32, #tpu.memory_space<hbm>> -> memref<256xi32, #tpu.memory_space<hbm>>
      %dma_start3A_158 = arith.constant 256 : i32
      %dma_start3A_159 = tpu.memref_slice %arg6[%dma_start3A_158] : memref<1024xi32, #tpu.memory_space<vmem>> -> memref<256xi32, #tpu.memory_space<vmem>>
      %dma_start3A_160 = tpu.memref_slice %arg2[%add3A_6] : memref<32768xi32, #tpu.memory_space<hbm>> -> memref<256xi32, #tpu.memory_space<hbm>>
      tpu.enqueue_dma source(%dma_start3A_160 : memref<256xi32, #tpu.memory_space<hbm>>) target(%dma_start3A_159 : memref<256xi32, #tpu.memory_space<vmem>>) target_semaphore(%run_scoped3A : memref<!tpu.dma_semaphore, #tpu.memory_space<semaphore_mem>>)
      %dma_wait3A_161 = arith.constant 256 : i32
      %dma_wait3A_162 = tpu.memref_slice %arg6[%dma_wait3A_161] : memref<1024xi32, #tpu.memory_space<vmem>> -> memref<256xi32, #tpu.memory_space<vmem>>
      %dma_wait3A_163 = tpu.memref_slice %arg2[%add3A_6] : memref<32768xi32, #tpu.memory_space<hbm>> -> memref<256xi32, #tpu.memory_space<hbm>>
      %dma_wait3A_164 = arith.constant 256 : i32
      %dma_wait3A_165 = tpu.memref_slice %arg6[%dma_wait3A_164] : memref<1024xi32, #tpu.memory_space<vmem>> -> memref<256xi32, #tpu.memory_space<vmem>>
      %dma_wait3A_166 = tpu.memref_slice %arg2[%add3A_6] : memref<32768xi32, #tpu.memory_space<hbm>> -> memref<256xi32, #tpu.memory_space<hbm>>
      tpu.wait_dma2 semaphore(%run_scoped3A : memref<!tpu.dma_semaphore, #tpu.memory_space<semaphore_mem>>) src(%dma_wait3A_166 : memref<256xi32, #tpu.memory_space<hbm>>) dst(%dma_wait3A_165 : memref<256xi32, #tpu.memory_space<vmem>>)
      tpu.yield
    }) : () -> ()
    %add3A_7 = arith.constant 16384 : i32
    %add3A_8 = arith.addi %add3A_7, %mul3A_2 : i32
    "tpu.region"() ({
      %run_scoped3A = tpu.sem_alloc : memref<!tpu.dma_semaphore, #tpu.memory_space<semaphore_mem>>
      %dma_start3A_155 = arith.constant 512 : i32
      %dma_start3A_156 = tpu.memref_slice %arg6[%dma_start3A_155] : memref<1024xi32, #tpu.memory_space<vmem>> -> memref<256xi32, #tpu.memory_space<vmem>>
      %dma_start3A_157 = tpu.memref_slice %arg2[%add3A_8] : memref<32768xi32, #tpu.memory_space<hbm>> -> memref<256xi32, #tpu.memory_space<hbm>>
      %dma_start3A_158 = arith.constant 512 : i32
      %dma_start3A_159 = tpu.memref_slice %arg6[%dma_start3A_158] : memref<1024xi32, #tpu.memory_space<vmem>> -> memref<256xi32, #tpu.memory_space<vmem>>
      %dma_start3A_160 = tpu.memref_slice %arg2[%add3A_8] : memref<32768xi32, #tpu.memory_space<hbm>> -> memref<256xi32, #tpu.memory_space<hbm>>
      tpu.enqueue_dma source(%dma_start3A_160 : memref<256xi32, #tpu.memory_space<hbm>>) target(%dma_start3A_159 : memref<256xi32, #tpu.memory_space<vmem>>) target_semaphore(%run_scoped3A : memref<!tpu.dma_semaphore, #tpu.memory_space<semaphore_mem>>)
      %dma_wait3A_161 = arith.constant 512 : i32
      %dma_wait3A_162 = tpu.memref_slice %arg6[%dma_wait3A_161] : memref<1024xi32, #tpu.memory_space<vmem>> -> memref<256xi32, #tpu.memory_space<vmem>>
      %dma_wait3A_163 = tpu.memref_slice %arg2[%add3A_8] : memref<32768xi32, #tpu.memory_space<hbm>> -> memref<256xi32, #tpu.memory_space<hbm>>
      %dma_wait3A_164 = arith.constant 512 : i32
      %dma_wait3A_165 = tpu.memref_slice %arg6[%dma_wait3A_164] : memref<1024xi32, #tpu.memory_space<vmem>> -> memref<256xi32, #tpu.memory_space<vmem>>
      %dma_wait3A_166 = tpu.memref_slice %arg2[%add3A_8] : memref<32768xi32, #tpu.memory_space<hbm>> -> memref<256xi32, #tpu.memory_space<hbm>>
      tpu.wait_dma2 semaphore(%run_scoped3A : memref<!tpu.dma_semaphore, #tpu.memory_space<semaphore_mem>>) src(%dma_wait3A_166 : memref<256xi32, #tpu.memory_space<hbm>>) dst(%dma_wait3A_165 : memref<256xi32, #tpu.memory_space<vmem>>)
      tpu.yield
    }) : () -> ()
    %add3A_9 = arith.constant 24576 : i32
    %add3A_10 = arith.addi %add3A_9, %mul3A_2 : i32
    "tpu.region"() ({
      %run_scoped3A = tpu.sem_alloc : memref<!tpu.dma_semaphore, #tpu.memory_space<semaphore_mem>>
      %dma_start3A_155 = arith.constant 768 : i32
      %dma_start3A_156 = tpu.memref_slice %arg6[%dma_start3A_155] : memref<1024xi32, #tpu.memory_space<vmem>> -> memref<256xi32, #tpu.memory_space<vmem>>
      %dma_start3A_157 = tpu.memref_slice %arg2[%add3A_10] : memref<32768xi32, #tpu.memory_space<hbm>> -> memref<256xi32, #tpu.memory_space<hbm>>
      %dma_start3A_158 = arith.constant 768 : i32
      %dma_start3A_159 = tpu.memref_slice %arg6[%dma_start3A_158] : memref<1024xi32, #tpu.memory_space<vmem>> -> memref<256xi32, #tpu.memory_space<vmem>>
      %dma_start3A_160 = tpu.memref_slice %arg2[%add3A_10] : memref<32768xi32, #tpu.memory_space<hbm>> -> memref<256xi32, #tpu.memory_space<hbm>>
      tpu.enqueue_dma source(%dma_start3A_160 : memref<256xi32, #tpu.memory_space<hbm>>) target(%dma_start3A_159 : memref<256xi32, #tpu.memory_space<vmem>>) target_semaphore(%run_scoped3A : memref<!tpu.dma_semaphore, #tpu.memory_space<semaphore_mem>>)
      %dma_wait3A_161 = arith.constant 768 : i32
      %dma_wait3A_162 = tpu.memref_slice %arg6[%dma_wait3A_161] : memref<1024xi32, #tpu.memory_space<vmem>> -> memref<256xi32, #tpu.memory_space<vmem>>
      %dma_wait3A_163 = tpu.memref_slice %arg2[%add3A_10] : memref<32768xi32, #tpu.memory_space<hbm>> -> memref<256xi32, #tpu.memory_space<hbm>>
      %dma_wait3A_164 = arith.constant 768 : i32
      %dma_wait3A_165 = tpu.memref_slice %arg6[%dma_wait3A_164] : memref<1024xi32, #tpu.memory_space<vmem>> -> memref<256xi32, #tpu.memory_space<vmem>>
      %dma_wait3A_166 = tpu.memref_slice %arg2[%add3A_10] : memref<32768xi32, #tpu.memory_space<hbm>> -> memref<256xi32, #tpu.memory_space<hbm>>
      tpu.wait_dma2 semaphore(%run_scoped3A : memref<!tpu.dma_semaphore, #tpu.memory_space<semaphore_mem>>) src(%dma_wait3A_166 : memref<256xi32, #tpu.memory_space<hbm>>) dst(%dma_wait3A_165 : memref<256xi32, #tpu.memory_space<vmem>>)
      tpu.yield
    }) : () -> ()
    %add3A_11 = arith.constant 0 : i32
    %add3A_12 = arith.addi %mul3A_2, %add3A_11 : i32
    %dma_start3A = arith.constant 0 : i32
    %dma_start3A_13 = arith.constant 0 : i32
    %dma_start3A_14 = arith.constant 0 : i32
    %dma_start3A_15 = arith.constant 0 : i32
    %dma_start3A_16 = tpu.memref_slice %arg8[%dma_start3A, %dma_start3A_14, %dma_start3A_15] : memref<2x8x512xi32, #tpu.memory_space<vmem>> -> memref<1x8x512xi32, #tpu.memory_space<vmem>>
    %dma_start3A_17 = tpu.memref_squeeze %dma_start3A_16 : memref<1x8x512xi32, #tpu.memory_space<vmem>> -> memref<8x512xi32, #tpu.memory_space<vmem>>
    %dma_start3A_18 = arith.constant 0 : i32
    %dma_start3A_19 = tpu.memref_slice %arg4[%add3A_12, %dma_start3A_18] : memref<8192x512xi32, #tpu.memory_space<hbm>> -> memref<8x512xi32, #tpu.memory_space<hbm>>
    %dma_start3A_20 = tpu.memref_slice %arg10[%dma_start3A_13] : memref<2x!tpu.dma_semaphore, #tpu.memory_space<semaphore_mem>> -> memref<1x!tpu.dma_semaphore, #tpu.memory_space<semaphore_mem>>
    %dma_start3A_21 = tpu.memref_squeeze %dma_start3A_20 : memref<1x!tpu.dma_semaphore, #tpu.memory_space<semaphore_mem>> -> memref<!tpu.dma_semaphore, #tpu.memory_space<semaphore_mem>>
    %dma_start3A_22 = arith.constant 0 : i32
    %dma_start3A_23 = arith.constant 0 : i32
    %dma_start3A_24 = tpu.memref_slice %arg8[%dma_start3A, %dma_start3A_22, %dma_start3A_23] : memref<2x8x512xi32, #tpu.memory_space<vmem>> -> memref<1x8x512xi32, #tpu.memory_space<vmem>>
    %dma_start3A_25 = tpu.memref_squeeze %dma_start3A_24 : memref<1x8x512xi32, #tpu.memory_space<vmem>> -> memref<8x512xi32, #tpu.memory_space<vmem>>
    %dma_start3A_26 = arith.constant 0 : i32
    %dma_start3A_27 = tpu.memref_slice %arg4[%add3A_12, %dma_start3A_26] : memref<8192x512xi32, #tpu.memory_space<hbm>> -> memref<8x512xi32, #tpu.memory_space<hbm>>
    tpu.enqueue_dma source(%dma_start3A_27 : memref<8x512xi32, #tpu.memory_space<hbm>>) target(%dma_start3A_25 : memref<8x512xi32, #tpu.memory_space<vmem>>) target_semaphore(%dma_start3A_21 : memref<!tpu.dma_semaphore, #tpu.memory_space<semaphore_mem>>)
    %dma_start3A_28 = arith.constant 0 : i32
    %dma_start3A_29 = arith.constant 0 : i32
    %dma_start3A_30 = arith.constant 0 : i32
    %dma_start3A_31 = arith.constant 0 : i32
    %dma_start3A_32 = tpu.memref_slice %arg7[%dma_start3A_28, %dma_start3A_30, %dma_start3A_31] : memref<8x8x1024xf32, #tpu.memory_space<vmem>> -> memref<1x8x1024xf32, #tpu.memory_space<vmem>>
    %dma_start3A_33 = tpu.memref_squeeze %dma_start3A_32 : memref<1x8x1024xf32, #tpu.memory_space<vmem>> -> memref<8x1024xf32, #tpu.memory_space<vmem>>
    %dma_start3A_34 = arith.constant 0 : i32
    %dma_start3A_35 = tpu.memref_slice %arg6[%dma_start3A_34] : memref<1024xi32, #tpu.memory_space<vmem>> -> memref<8xi32, #tpu.memory_space<vmem>>
    %dma_start3A_36 = arith.constant 0 : i32
    %dma_start3A_37 = arith.constant 0 : i32
    %dma_start3A_38 = tpu.memref_slice %arg3[%dma_start3A_36, %dma_start3A_37] : memref<100000x1024xf32, #tpu.memory_space<hbm>> -> memref<100000x1024xf32, #tpu.memory_space<hbm>>
    %dma_start3A_39 = tpu.memref_slice %arg9[%dma_start3A_29] : memref<8x!tpu.dma_semaphore, #tpu.memory_space<semaphore_mem>> -> memref<1x!tpu.dma_semaphore, #tpu.memory_space<semaphore_mem>>
    %dma_start3A_40 = tpu.memref_squeeze %dma_start3A_39 : memref<1x!tpu.dma_semaphore, #tpu.memory_space<semaphore_mem>> -> memref<!tpu.dma_semaphore, #tpu.memory_space<semaphore_mem>>
    tpu.enqueue_indirect_dma source(%dma_start3A_38 : memref<100000x1024xf32, #tpu.memory_space<hbm>>) target(%dma_start3A_33 : memref<8x1024xf32, #tpu.memory_space<vmem>>) offsets(%dma_start3A_35 : memref<8xi32, #tpu.memory_space<vmem>>) semaphore(%dma_start3A_40 : memref<!tpu.dma_semaphore, #tpu.memory_space<semaphore_mem>>)
    %dma_start3A_41 = arith.constant 1 : i32
    %dma_start3A_42 = arith.constant 1 : i32
    %dma_start3A_43 = arith.constant 0 : i32
    %dma_start3A_44 = arith.constant 0 : i32
    %dma_start3A_45 = tpu.memref_slice %arg7[%dma_start3A_41, %dma_start3A_43, %dma_start3A_44] : memref<8x8x1024xf32, #tpu.memory_space<vmem>> -> memref<1x8x1024xf32, #tpu.memory_space<vmem>>
    %dma_start3A_46 = tpu.memref_squeeze %dma_start3A_45 : memref<1x8x1024xf32, #tpu.memory_space<vmem>> -> memref<8x1024xf32, #tpu.memory_space<vmem>>
    %dma_start3A_47 = arith.constant 256 : i32
    %dma_start3A_48 = tpu.memref_slice %arg6[%dma_start3A_47] : memref<1024xi32, #tpu.memory_space<vmem>> -> memref<8xi32, #tpu.memory_space<vmem>>
    %dma_start3A_49 = arith.constant 0 : i32
    %dma_start3A_50 = arith.constant 0 : i32
    %dma_start3A_51 = tpu.memref_slice %arg3[%dma_start3A_49, %dma_start3A_50] : memref<100000x1024xf32, #tpu.memory_space<hbm>> -> memref<100000x1024xf32, #tpu.memory_space<hbm>>
    %dma_start3A_52 = tpu.memref_slice %arg9[%dma_start3A_42] : memref<8x!tpu.dma_semaphore, #tpu.memory_space<semaphore_mem>> -> memref<1x!tpu.dma_semaphore, #tpu.memory_space<semaphore_mem>>
    %dma_start3A_53 = tpu.memref_squeeze %dma_start3A_52 : memref<1x!tpu.dma_semaphore, #tpu.memory_space<semaphore_mem>> -> memref<!tpu.dma_semaphore, #tpu.memory_space<semaphore_mem>>
    tpu.enqueue_indirect_dma source(%dma_start3A_51 : memref<100000x1024xf32, #tpu.memory_space<hbm>>) target(%dma_start3A_46 : memref<8x1024xf32, #tpu.memory_space<vmem>>) offsets(%dma_start3A_48 : memref<8xi32, #tpu.memory_space<vmem>>) semaphore(%dma_start3A_53 : memref<!tpu.dma_semaphore, #tpu.memory_space<semaphore_mem>>)
    %dma_start3A_54 = arith.constant 2 : i32
    %dma_start3A_55 = arith.constant 2 : i32
    %dma_start3A_56 = arith.constant 0 : i32
    %dma_start3A_57 = arith.constant 0 : i32
    %dma_start3A_58 = tpu.memref_slice %arg7[%dma_start3A_54, %dma_start3A_56, %dma_start3A_57] : memref<8x8x1024xf32, #tpu.memory_space<vmem>> -> memref<1x8x1024xf32, #tpu.memory_space<vmem>>
    %dma_start3A_59 = tpu.memref_squeeze %dma_start3A_58 : memref<1x8x1024xf32, #tpu.memory_space<vmem>> -> memref<8x1024xf32, #tpu.memory_space<vmem>>
    %dma_start3A_60 = arith.constant 512 : i32
    %dma_start3A_61 = tpu.memref_slice %arg6[%dma_start3A_60] : memref<1024xi32, #tpu.memory_space<vmem>> -> memref<8xi32, #tpu.memory_space<vmem>>
    %dma_start3A_62 = arith.constant 0 : i32
    %dma_start3A_63 = arith.constant 0 : i32
    %dma_start3A_64 = tpu.memref_slice %arg3[%dma_start3A_62, %dma_start3A_63] : memref<100000x1024xf32, #tpu.memory_space<hbm>> -> memref<100000x1024xf32, #tpu.memory_space<hbm>>
    %dma_start3A_65 = tpu.memref_slice %arg9[%dma_start3A_55] : memref<8x!tpu.dma_semaphore, #tpu.memory_space<semaphore_mem>> -> memref<1x!tpu.dma_semaphore, #tpu.memory_space<semaphore_mem>>
    %dma_start3A_66 = tpu.memref_squeeze %dma_start3A_65 : memref<1x!tpu.dma_semaphore, #tpu.memory_space<semaphore_mem>> -> memref<!tpu.dma_semaphore, #tpu.memory_space<semaphore_mem>>
    tpu.enqueue_indirect_dma source(%dma_start3A_64 : memref<100000x1024xf32, #tpu.memory_space<hbm>>) target(%dma_start3A_59 : memref<8x1024xf32, #tpu.memory_space<vmem>>) offsets(%dma_start3A_61 : memref<8xi32, #tpu.memory_space<vmem>>) semaphore(%dma_start3A_66 : memref<!tpu.dma_semaphore, #tpu.memory_space<semaphore_mem>>)
    %dma_start3A_67 = arith.constant 3 : i32
    %dma_start3A_68 = arith.constant 3 : i32
    %dma_start3A_69 = arith.constant 0 : i32
    %dma_start3A_70 = arith.constant 0 : i32
    %dma_start3A_71 = tpu.memref_slice %arg7[%dma_start3A_67, %dma_start3A_69, %dma_start3A_70] : memref<8x8x1024xf32, #tpu.memory_space<vmem>> -> memref<1x8x1024xf32, #tpu.memory_space<vmem>>
    %dma_start3A_72 = tpu.memref_squeeze %dma_start3A_71 : memref<1x8x1024xf32, #tpu.memory_space<vmem>> -> memref<8x1024xf32, #tpu.memory_space<vmem>>
    %dma_start3A_73 = arith.constant 768 : i32
    %dma_start3A_74 = tpu.memref_slice %arg6[%dma_start3A_73] : memref<1024xi32, #tpu.memory_space<vmem>> -> memref<8xi32, #tpu.memory_space<vmem>>
    %dma_start3A_75 = arith.constant 0 : i32
    %dma_start3A_76 = arith.constant 0 : i32
    %dma_start3A_77 = tpu.memref_slice %arg3[%dma_start3A_75, %dma_start3A_76] : memref<100000x1024xf32, #tpu.memory_space<hbm>> -> memref<100000x1024xf32, #tpu.memory_space<hbm>>
    %dma_start3A_78 = tpu.memref_slice %arg9[%dma_start3A_68] : memref<8x!tpu.dma_semaphore, #tpu.memory_space<semaphore_mem>> -> memref<1x!tpu.dma_semaphore, #tpu.memory_space<semaphore_mem>>
    %dma_start3A_79 = tpu.memref_squeeze %dma_start3A_78 : memref<1x!tpu.dma_semaphore, #tpu.memory_space<semaphore_mem>> -> memref<!tpu.dma_semaphore, #tpu.memory_space<semaphore_mem>>
    tpu.enqueue_indirect_dma source(%dma_start3A_77 : memref<100000x1024xf32, #tpu.memory_space<hbm>>) target(%dma_start3A_72 : memref<8x1024xf32, #tpu.memory_space<vmem>>) offsets(%dma_start3A_74 : memref<8xi32, #tpu.memory_space<vmem>>) semaphore(%dma_start3A_79 : memref<!tpu.dma_semaphore, #tpu.memory_space<semaphore_mem>>)
    %scan3A = arith.constant 0 : i32
    %scan3A_80 = arith.constant 16 : i32
    %scan3A_81 = arith.addi %scan3A, %scan3A_80 : i32
    %scan3A_82 = arith.constant 1 : i32
    scf.for %scan3A_155 = %scan3A to %scan3A_81 step %scan3A_82  : i32 {
      %mul3A_156 = arith.constant 8 : i32
      %mul3A_157 = arith.muli %scan3A_155, %mul3A_156 : i32
      %add3A_158 = arith.constant 0 : i32
      %add3A_159 = arith.addi %add3A_158, %mul3A_157 : i32
      %shift_right_arithmetic3A = arith.constant 2 : i32
      %shift_right_arithmetic3A_160 = arith.shrsi %add3A_159, %shift_right_arithmetic3A : i32
      %add3A_161 = arith.constant 0 : i32
      %add3A_162 = arith.addi %add3A_159, %add3A_161 : i32
      %add3A_163 = arith.constant 0 : i32
      %add3A_164 = arith.addi %shift_right_arithmetic3A_160, %add3A_163 : i32
      %dma_wait3A_165 = arith.constant 0 : i32
      %dma_wait3A_166 = arith.constant 0 : i32
      %dma_wait3A_167 = arith.constant 0 : i32
      %dma_wait3A_168 = arith.constant 0 : i32
      %dma_wait3A_169 = tpu.memref_slice %arg8[%dma_wait3A_165, %dma_wait3A_167, %dma_wait3A_168] : memref<2x8x512xi32, #tpu.memory_space<vmem>> -> memref<1x8x512xi32, #tpu.memory_space<vmem>>
      %dma_wait3A_170 = tpu.memref_squeeze %dma_wait3A_169 : memref<1x8x512xi32, #tpu.memory_space<vmem>> -> memref<8x512xi32, #tpu.memory_space<vmem>>
      %dma_wait3A_171 = arith.constant 0 : i32
      %dma_wait3A_172 = arith.constant 0 : i32
      %dma_wait3A_173 = tpu.memref_slice %arg4[%dma_wait3A_171, %dma_wait3A_172] : memref<8192x512xi32, #tpu.memory_space<hbm>> -> memref<8x512xi32, #tpu.memory_space<hbm>>
      %dma_wait3A_174 = tpu.memref_slice %arg10[%dma_wait3A_166] : memref<2x!tpu.dma_semaphore, #tpu.memory_space<semaphore_mem>> -> memref<1x!tpu.dma_semaphore, #tpu.memory_space<semaphore_mem>>
      %dma_wait3A_175 = tpu.memref_squeeze %dma_wait3A_174 : memref<1x!tpu.dma_semaphore, #tpu.memory_space<semaphore_mem>> -> memref<!tpu.dma_semaphore, #tpu.memory_space<semaphore_mem>>
      %dma_wait3A_176 = arith.constant 0 : i32
      %dma_wait3A_177 = arith.constant 0 : i32
      %dma_wait3A_178 = tpu.memref_slice %arg8[%dma_wait3A_165, %dma_wait3A_176, %dma_wait3A_177] : memref<2x8x512xi32, #tpu.memory_space<vmem>> -> memref<1x8x512xi32, #tpu.memory_space<vmem>>
      %dma_wait3A_179 = tpu.memref_squeeze %dma_wait3A_178 : memref<1x8x512xi32, #tpu.memory_space<vmem>> -> memref<8x512xi32, #tpu.memory_space<vmem>>
      %dma_wait3A_180 = arith.constant 0 : i32
      %dma_wait3A_181 = arith.constant 0 : i32
      %dma_wait3A_182 = tpu.memref_slice %arg4[%dma_wait3A_180, %dma_wait3A_181] : memref<8192x512xi32, #tpu.memory_space<hbm>> -> memref<8x512xi32, #tpu.memory_space<hbm>>
      tpu.wait_dma2 semaphore(%dma_wait3A_175 : memref<!tpu.dma_semaphore, #tpu.memory_space<semaphore_mem>>) src(%dma_wait3A_182 : memref<8x512xi32, #tpu.memory_space<hbm>>) dst(%dma_wait3A_179 : memref<8x512xi32, #tpu.memory_space<vmem>>)
      %add3A_183 = arith.constant 1 : i32
      %add3A_184 = arith.addi %shift_right_arithmetic3A_160, %add3A_183 : i32
      %mul3A_185 = arith.constant 8 : i32
      %mul3A_186 = arith.muli %add3A_184, %mul3A_185 : i32
      %add3A_187 = arith.addi %mul3A_2, %mul3A_186 : i32
      %dma_start3A_188 = arith.constant 1 : i32
      %dma_start3A_189 = arith.constant 1 : i32
      %dma_start3A_190 = arith.constant 0 : i32
      %dma_start3A_191 = arith.constant 0 : i32
      %dma_start3A_192 = tpu.memref_slice %arg8[%dma_start3A_188, %dma_start3A_190, %dma_start3A_191] : memref<2x8x512xi32, #tpu.memory_space<vmem>> -> memref<1x8x512xi32, #tpu.memory_space<vmem>>
      %dma_start3A_193 = tpu.memref_squeeze %dma_start3A_192 : memref<1x8x512xi32, #tpu.memory_space<vmem>> -> memref<8x512xi32, #tpu.memory_space<vmem>>
      %dma_start3A_194 = arith.constant 0 : i32
      %dma_start3A_195 = tpu.memref_slice %arg4[%add3A_187, %dma_start3A_194] : memref<8192x512xi32, #tpu.memory_space<hbm>> -> memref<8x512xi32, #tpu.memory_space<hbm>>
      %dma_start3A_196 = tpu.memref_slice %arg10[%dma_start3A_189] : memref<2x!tpu.dma_semaphore, #tpu.memory_space<semaphore_mem>> -> memref<1x!tpu.dma_semaphore, #tpu.memory_space<semaphore_mem>>
      %dma_start3A_197 = tpu.memref_squeeze %dma_start3A_196 : memref<1x!tpu.dma_semaphore, #tpu.memory_space<semaphore_mem>> -> memref<!tpu.dma_semaphore, #tpu.memory_space<semaphore_mem>>
      %dma_start3A_198 = arith.constant 0 : i32
      %dma_start3A_199 = arith.constant 0 : i32
      %dma_start3A_200 = tpu.memref_slice %arg8[%dma_start3A_188, %dma_start3A_198, %dma_start3A_199] : memref<2x8x512xi32, #tpu.memory_space<vmem>> -> memref<1x8x512xi32, #tpu.memory_space<vmem>>
      %dma_start3A_201 = tpu.memref_squeeze %dma_start3A_200 : memref<1x8x512xi32, #tpu.memory_space<vmem>> -> memref<8x512xi32, #tpu.memory_space<vmem>>
      %dma_start3A_202 = arith.constant 0 : i32
      %dma_start3A_203 = tpu.memref_slice %arg4[%add3A_187, %dma_start3A_202] : memref<8192x512xi32, #tpu.memory_space<hbm>> -> memref<8x512xi32, #tpu.memory_space<hbm>>
      tpu.enqueue_dma source(%dma_start3A_203 : memref<8x512xi32, #tpu.memory_space<hbm>>) target(%dma_start3A_201 : memref<8x512xi32, #tpu.memory_space<vmem>>) target_semaphore(%dma_start3A_197 : memref<!tpu.dma_semaphore, #tpu.memory_space<semaphore_mem>>)
      %ge3A = arith.constant 4 : i32
      %ge3A_204 = arith.cmpi sge, %add3A_162, %ge3A : i32
      %convert_element_type3A = arith.extui %ge3A_204 : i1 to i32
      %cond3A = arith.constant 0 : i32
      %cond3A_205 = arith.cmpi ne, %convert_element_type3A, %cond3A : i32
      scf.if %cond3A_205 {
        %dma_wait3A_661 = arith.constant 4 : i32
        %dma_wait3A_662 = arith.constant 4 : i32
        %dma_wait3A_663 = arith.constant 0 : i32
        %dma_wait3A_664 = arith.constant 0 : i32
        %dma_wait3A_665 = tpu.memref_slice %arg7[%dma_wait3A_661, %dma_wait3A_663, %dma_wait3A_664] : memref<8x8x1024xf32, #tpu.memory_space<vmem>> -> memref<1x8x1024xf32, #tpu.memory_space<vmem>>
        %dma_wait3A_666 = tpu.memref_squeeze %dma_wait3A_665 : memref<1x8x1024xf32, #tpu.memory_space<vmem>> -> memref<8x1024xf32, #tpu.memory_space<vmem>>
        %dma_wait3A_667 = arith.constant 0 : i32
        %dma_wait3A_668 = arith.constant 0 : i32
        %dma_wait3A_669 = tpu.memref_slice %arg5[%dma_wait3A_667, %dma_wait3A_668] : memref<32768x1024xf32, #tpu.memory_space<hbm>> -> memref<8x1024xf32, #tpu.memory_space<hbm>>
        %dma_wait3A_670 = tpu.memref_slice %arg11[%dma_wait3A_662] : memref<8x!tpu.dma_semaphore, #tpu.memory_space<semaphore_mem>> -> memref<1x!tpu.dma_semaphore, #tpu.memory_space<semaphore_mem>>
        %dma_wait3A_671 = tpu.memref_squeeze %dma_wait3A_670 : memref<1x!tpu.dma_semaphore, #tpu.memory_space<semaphore_mem>> -> memref<!tpu.dma_semaphore, #tpu.memory_space<semaphore_mem>>
        %dma_wait3A_672 = arith.constant 0 : i32
        %dma_wait3A_673 = arith.constant 0 : i32
        %dma_wait3A_674 = tpu.memref_slice %arg5[%dma_wait3A_672, %dma_wait3A_673] : memref<32768x1024xf32, #tpu.memory_space<hbm>> -> memref<8x1024xf32, #tpu.memory_space<hbm>>
        %dma_wait3A_675 = arith.constant 0 : i32
        %dma_wait3A_676 = arith.constant 0 : i32
        %dma_wait3A_677 = tpu.memref_slice %arg7[%dma_wait3A_661, %dma_wait3A_675, %dma_wait3A_676] : memref<8x8x1024xf32, #tpu.memory_space<vmem>> -> memref<1x8x1024xf32, #tpu.memory_space<vmem>>
        %dma_wait3A_678 = tpu.memref_squeeze %dma_wait3A_677 : memref<1x8x1024xf32, #tpu.memory_space<vmem>> -> memref<8x1024xf32, #tpu.memory_space<vmem>>
        tpu.wait_dma2 semaphore(%dma_wait3A_671 : memref<!tpu.dma_semaphore, #tpu.memory_space<semaphore_mem>>) src(%dma_wait3A_678 : memref<8x1024xf32, #tpu.memory_space<vmem>>) dst(%dma_wait3A_674 : memref<8x1024xf32, #tpu.memory_space<hbm>>)
      } else {
      }
      %add3A_206 = arith.constant 4 : i32
      %add3A_207 = arith.addi %add3A_162, %add3A_206 : i32
      %lt3A = arith.constant 128 : i32
      %lt3A_208 = arith.cmpi slt, %add3A_207, %lt3A : i32
      %convert_element_type3A_209 = arith.extui %lt3A_208 : i1 to i32
      %cond3A_210 = arith.constant 0 : i32
      %cond3A_211 = arith.cmpi ne, %convert_element_type3A_209, %cond3A_210 : i32
      scf.if %cond3A_211 {
        %add3A_661 = arith.constant 1 : i32
        %add3A_662 = arith.addi %add3A_164, %add3A_661 : i32
        %mul3A_663 = arith.constant 8 : i32
        %mul3A_664 = arith.muli %add3A_662, %mul3A_663 : i32
        %add3A_665 = arith.constant 0 : i32
        %add3A_666 = arith.addi %add3A_665, %mul3A_664 : i32
        %dma_start3A_667 = arith.constant 4 : i32
        %dma_start3A_668 = arith.constant 4 : i32
        %dma_start3A_669 = arith.constant 0 : i32
        %dma_start3A_670 = arith.constant 0 : i32
        %dma_start3A_671 = tpu.memref_slice %arg7[%dma_start3A_667, %dma_start3A_669, %dma_start3A_670] : memref<8x8x1024xf32, #tpu.memory_space<vmem>> -> memref<1x8x1024xf32, #tpu.memory_space<vmem>>
        %dma_start3A_672 = tpu.memref_squeeze %dma_start3A_671 : memref<1x8x1024xf32, #tpu.memory_space<vmem>> -> memref<8x1024xf32, #tpu.memory_space<vmem>>
        %dma_start3A_673 = tpu.memref_slice %arg6[%add3A_666] : memref<1024xi32, #tpu.memory_space<vmem>> -> memref<8xi32, #tpu.memory_space<vmem>>
        %dma_start3A_674 = arith.constant 0 : i32
        %dma_start3A_675 = arith.constant 0 : i32
        %dma_start3A_676 = tpu.memref_slice %arg3[%dma_start3A_674, %dma_start3A_675] : memref<100000x1024xf32, #tpu.memory_space<hbm>> -> memref<100000x1024xf32, #tpu.memory_space<hbm>>
        %dma_start3A_677 = tpu.memref_slice %arg9[%dma_start3A_668] : memref<8x!tpu.dma_semaphore, #tpu.memory_space<semaphore_mem>> -> memref<1x!tpu.dma_semaphore, #tpu.memory_space<semaphore_mem>>
        %dma_start3A_678 = tpu.memref_squeeze %dma_start3A_677 : memref<1x!tpu.dma_semaphore, #tpu.memory_space<semaphore_mem>> -> memref<!tpu.dma_semaphore, #tpu.memory_space<semaphore_mem>>
        tpu.enqueue_indirect_dma source(%dma_start3A_676 : memref<100000x1024xf32, #tpu.memory_space<hbm>>) target(%dma_start3A_672 : memref<8x1024xf32, #tpu.memory_space<vmem>>) offsets(%dma_start3A_673 : memref<8xi32, #tpu.memory_space<vmem>>) semaphore(%dma_start3A_678 : memref<!tpu.dma_semaphore, #tpu.memory_space<semaphore_mem>>)
      } else {
      }
      %dma_wait3A_212 = arith.constant 0 : i32
      %dma_wait3A_213 = arith.constant 0 : i32
      %dma_wait3A_214 = arith.constant 0 : i32
      %dma_wait3A_215 = arith.constant 0 : i32
      %dma_wait3A_216 = tpu.memref_slice %arg7[%dma_wait3A_212, %dma_wait3A_214, %dma_wait3A_215] : memref<8x8x1024xf32, #tpu.memory_space<vmem>> -> memref<1x8x1024xf32, #tpu.memory_space<vmem>>
      %dma_wait3A_217 = tpu.memref_squeeze %dma_wait3A_216 : memref<1x8x1024xf32, #tpu.memory_space<vmem>> -> memref<8x1024xf32, #tpu.memory_space<vmem>>
      %dma_wait3A_218 = arith.constant 0 : i32
      %dma_wait3A_219 = tpu.memref_slice %arg6[%dma_wait3A_218] : memref<1024xi32, #tpu.memory_space<vmem>> -> memref<8xi32, #tpu.memory_space<vmem>>
      %dma_wait3A_220 = arith.constant 0 : i32
      %dma_wait3A_221 = arith.constant 0 : i32
      %dma_wait3A_222 = tpu.memref_slice %arg3[%dma_wait3A_220, %dma_wait3A_221] : memref<100000x1024xf32, #tpu.memory_space<hbm>> -> memref<100000x1024xf32, #tpu.memory_space<hbm>>
      %dma_wait3A_223 = tpu.memref_slice %arg9[%dma_wait3A_213] : memref<8x!tpu.dma_semaphore, #tpu.memory_space<semaphore_mem>> -> memref<1x!tpu.dma_semaphore, #tpu.memory_space<semaphore_mem>>
      %dma_wait3A_224 = tpu.memref_squeeze %dma_wait3A_223 : memref<1x!tpu.dma_semaphore, #tpu.memory_space<semaphore_mem>> -> memref<!tpu.dma_semaphore, #tpu.memory_space<semaphore_mem>>
      tpu.wait_indirect_dma semaphore(%dma_wait3A_224 : memref<!tpu.dma_semaphore, #tpu.memory_space<semaphore_mem>>) src(%dma_wait3A_222 : memref<100000x1024xf32, #tpu.memory_space<hbm>>) dst(%dma_wait3A_217 : memref<8x1024xf32, #tpu.memory_space<vmem>>)
      %scan3A_225 = arith.constant 0 : i32
      %scan3A_226 = arith.constant 8 : i32
      %scan3A_227 = arith.addi %scan3A_225, %scan3A_226 : i32
      %scan3A_228 = arith.constant 1 : i32
      scf.for %scan3A_661 = %scan3A_225 to %scan3A_227 step %scan3A_228  : i32 {
        %mul3A_662 = arith.constant 1 : i32
        %mul3A_663 = arith.muli %scan3A_661, %mul3A_662 : i32
        %add3A_664 = arith.constant 0 : i32
        %add3A_665 = arith.addi %add3A_664, %mul3A_663 : i32
        %parallel_loop3A = arith.constant 0 : i32
        %parallel_loop3A_666 = arith.constant 32 : i32
        %parallel_loop3A_667 = arith.constant 1 : i32
        %parallel_loop3A_668 = arith.constant 0 : i32
        %parallel_loop3A_669 = arith.constant 0 : i32
        scf.for %parallel_loop3A_670 = %parallel_loop3A to %parallel_loop3A_666 step %parallel_loop3A_667  : i32 {
          %parallel_loop3A_671 = arith.constant 2 : i32
          %parallel_loop3A_672 = arith.muli %parallel_loop3A_670, %parallel_loop3A_671 : i32
          %parallel_loop3A_673 = arith.constant 16 : i32
          %parallel_loop3A_674 = arith.muli %parallel_loop3A_672, %parallel_loop3A_673 : i32
          %parallel_loop3A_675 = arith.constant 16 : i32
          %parallel_loop3A_676 = arith.muli %parallel_loop3A_670, %parallel_loop3A_675 : i32
          %parallel_loop3A_677 = arith.constant 0 : i32
          %parallel_loop3A_678 = arith.constant 0 : i32
          %parallel_loop3A_679 = tpu.memref_slice %arg8[%parallel_loop3A_668, %parallel_loop3A_677, %parallel_loop3A_678] : memref<2x8x512xi32, #tpu.memory_space<vmem>> -> memref<1x8x512xi32, #tpu.memory_space<vmem>>
          %parallel_loop3A_680 = tpu.memref_squeeze %parallel_loop3A_679 : memref<1x8x512xi32, #tpu.memory_space<vmem>> -> memref<8x512xi32, #tpu.memory_space<vmem>>
          %parallel_loop3A_681 = arith.constant 0 : i32
          %parallel_loop3A_682 = tpu.memref_slice %parallel_loop3A_680[%add3A_665, %parallel_loop3A_681] : memref<8x512xi32, #tpu.memory_space<vmem>> -> memref<1x512xi32, #tpu.memory_space<vmem>>
          %parallel_loop3A_683 = tpu.memref_squeeze %parallel_loop3A_682 : memref<1x512xi32, #tpu.memory_space<vmem>> -> memref<512xi32, #tpu.memory_space<vmem>>
          %parallel_loop3A_684 = arith.index_cast %parallel_loop3A_676 : i32 to index
          %parallel_loop3A_685 = tpu.vector_load %parallel_loop3A_683[%parallel_loop3A_684] {strides = array<i32>} : memref<512xi32, #tpu.memory_space<vmem>>, vector<16xi32>,
          %parallel_loop3A_686 = vector.shape_cast %parallel_loop3A_685 : vector<16xi32> to vector<16xi32>
          %parallel_loop3A_687 = arith.constant 16 : i32
          %parallel_loop3A_688 = vector.broadcast %parallel_loop3A_687 : i32 to vector<16xi32>
          %parallel_loop3A_689 = arith.shli %parallel_loop3A_686, %parallel_loop3A_688 : vector<16xi32>
          %parallel_loop3A_690 = tpu.bitcast %parallel_loop3A_689 : vector<16xi32> -> vector<16xf32>
          %parallel_loop3A_691 = arith.constant -65536 : i32
          %parallel_loop3A_692 = vector.broadcast %parallel_loop3A_691 : i32 to vector<16xi32>
          %parallel_loop3A_693 = arith.andi %parallel_loop3A_686, %parallel_loop3A_692 : vector<16xi32>
          %parallel_loop3A_694 = tpu.bitcast %parallel_loop3A_693 : vector<16xi32> -> vector<16xf32>
          %parallel_loop3A_695 = arith.constant 16 : i32
          %parallel_loop3A_696 = arith.addi %parallel_loop3A_674, %parallel_loop3A_695 : i32
          %parallel_loop3A_697 = arith.constant 0 : i32
          %parallel_loop3A_698 = arith.constant 0 : i32
          %parallel_loop3A_699 = tpu.memref_slice %arg7[%parallel_loop3A_669, %parallel_loop3A_697, %parallel_loop3A_698] : memref<8x8x1024xf32, #tpu.memory_space<vmem>> -> memref<1x8x1024xf32, #tpu.memory_space<vmem>>
          %parallel_loop3A_700 = tpu.memref_squeeze %parallel_loop3A_699 : memref<1x8x1024xf32, #tpu.memory_space<vmem>> -> memref<8x1024xf32, #tpu.memory_space<vmem>>
          %parallel_loop3A_701 = arith.constant 0 : i32
          %parallel_loop3A_702 = tpu.memref_slice %parallel_loop3A_700[%add3A_665, %parallel_loop3A_701] : memref<8x1024xf32, #tpu.memory_space<vmem>> -> memref<1x1024xf32, #tpu.memory_space<vmem>>
          %parallel_loop3A_703 = tpu.memref_squeeze %parallel_loop3A_702 : memref<1x1024xf32, #tpu.memory_space<vmem>> -> memref<1024xf32, #tpu.memory_space<vmem>>
          %parallel_loop3A_704 = arith.index_cast %parallel_loop3A_674 : i32 to index
          %parallel_loop3A_705 = tpu.vector_load %parallel_loop3A_703[%parallel_loop3A_704] {strides = array<i32>} : memref<1024xf32, #tpu.memory_space<vmem>>, vector<16xf32>,
          %parallel_loop3A_706 = vector.shape_cast %parallel_loop3A_705 : vector<16xf32> to vector<16xf32>
          %parallel_loop3A_707 = arith.constant 3.200000e+01 : f32
          %parallel_loop3A_708 = vector.broadcast %parallel_loop3A_707 : f32 to vector<16xf32>
          %parallel_loop3A_709 = arith.mulf %parallel_loop3A_706, %parallel_loop3A_708 : vector<16xf32>
          %parallel_loop3A_710 = arith.addf %parallel_loop3A_709, %parallel_loop3A_690 : vector<16xf32>
          %parallel_loop3A_711 = arith.constant 0 : i32
          %parallel_loop3A_712 = arith.constant 0 : i32
          %parallel_loop3A_713 = tpu.memref_slice %arg7[%parallel_loop3A_669, %parallel_loop3A_711, %parallel_loop3A_712] : memref<8x8x1024xf32, #tpu.memory_space<vmem>> -> memref<1x8x1024xf32, #tpu.memory_space<vmem>>
          %parallel_loop3A_714 = tpu.memref_squeeze %parallel_loop3A_713 : memref<1x8x1024xf32, #tpu.memory_space<vmem>> -> memref<8x1024xf32, #tpu.memory_space<vmem>>
          %parallel_loop3A_715 = arith.constant 0 : i32
          %parallel_loop3A_716 = tpu.memref_slice %parallel_loop3A_714[%add3A_665, %parallel_loop3A_715] : memref<8x1024xf32, #tpu.memory_space<vmem>> -> memref<1x1024xf32, #tpu.memory_space<vmem>>
          %parallel_loop3A_717 = tpu.memref_squeeze %parallel_loop3A_716 : memref<1x1024xf32, #tpu.memory_space<vmem>> -> memref<1024xf32, #tpu.memory_space<vmem>>
          %parallel_loop3A_718 = arith.index_cast %parallel_loop3A_674 : i32 to index
          %parallel_loop3A_719 = tpu.vector_load %parallel_loop3A_717[%parallel_loop3A_718] {strides = array<i32>} : memref<1024xf32, #tpu.memory_space<vmem>>, vector<16xf32>,
          %parallel_loop3A_720 = vector.shape_cast %parallel_loop3A_719 : vector<16xf32> to vector<16xf32>
          %parallel_loop3A_721 = vector.shape_cast %parallel_loop3A_710 : vector<16xf32> to vector<16xf32>
          tpu.vector_store %parallel_loop3A_717[%parallel_loop3A_718], %parallel_loop3A_721 {strides = array<i32>} : memref<1024xf32, #tpu.memory_space<vmem>>, vector<16xf32>,
          %parallel_loop3A_722 = arith.constant 0 : i32
          %parallel_loop3A_723 = arith.constant 0 : i32
          %parallel_loop3A_724 = tpu.memref_slice %arg7[%parallel_loop3A_669, %parallel_loop3A_722, %parallel_loop3A_723] : memref<8x8x1024xf32, #tpu.memory_space<vmem>> -> memref<1x8x1024xf32, #tpu.memory_space<vmem>>
          %parallel_loop3A_725 = tpu.memref_squeeze %parallel_loop3A_724 : memref<1x8x1024xf32, #tpu.memory_space<vmem>> -> memref<8x1024xf32, #tpu.memory_space<vmem>>
          %parallel_loop3A_726 = arith.constant 0 : i32
          %parallel_loop3A_727 = tpu.memref_slice %parallel_loop3A_725[%add3A_665, %parallel_loop3A_726] : memref<8x1024xf32, #tpu.memory_space<vmem>> -> memref<1x1024xf32, #tpu.memory_space<vmem>>
          %parallel_loop3A_728 = tpu.memref_squeeze %parallel_loop3A_727 : memref<1x1024xf32, #tpu.memory_space<vmem>> -> memref<1024xf32, #tpu.memory_space<vmem>>
          %parallel_loop3A_729 = arith.index_cast %parallel_loop3A_696 : i32 to index
          %parallel_loop3A_730 = tpu.vector_load %parallel_loop3A_728[%parallel_loop3A_729] {strides = array<i32>} : memref<1024xf32, #tpu.memory_space<vmem>>, vector<16xf32>,
          %parallel_loop3A_731 = vector.shape_cast %parallel_loop3A_730 : vector<16xf32> to vector<16xf32>
          %parallel_loop3A_732 = arith.constant 3.200000e+01 : f32
          %parallel_loop3A_733 = vector.broadcast %parallel_loop3A_732 : f32 to vector<16xf32>
          %parallel_loop3A_734 = arith.mulf %parallel_loop3A_731, %parallel_loop3A_733 : vector<16xf32>
          %parallel_loop3A_735 = arith.addf %parallel_loop3A_734, %parallel_loop3A_694 : vector<16xf32>
          %parallel_loop3A_736 = arith.constant 0 : i32
          %parallel_loop3A_737 = arith.constant 0 : i32
          %parallel_loop3A_738 = tpu.memref_slice %arg7[%parallel_loop3A_669, %parallel_loop3A_736, %parallel_loop3A_737] : memref<8x8x1024xf32, #tpu.memory_space<vmem>> -> memref<1x8x1024xf32, #tpu.memory_space<vmem>>
          %parallel_loop3A_739 = tpu.memref_squeeze %parallel_loop3A_738 : memref<1x8x1024xf32, #tpu.memory_space<vmem>> -> memref<8x1024xf32, #tpu.memory_space<vmem>>
          %parallel_loop3A_740 = arith.constant 0 : i32
          %parallel_loop3A_741 = tpu.memref_slice %parallel_loop3A_739[%add3A_665, %parallel_loop3A_740] : memref<8x1024xf32, #tpu.memory_space<vmem>> -> memref<1x1024xf32, #tpu.memory_space<vmem>>
          %parallel_loop3A_742 = tpu.memref_squeeze %parallel_loop3A_741 : memref<1x1024xf32, #tpu.memory_space<vmem>> -> memref<1024xf32, #tpu.memory_space<vmem>>
          %parallel_loop3A_743 = arith.index_cast %parallel_loop3A_696 : i32 to index
          %parallel_loop3A_744 = tpu.vector_load %parallel_loop3A_742[%parallel_loop3A_743] {strides = array<i32>} : memref<1024xf32, #tpu.memory_space<vmem>>, vector<16xf32>,
          %parallel_loop3A_745 = vector.shape_cast %parallel_loop3A_744 : vector<16xf32> to vector<16xf32>
          %parallel_loop3A_746 = vector.shape_cast %parallel_loop3A_735 : vector<16xf32> to vector<16xf32>
          tpu.vector_store %parallel_loop3A_742[%parallel_loop3A_743], %parallel_loop3A_746 {strides = array<i32>} : memref<1024xf32, #tpu.memory_space<vmem>>, vector<16xf32>,
        } {sc.loop_unroll_factor = 4 : i64, sc.parallel_access}
      }
      %scan3A_229 = arith.constant 8 : i32
      %add3A_230 = arith.constant 0 : i32
      %add3A_231 = arith.addi %add3A_230, %mul3A_2 : i32
      %mul3A_232 = arith.constant 8 : i32
      %mul3A_233 = arith.muli %add3A_164, %mul3A_232 : i32
      %add3A_234 = arith.addi %add3A_231, %mul3A_233 : i32
      %dma_start3A_235 = arith.constant 0 : i32
      %dma_start3A_236 = arith.constant 0 : i32
      %dma_start3A_237 = arith.constant 0 : i32
      %dma_start3A_238 = arith.constant 0 : i32
      %dma_start3A_239 = tpu.memref_slice %arg7[%dma_start3A_235, %dma_start3A_237, %dma_start3A_238] : memref<8x8x1024xf32, #tpu.memory_space<vmem>> -> memref<1x8x1024xf32, #tpu.memory_space<vmem>>
      %dma_start3A_240 = tpu.memref_squeeze %dma_start3A_239 : memref<1x8x1024xf32, #tpu.memory_space<vmem>> -> memref<8x1024xf32, #tpu.memory_space<vmem>>
      %dma_start3A_241 = arith.constant 0 : i32
      %dma_start3A_242 = tpu.memref_slice %arg5[%add3A_234, %dma_start3A_241] : memref<32768x1024xf32, #tpu.memory_space<hbm>> -> memref<8x1024xf32, #tpu.memory_space<hbm>>
      %dma_start3A_243 = tpu.memref_slice %arg11[%dma_start3A_236] : memref<8x!tpu.dma_semaphore, #tpu.memory_space<semaphore_mem>> -> memref<1x!tpu.dma_semaphore, #tpu.memory_space<semaphore_mem>>
      %dma_start3A_244 = tpu.memref_squeeze %dma_start3A_243 : memref<1x!tpu.dma_semaphore, #tpu.memory_space<semaphore_mem>> -> memref<!tpu.dma_semaphore, #tpu.memory_space<semaphore_mem>>
      %dma_start3A_245 = arith.constant 0 : i32
      %dma_start3A_246 = tpu.memref_slice %arg5[%add3A_234, %dma_start3A_245] : memref<32768x1024xf32, #tpu.memory_space<hbm>> -> memref<8x1024xf32, #tpu.memory_space<hbm>>
      %dma_start3A_247 = arith.constant 0 : i32
      %dma_start3A_248 = arith.constant 0 : i32
      %dma_start3A_249 = tpu.memref_slice %arg7[%dma_start3A_235, %dma_start3A_247, %dma_start3A_248] : memref<8x8x1024xf32, #tpu.memory_space<vmem>> -> memref<1x8x1024xf32, #tpu.memory_space<vmem>>
      %dma_start3A_250 = tpu.memref_squeeze %dma_start3A_249 : memref<1x8x1024xf32, #tpu.memory_space<vmem>> -> memref<8x1024xf32, #tpu.memory_space<vmem>>
      tpu.enqueue_dma source(%dma_start3A_250 : memref<8x1024xf32, #tpu.memory_space<vmem>>) target(%dma_start3A_246 : memref<8x1024xf32, #tpu.memory_space<hbm>>) target_semaphore(%dma_start3A_244 : memref<!tpu.dma_semaphore, #tpu.memory_space<semaphore_mem>>)
      %add3A_251 = arith.constant 1 : i32
      %add3A_252 = arith.addi %add3A_159, %add3A_251 : i32
      %add3A_253 = arith.constant 0 : i32
      %add3A_254 = arith.addi %shift_right_arithmetic3A_160, %add3A_253 : i32
      %ge3A_255 = arith.constant 4 : i32
      %ge3A_256 = arith.cmpi sge, %add3A_252, %ge3A_255 : i32
      %convert_element_type3A_257 = arith.extui %ge3A_256 : i1 to i32
      %cond3A_258 = arith.constant 0 : i32
      %cond3A_259 = arith.cmpi ne, %convert_element_type3A_257, %cond3A_258 : i32
      scf.if %cond3A_259 {
        %dma_wait3A_661 = arith.constant 5 : i32
        %dma_wait3A_662 = arith.constant 5 : i32
        %dma_wait3A_663 = arith.constant 0 : i32
        %dma_wait3A_664 = arith.constant 0 : i32
        %dma_wait3A_665 = tpu.memref_slice %arg7[%dma_wait3A_661, %dma_wait3A_663, %dma_wait3A_664] : memref<8x8x1024xf32, #tpu.memory_space<vmem>> -> memref<1x8x1024xf32, #tpu.memory_space<vmem>>
        %dma_wait3A_666 = tpu.memref_squeeze %dma_wait3A_665 : memref<1x8x1024xf32, #tpu.memory_space<vmem>> -> memref<8x1024xf32, #tpu.memory_space<vmem>>
        %dma_wait3A_667 = arith.constant 0 : i32
        %dma_wait3A_668 = arith.constant 0 : i32
        %dma_wait3A_669 = tpu.memref_slice %arg5[%dma_wait3A_667, %dma_wait3A_668] : memref<32768x1024xf32, #tpu.memory_space<hbm>> -> memref<8x1024xf32, #tpu.memory_space<hbm>>
        %dma_wait3A_670 = tpu.memref_slice %arg11[%dma_wait3A_662] : memref<8x!tpu.dma_semaphore, #tpu.memory_space<semaphore_mem>> -> memref<1x!tpu.dma_semaphore, #tpu.memory_space<semaphore_mem>>
        %dma_wait3A_671 = tpu.memref_squeeze %dma_wait3A_670 : memref<1x!tpu.dma_semaphore, #tpu.memory_space<semaphore_mem>> -> memref<!tpu.dma_semaphore, #tpu.memory_space<semaphore_mem>>
        %dma_wait3A_672 = arith.constant 0 : i32
        %dma_wait3A_673 = arith.constant 0 : i32
        %dma_wait3A_674 = tpu.memref_slice %arg5[%dma_wait3A_672, %dma_wait3A_673] : memref<32768x1024xf32, #tpu.memory_space<hbm>> -> memref<8x1024xf32, #tpu.memory_space<hbm>>
        %dma_wait3A_675 = arith.constant 0 : i32
        %dma_wait3A_676 = arith.constant 0 : i32
        %dma_wait3A_677 = tpu.memref_slice %arg7[%dma_wait3A_661, %dma_wait3A_675, %dma_wait3A_676] : memref<8x8x1024xf32, #tpu.memory_space<vmem>> -> memref<1x8x1024xf32, #tpu.memory_space<vmem>>
        %dma_wait3A_678 = tpu.memref_squeeze %dma_wait3A_677 : memref<1x8x1024xf32, #tpu.memory_space<vmem>> -> memref<8x1024xf32, #tpu.memory_space<vmem>>
        tpu.wait_dma2 semaphore(%dma_wait3A_671 : memref<!tpu.dma_semaphore, #tpu.memory_space<semaphore_mem>>) src(%dma_wait3A_678 : memref<8x1024xf32, #tpu.memory_space<vmem>>) dst(%dma_wait3A_674 : memref<8x1024xf32, #tpu.memory_space<hbm>>)
      } else {
      }
      %add3A_260 = arith.constant 4 : i32
      %add3A_261 = arith.addi %add3A_252, %add3A_260 : i32
      %lt3A_262 = arith.constant 128 : i32
      %lt3A_263 = arith.cmpi slt, %add3A_261, %lt3A_262 : i32
      %convert_element_type3A_264 = arith.extui %lt3A_263 : i1 to i32
      %cond3A_265 = arith.constant 0 : i32
      %cond3A_266 = arith.cmpi ne, %convert_element_type3A_264, %cond3A_265 : i32
      scf.if %cond3A_266 {
        %add3A_661 = arith.constant 1 : i32
        %add3A_662 = arith.addi %add3A_254, %add3A_661 : i32
        %mul3A_663 = arith.constant 8 : i32
        %mul3A_664 = arith.muli %add3A_662, %mul3A_663 : i32
        %add3A_665 = arith.constant 256 : i32
        %add3A_666 = arith.addi %add3A_665, %mul3A_664 : i32
        %dma_start3A_667 = arith.constant 5 : i32
        %dma_start3A_668 = arith.constant 5 : i32
        %dma_start3A_669 = arith.constant 0 : i32
        %dma_start3A_670 = arith.constant 0 : i32
        %dma_start3A_671 = tpu.memref_slice %arg7[%dma_start3A_667, %dma_start3A_669, %dma_start3A_670] : memref<8x8x1024xf32, #tpu.memory_space<vmem>> -> memref<1x8x1024xf32, #tpu.memory_space<vmem>>
        %dma_start3A_672 = tpu.memref_squeeze %dma_start3A_671 : memref<1x8x1024xf32, #tpu.memory_space<vmem>> -> memref<8x1024xf32, #tpu.memory_space<vmem>>
        %dma_start3A_673 = tpu.memref_slice %arg6[%add3A_666] : memref<1024xi32, #tpu.memory_space<vmem>> -> memref<8xi32, #tpu.memory_space<vmem>>
        %dma_start3A_674 = arith.constant 0 : i32
        %dma_start3A_675 = arith.constant 0 : i32
        %dma_start3A_676 = tpu.memref_slice %arg3[%dma_start3A_674, %dma_start3A_675] : memref<100000x1024xf32, #tpu.memory_space<hbm>> -> memref<100000x1024xf32, #tpu.memory_space<hbm>>
        %dma_start3A_677 = tpu.memref_slice %arg9[%dma_start3A_668] : memref<8x!tpu.dma_semaphore, #tpu.memory_space<semaphore_mem>> -> memref<1x!tpu.dma_semaphore, #tpu.memory_space<semaphore_mem>>
        %dma_start3A_678 = tpu.memref_squeeze %dma_start3A_677 : memref<1x!tpu.dma_semaphore, #tpu.memory_space<semaphore_mem>> -> memref<!tpu.dma_semaphore, #tpu.memory_space<semaphore_mem>>
        tpu.enqueue_indirect_dma source(%dma_start3A_676 : memref<100000x1024xf32, #tpu.memory_space<hbm>>) target(%dma_start3A_672 : memref<8x1024xf32, #tpu.memory_space<vmem>>) offsets(%dma_start3A_673 : memref<8xi32, #tpu.memory_space<vmem>>) semaphore(%dma_start3A_678 : memref<!tpu.dma_semaphore, #tpu.memory_space<semaphore_mem>>)
      } else {
      }
      %dma_wait3A_267 = arith.constant 1 : i32
      %dma_wait3A_268 = arith.constant 1 : i32
      %dma_wait3A_269 = arith.constant 0 : i32
      %dma_wait3A_270 = arith.constant 0 : i32
      %dma_wait3A_271 = tpu.memref_slice %arg7[%dma_wait3A_267, %dma_wait3A_269, %dma_wait3A_270] : memref<8x8x1024xf32, #tpu.memory_space<vmem>> -> memref<1x8x1024xf32, #tpu.memory_space<vmem>>
      %dma_wait3A_272 = tpu.memref_squeeze %dma_wait3A_271 : memref<1x8x1024xf32, #tpu.memory_space<vmem>> -> memref<8x1024xf32, #tpu.memory_space<vmem>>
      %dma_wait3A_273 = arith.constant 0 : i32
      %dma_wait3A_274 = tpu.memref_slice %arg6[%dma_wait3A_273] : memref<1024xi32, #tpu.memory_space<vmem>> -> memref<8xi32, #tpu.memory_space<vmem>>
      %dma_wait3A_275 = arith.constant 0 : i32
      %dma_wait3A_276 = arith.constant 0 : i32
      %dma_wait3A_277 = tpu.memref_slice %arg3[%dma_wait3A_275, %dma_wait3A_276] : memref<100000x1024xf32, #tpu.memory_space<hbm>> -> memref<100000x1024xf32, #tpu.memory_space<hbm>>
      %dma_wait3A_278 = tpu.memref_slice %arg9[%dma_wait3A_268] : memref<8x!tpu.dma_semaphore, #tpu.memory_space<semaphore_mem>> -> memref<1x!tpu.dma_semaphore, #tpu.memory_space<semaphore_mem>>
      %dma_wait3A_279 = tpu.memref_squeeze %dma_wait3A_278 : memref<1x!tpu.dma_semaphore, #tpu.memory_space<semaphore_mem>> -> memref<!tpu.dma_semaphore, #tpu.memory_space<semaphore_mem>>
      tpu.wait_indirect_dma semaphore(%dma_wait3A_279 : memref<!tpu.dma_semaphore, #tpu.memory_space<semaphore_mem>>) src(%dma_wait3A_277 : memref<100000x1024xf32, #tpu.memory_space<hbm>>) dst(%dma_wait3A_272 : memref<8x1024xf32, #tpu.memory_space<vmem>>)
      %scan3A_280 = arith.constant 0 : i32
      %scan3A_281 = arith.constant 8 : i32
      %scan3A_282 = arith.addi %scan3A_280, %scan3A_281 : i32
      %scan3A_283 = arith.constant 1 : i32
      scf.for %scan3A_661 = %scan3A_280 to %scan3A_282 step %scan3A_283  : i32 {
        %mul3A_662 = arith.constant 1 : i32
        %mul3A_663 = arith.muli %scan3A_661, %mul3A_662 : i32
        %add3A_664 = arith.constant 0 : i32
        %add3A_665 = arith.addi %add3A_664, %mul3A_663 : i32
        %parallel_loop3A = arith.constant 0 : i32
        %parallel_loop3A_666 = arith.constant 32 : i32
        %parallel_loop3A_667 = arith.constant 1 : i32
        %parallel_loop3A_668 = arith.constant 0 : i32
        %parallel_loop3A_669 = arith.constant 1 : i32
        scf.for %parallel_loop3A_670 = %parallel_loop3A to %parallel_loop3A_666 step %parallel_loop3A_667  : i32 {
          %parallel_loop3A_671 = arith.constant 2 : i32
          %parallel_loop3A_672 = arith.muli %parallel_loop3A_670, %parallel_loop3A_671 : i32
          %parallel_loop3A_673 = arith.constant 16 : i32
          %parallel_loop3A_674 = arith.muli %parallel_loop3A_672, %parallel_loop3A_673 : i32
          %parallel_loop3A_675 = arith.constant 16 : i32
          %parallel_loop3A_676 = arith.muli %parallel_loop3A_670, %parallel_loop3A_675 : i32
          %parallel_loop3A_677 = arith.constant 0 : i32
          %parallel_loop3A_678 = arith.constant 0 : i32
          %parallel_loop3A_679 = tpu.memref_slice %arg8[%parallel_loop3A_668, %parallel_loop3A_677, %parallel_loop3A_678] : memref<2x8x512xi32, #tpu.memory_space<vmem>> -> memref<1x8x512xi32, #tpu.memory_space<vmem>>
          %parallel_loop3A_680 = tpu.memref_squeeze %parallel_loop3A_679 : memref<1x8x512xi32, #tpu.memory_space<vmem>> -> memref<8x512xi32, #tpu.memory_space<vmem>>
          %parallel_loop3A_681 = arith.constant 0 : i32
          %parallel_loop3A_682 = tpu.memref_slice %parallel_loop3A_680[%add3A_665, %parallel_loop3A_681] : memref<8x512xi32, #tpu.memory_space<vmem>> -> memref<1x512xi32, #tpu.memory_space<vmem>>
          %parallel_loop3A_683 = tpu.memref_squeeze %parallel_loop3A_682 : memref<1x512xi32, #tpu.memory_space<vmem>> -> memref<512xi32, #tpu.memory_space<vmem>>
          %parallel_loop3A_684 = arith.index_cast %parallel_loop3A_676 : i32 to index
          %parallel_loop3A_685 = tpu.vector_load %parallel_loop3A_683[%parallel_loop3A_684] {strides = array<i32>} : memref<512xi32, #tpu.memory_space<vmem>>, vector<16xi32>,
          %parallel_loop3A_686 = vector.shape_cast %parallel_loop3A_685 : vector<16xi32> to vector<16xi32>
          %parallel_loop3A_687 = arith.constant 16 : i32
          %parallel_loop3A_688 = vector.broadcast %parallel_loop3A_687 : i32 to vector<16xi32>
          %parallel_loop3A_689 = arith.shli %parallel_loop3A_686, %parallel_loop3A_688 : vector<16xi32>
          %parallel_loop3A_690 = tpu.bitcast %parallel_loop3A_689 : vector<16xi32> -> vector<16xf32>
          %parallel_loop3A_691 = arith.constant -65536 : i32
          %parallel_loop3A_692 = vector.broadcast %parallel_loop3A_691 : i32 to vector<16xi32>
          %parallel_loop3A_693 = arith.andi %parallel_loop3A_686, %parallel_loop3A_692 : vector<16xi32>
          %parallel_loop3A_694 = tpu.bitcast %parallel_loop3A_693 : vector<16xi32> -> vector<16xf32>
          %parallel_loop3A_695 = arith.constant 16 : i32
          %parallel_loop3A_696 = arith.addi %parallel_loop3A_674, %parallel_loop3A_695 : i32
          %parallel_loop3A_697 = arith.constant 0 : i32
          %parallel_loop3A_698 = arith.constant 0 : i32
          %parallel_loop3A_699 = tpu.memref_slice %arg7[%parallel_loop3A_669, %parallel_loop3A_697, %parallel_loop3A_698] : memref<8x8x1024xf32, #tpu.memory_space<vmem>> -> memref<1x8x1024xf32, #tpu.memory_space<vmem>>
          %parallel_loop3A_700 = tpu.memref_squeeze %parallel_loop3A_699 : memref<1x8x1024xf32, #tpu.memory_space<vmem>> -> memref<8x1024xf32, #tpu.memory_space<vmem>>
          %parallel_loop3A_701 = arith.constant 0 : i32
          %parallel_loop3A_702 = tpu.memref_slice %parallel_loop3A_700[%add3A_665, %parallel_loop3A_701] : memref<8x1024xf32, #tpu.memory_space<vmem>> -> memref<1x1024xf32, #tpu.memory_space<vmem>>
          %parallel_loop3A_703 = tpu.memref_squeeze %parallel_loop3A_702 : memref<1x1024xf32, #tpu.memory_space<vmem>> -> memref<1024xf32, #tpu.memory_space<vmem>>
          %parallel_loop3A_704 = arith.index_cast %parallel_loop3A_674 : i32 to index
          %parallel_loop3A_705 = tpu.vector_load %parallel_loop3A_703[%parallel_loop3A_704] {strides = array<i32>} : memref<1024xf32, #tpu.memory_space<vmem>>, vector<16xf32>,
          %parallel_loop3A_706 = vector.shape_cast %parallel_loop3A_705 : vector<16xf32> to vector<16xf32>
          %parallel_loop3A_707 = arith.constant 3.200000e+01 : f32
          %parallel_loop3A_708 = vector.broadcast %parallel_loop3A_707 : f32 to vector<16xf32>
          %parallel_loop3A_709 = arith.mulf %parallel_loop3A_706, %parallel_loop3A_708 : vector<16xf32>
          %parallel_loop3A_710 = arith.addf %parallel_loop3A_709, %parallel_loop3A_690 : vector<16xf32>
          %parallel_loop3A_711 = arith.constant 0 : i32
          %parallel_loop3A_712 = arith.constant 0 : i32
          %parallel_loop3A_713 = tpu.memref_slice %arg7[%parallel_loop3A_669, %parallel_loop3A_711, %parallel_loop3A_712] : memref<8x8x1024xf32, #tpu.memory_space<vmem>> -> memref<1x8x1024xf32, #tpu.memory_space<vmem>>
          %parallel_loop3A_714 = tpu.memref_squeeze %parallel_loop3A_713 : memref<1x8x1024xf32, #tpu.memory_space<vmem>> -> memref<8x1024xf32, #tpu.memory_space<vmem>>
          %parallel_loop3A_715 = arith.constant 0 : i32
          %parallel_loop3A_716 = tpu.memref_slice %parallel_loop3A_714[%add3A_665, %parallel_loop3A_715] : memref<8x1024xf32, #tpu.memory_space<vmem>> -> memref<1x1024xf32, #tpu.memory_space<vmem>>
          %parallel_loop3A_717 = tpu.memref_squeeze %parallel_loop3A_716 : memref<1x1024xf32, #tpu.memory_space<vmem>> -> memref<1024xf32, #tpu.memory_space<vmem>>
          %parallel_loop3A_718 = arith.index_cast %parallel_loop3A_674 : i32 to index
          %parallel_loop3A_719 = tpu.vector_load %parallel_loop3A_717[%parallel_loop3A_718] {strides = array<i32>} : memref<1024xf32, #tpu.memory_space<vmem>>, vector<16xf32>,
          %parallel_loop3A_720 = vector.shape_cast %parallel_loop3A_719 : vector<16xf32> to vector<16xf32>
          %parallel_loop3A_721 = vector.shape_cast %parallel_loop3A_710 : vector<16xf32> to vector<16xf32>
          tpu.vector_store %parallel_loop3A_717[%parallel_loop3A_718], %parallel_loop3A_721 {strides = array<i32>} : memref<1024xf32, #tpu.memory_space<vmem>>, vector<16xf32>,
          %parallel_loop3A_722 = arith.constant 0 : i32
          %parallel_loop3A_723 = arith.constant 0 : i32
          %parallel_loop3A_724 = tpu.memref_slice %arg7[%parallel_loop3A_669, %parallel_loop3A_722, %parallel_loop3A_723] : memref<8x8x1024xf32, #tpu.memory_space<vmem>> -> memref<1x8x1024xf32, #tpu.memory_space<vmem>>
          %parallel_loop3A_725 = tpu.memref_squeeze %parallel_loop3A_724 : memref<1x8x1024xf32, #tpu.memory_space<vmem>> -> memref<8x1024xf32, #tpu.memory_space<vmem>>
          %parallel_loop3A_726 = arith.constant 0 : i32
          %parallel_loop3A_727 = tpu.memref_slice %parallel_loop3A_725[%add3A_665, %parallel_loop3A_726] : memref<8x1024xf32, #tpu.memory_space<vmem>> -> memref<1x1024xf32, #tpu.memory_space<vmem>>
          %parallel_loop3A_728 = tpu.memref_squeeze %parallel_loop3A_727 : memref<1x1024xf32, #tpu.memory_space<vmem>> -> memref<1024xf32, #tpu.memory_space<vmem>>
          %parallel_loop3A_729 = arith.index_cast %parallel_loop3A_696 : i32 to index
          %parallel_loop3A_730 = tpu.vector_load %parallel_loop3A_728[%parallel_loop3A_729] {strides = array<i32>} : memref<1024xf32, #tpu.memory_space<vmem>>, vector<16xf32>,
          %parallel_loop3A_731 = vector.shape_cast %parallel_loop3A_730 : vector<16xf32> to vector<16xf32>
          %parallel_loop3A_732 = arith.constant 3.200000e+01 : f32
          %parallel_loop3A_733 = vector.broadcast %parallel_loop3A_732 : f32 to vector<16xf32>
          %parallel_loop3A_734 = arith.mulf %parallel_loop3A_731, %parallel_loop3A_733 : vector<16xf32>
          %parallel_loop3A_735 = arith.addf %parallel_loop3A_734, %parallel_loop3A_694 : vector<16xf32>
          %parallel_loop3A_736 = arith.constant 0 : i32
          %parallel_loop3A_737 = arith.constant 0 : i32
          %parallel_loop3A_738 = tpu.memref_slice %arg7[%parallel_loop3A_669, %parallel_loop3A_736, %parallel_loop3A_737] : memref<8x8x1024xf32, #tpu.memory_space<vmem>> -> memref<1x8x1024xf32, #tpu.memory_space<vmem>>
          %parallel_loop3A_739 = tpu.memref_squeeze %parallel_loop3A_738 : memref<1x8x1024xf32, #tpu.memory_space<vmem>> -> memref<8x1024xf32, #tpu.memory_space<vmem>>
          %parallel_loop3A_740 = arith.constant 0 : i32
          %parallel_loop3A_741 = tpu.memref_slice %parallel_loop3A_739[%add3A_665, %parallel_loop3A_740] : memref<8x1024xf32, #tpu.memory_space<vmem>> -> memref<1x1024xf32, #tpu.memory_space<vmem>>
          %parallel_loop3A_742 = tpu.memref_squeeze %parallel_loop3A_741 : memref<1x1024xf32, #tpu.memory_space<vmem>> -> memref<1024xf32, #tpu.memory_space<vmem>>
          %parallel_loop3A_743 = arith.index_cast %parallel_loop3A_696 : i32 to index
          %parallel_loop3A_744 = tpu.vector_load %parallel_loop3A_742[%parallel_loop3A_743] {strides = array<i32>} : memref<1024xf32, #tpu.memory_space<vmem>>, vector<16xf32>,
          %parallel_loop3A_745 = vector.shape_cast %parallel_loop3A_744 : vector<16xf32> to vector<16xf32>
          %parallel_loop3A_746 = vector.shape_cast %parallel_loop3A_735 : vector<16xf32> to vector<16xf32>
          tpu.vector_store %parallel_loop3A_742[%parallel_loop3A_743], %parallel_loop3A_746 {strides = array<i32>} : memref<1024xf32, #tpu.memory_space<vmem>>, vector<16xf32>,
        } {sc.loop_unroll_factor = 4 : i64, sc.parallel_access}
      }
      %scan3A_284 = arith.constant 8 : i32
      %add3A_285 = arith.constant 8192 : i32
      %add3A_286 = arith.addi %add3A_285, %mul3A_2 : i32
      %mul3A_287 = arith.constant 8 : i32
      %mul3A_288 = arith.muli %add3A_254, %mul3A_287 : i32
      %add3A_289 = arith.addi %add3A_286, %mul3A_288 : i32
      %dma_start3A_290 = arith.constant 1 : i32
      %dma_start3A_291 = arith.constant 1 : i32
      %dma_start3A_292 = arith.constant 0 : i32
      %dma_start3A_293 = arith.constant 0 : i32
      %dma_start3A_294 = tpu.memref_slice %arg7[%dma_start3A_290, %dma_start3A_292, %dma_start3A_293] : memref<8x8x1024xf32, #tpu.memory_space<vmem>> -> memref<1x8x1024xf32, #tpu.memory_space<vmem>>
      %dma_start3A_295 = tpu.memref_squeeze %dma_start3A_294 : memref<1x8x1024xf32, #tpu.memory_space<vmem>> -> memref<8x1024xf32, #tpu.memory_space<vmem>>
      %dma_start3A_296 = arith.constant 0 : i32
      %dma_start3A_297 = tpu.memref_slice %arg5[%add3A_289, %dma_start3A_296] : memref<32768x1024xf32, #tpu.memory_space<hbm>> -> memref<8x1024xf32, #tpu.memory_space<hbm>>
      %dma_start3A_298 = tpu.memref_slice %arg11[%dma_start3A_291] : memref<8x!tpu.dma_semaphore, #tpu.memory_space<semaphore_mem>> -> memref<1x!tpu.dma_semaphore, #tpu.memory_space<semaphore_mem>>
      %dma_start3A_299 = tpu.memref_squeeze %dma_start3A_298 : memref<1x!tpu.dma_semaphore, #tpu.memory_space<semaphore_mem>> -> memref<!tpu.dma_semaphore, #tpu.memory_space<semaphore_mem>>
      %dma_start3A_300 = arith.constant 0 : i32
      %dma_start3A_301 = tpu.memref_slice %arg5[%add3A_289, %dma_start3A_300] : memref<32768x1024xf32, #tpu.memory_space<hbm>> -> memref<8x1024xf32, #tpu.memory_space<hbm>>
      %dma_start3A_302 = arith.constant 0 : i32
      %dma_start3A_303 = arith.constant 0 : i32
      %dma_start3A_304 = tpu.memref_slice %arg7[%dma_start3A_290, %dma_start3A_302, %dma_start3A_303] : memref<8x8x1024xf32, #tpu.memory_space<vmem>> -> memref<1x8x1024xf32, #tpu.memory_space<vmem>>
      %dma_start3A_305 = tpu.memref_squeeze %dma_start3A_304 : memref<1x8x1024xf32, #tpu.memory_space<vmem>> -> memref<8x1024xf32, #tpu.memory_space<vmem>>
      tpu.enqueue_dma source(%dma_start3A_305 : memref<8x1024xf32, #tpu.memory_space<vmem>>) target(%dma_start3A_301 : memref<8x1024xf32, #tpu.memory_space<hbm>>) target_semaphore(%dma_start3A_299 : memref<!tpu.dma_semaphore, #tpu.memory_space<semaphore_mem>>)
      %add3A_306 = arith.constant 2 : i32
      %add3A_307 = arith.addi %add3A_159, %add3A_306 : i32
      %add3A_308 = arith.constant 0 : i32
      %add3A_309 = arith.addi %shift_right_arithmetic3A_160, %add3A_308 : i32
      %ge3A_310 = arith.constant 4 : i32
      %ge3A_311 = arith.cmpi sge, %add3A_307, %ge3A_310 : i32
      %convert_element_type3A_312 = arith.extui %ge3A_311 : i1 to i32
      %cond3A_313 = arith.constant 0 : i32
      %cond3A_314 = arith.cmpi ne, %convert_element_type3A_312, %cond3A_313 : i32
      scf.if %cond3A_314 {
        %dma_wait3A_661 = arith.constant 6 : i32
        %dma_wait3A_662 = arith.constant 6 : i32
        %dma_wait3A_663 = arith.constant 0 : i32
        %dma_wait3A_664 = arith.constant 0 : i32
        %dma_wait3A_665 = tpu.memref_slice %arg7[%dma_wait3A_661, %dma_wait3A_663, %dma_wait3A_664] : memref<8x8x1024xf32, #tpu.memory_space<vmem>> -> memref<1x8x1024xf32, #tpu.memory_space<vmem>>
        %dma_wait3A_666 = tpu.memref_squeeze %dma_wait3A_665 : memref<1x8x1024xf32, #tpu.memory_space<vmem>> -> memref<8x1024xf32, #tpu.memory_space<vmem>>
        %dma_wait3A_667 = arith.constant 0 : i32
        %dma_wait3A_668 = arith.constant 0 : i32
        %dma_wait3A_669 = tpu.memref_slice %arg5[%dma_wait3A_667, %dma_wait3A_668] : memref<32768x1024xf32, #tpu.memory_space<hbm>> -> memref<8x1024xf32, #tpu.memory_space<hbm>>
        %dma_wait3A_670 = tpu.memref_slice %arg11[%dma_wait3A_662] : memref<8x!tpu.dma_semaphore, #tpu.memory_space<semaphore_mem>> -> memref<1x!tpu.dma_semaphore, #tpu.memory_space<semaphore_mem>>
        %dma_wait3A_671 = tpu.memref_squeeze %dma_wait3A_670 : memref<1x!tpu.dma_semaphore, #tpu.memory_space<semaphore_mem>> -> memref<!tpu.dma_semaphore, #tpu.memory_space<semaphore_mem>>
        %dma_wait3A_672 = arith.constant 0 : i32
        %dma_wait3A_673 = arith.constant 0 : i32
        %dma_wait3A_674 = tpu.memref_slice %arg5[%dma_wait3A_672, %dma_wait3A_673] : memref<32768x1024xf32, #tpu.memory_space<hbm>> -> memref<8x1024xf32, #tpu.memory_space<hbm>>
        %dma_wait3A_675 = arith.constant 0 : i32
        %dma_wait3A_676 = arith.constant 0 : i32
        %dma_wait3A_677 = tpu.memref_slice %arg7[%dma_wait3A_661, %dma_wait3A_675, %dma_wait3A_676] : memref<8x8x1024xf32, #tpu.memory_space<vmem>> -> memref<1x8x1024xf32, #tpu.memory_space<vmem>>
        %dma_wait3A_678 = tpu.memref_squeeze %dma_wait3A_677 : memref<1x8x1024xf32, #tpu.memory_space<vmem>> -> memref<8x1024xf32, #tpu.memory_space<vmem>>
        tpu.wait_dma2 semaphore(%dma_wait3A_671 : memref<!tpu.dma_semaphore, #tpu.memory_space<semaphore_mem>>) src(%dma_wait3A_678 : memref<8x1024xf32, #tpu.memory_space<vmem>>) dst(%dma_wait3A_674 : memref<8x1024xf32, #tpu.memory_space<hbm>>)
      } else {
      }
      %add3A_315 = arith.constant 4 : i32
      %add3A_316 = arith.addi %add3A_307, %add3A_315 : i32
      %lt3A_317 = arith.constant 128 : i32
      %lt3A_318 = arith.cmpi slt, %add3A_316, %lt3A_317 : i32
      %convert_element_type3A_319 = arith.extui %lt3A_318 : i1 to i32
      %cond3A_320 = arith.constant 0 : i32
      %cond3A_321 = arith.cmpi ne, %convert_element_type3A_319, %cond3A_320 : i32
      scf.if %cond3A_321 {
        %add3A_661 = arith.constant 1 : i32
        %add3A_662 = arith.addi %add3A_309, %add3A_661 : i32
        %mul3A_663 = arith.constant 8 : i32
        %mul3A_664 = arith.muli %add3A_662, %mul3A_663 : i32
        %add3A_665 = arith.constant 512 : i32
        %add3A_666 = arith.addi %add3A_665, %mul3A_664 : i32
        %dma_start3A_667 = arith.constant 6 : i32
        %dma_start3A_668 = arith.constant 6 : i32
        %dma_start3A_669 = arith.constant 0 : i32
        %dma_start3A_670 = arith.constant 0 : i32
        %dma_start3A_671 = tpu.memref_slice %arg7[%dma_start3A_667, %dma_start3A_669, %dma_start3A_670] : memref<8x8x1024xf32, #tpu.memory_space<vmem>> -> memref<1x8x1024xf32, #tpu.memory_space<vmem>>
        %dma_start3A_672 = tpu.memref_squeeze %dma_start3A_671 : memref<1x8x1024xf32, #tpu.memory_space<vmem>> -> memref<8x1024xf32, #tpu.memory_space<vmem>>
        %dma_start3A_673 = tpu.memref_slice %arg6[%add3A_666] : memref<1024xi32, #tpu.memory_space<vmem>> -> memref<8xi32, #tpu.memory_space<vmem>>
        %dma_start3A_674 = arith.constant 0 : i32
        %dma_start3A_675 = arith.constant 0 : i32
        %dma_start3A_676 = tpu.memref_slice %arg3[%dma_start3A_674, %dma_start3A_675] : memref<100000x1024xf32, #tpu.memory_space<hbm>> -> memref<100000x1024xf32, #tpu.memory_space<hbm>>
        %dma_start3A_677 = tpu.memref_slice %arg9[%dma_start3A_668] : memref<8x!tpu.dma_semaphore, #tpu.memory_space<semaphore_mem>> -> memref<1x!tpu.dma_semaphore, #tpu.memory_space<semaphore_mem>>
        %dma_start3A_678 = tpu.memref_squeeze %dma_start3A_677 : memref<1x!tpu.dma_semaphore, #tpu.memory_space<semaphore_mem>> -> memref<!tpu.dma_semaphore, #tpu.memory_space<semaphore_mem>>
        tpu.enqueue_indirect_dma source(%dma_start3A_676 : memref<100000x1024xf32, #tpu.memory_space<hbm>>) target(%dma_start3A_672 : memref<8x1024xf32, #tpu.memory_space<vmem>>) offsets(%dma_start3A_673 : memref<8xi32, #tpu.memory_space<vmem>>) semaphore(%dma_start3A_678 : memref<!tpu.dma_semaphore, #tpu.memory_space<semaphore_mem>>)
      } else {
      }
      %dma_wait3A_322 = arith.constant 2 : i32
      %dma_wait3A_323 = arith.constant 2 : i32
      %dma_wait3A_324 = arith.constant 0 : i32
      %dma_wait3A_325 = arith.constant 0 : i32
      %dma_wait3A_326 = tpu.memref_slice %arg7[%dma_wait3A_322, %dma_wait3A_324, %dma_wait3A_325] : memref<8x8x1024xf32, #tpu.memory_space<vmem>> -> memref<1x8x1024xf32, #tpu.memory_space<vmem>>
      %dma_wait3A_327 = tpu.memref_squeeze %dma_wait3A_326 : memref<1x8x1024xf32, #tpu.memory_space<vmem>> -> memref<8x1024xf32, #tpu.memory_space<vmem>>
      %dma_wait3A_328 = arith.constant 0 : i32
      %dma_wait3A_329 = tpu.memref_slice %arg6[%dma_wait3A_328] : memref<1024xi32, #tpu.memory_space<vmem>> -> memref<8xi32, #tpu.memory_space<vmem>>
      %dma_wait3A_330 = arith.constant 0 : i32
      %dma_wait3A_331 = arith.constant 0 : i32
      %dma_wait3A_332 = tpu.memref_slice %arg3[%dma_wait3A_330, %dma_wait3A_331] : memref<100000x1024xf32, #tpu.memory_space<hbm>> -> memref<100000x1024xf32, #tpu.memory_space<hbm>>
      %dma_wait3A_333 = tpu.memref_slice %arg9[%dma_wait3A_323] : memref<8x!tpu.dma_semaphore, #tpu.memory_space<semaphore_mem>> -> memref<1x!tpu.dma_semaphore, #tpu.memory_space<semaphore_mem>>
      %dma_wait3A_334 = tpu.memref_squeeze %dma_wait3A_333 : memref<1x!tpu.dma_semaphore, #tpu.memory_space<semaphore_mem>> -> memref<!tpu.dma_semaphore, #tpu.memory_space<semaphore_mem>>
      tpu.wait_indirect_dma semaphore(%dma_wait3A_334 : memref<!tpu.dma_semaphore, #tpu.memory_space<semaphore_mem>>) src(%dma_wait3A_332 : memref<100000x1024xf32, #tpu.memory_space<hbm>>) dst(%dma_wait3A_327 : memref<8x1024xf32, #tpu.memory_space<vmem>>)
      %scan3A_335 = arith.constant 0 : i32
      %scan3A_336 = arith.constant 8 : i32
      %scan3A_337 = arith.addi %scan3A_335, %scan3A_336 : i32
      %scan3A_338 = arith.constant 1 : i32
      scf.for %scan3A_661 = %scan3A_335 to %scan3A_337 step %scan3A_338  : i32 {
        %mul3A_662 = arith.constant 1 : i32
        %mul3A_663 = arith.muli %scan3A_661, %mul3A_662 : i32
        %add3A_664 = arith.constant 0 : i32
        %add3A_665 = arith.addi %add3A_664, %mul3A_663 : i32
        %parallel_loop3A = arith.constant 0 : i32
        %parallel_loop3A_666 = arith.constant 32 : i32
        %parallel_loop3A_667 = arith.constant 1 : i32
        %parallel_loop3A_668 = arith.constant 0 : i32
        %parallel_loop3A_669 = arith.constant 2 : i32
        scf.for %parallel_loop3A_670 = %parallel_loop3A to %parallel_loop3A_666 step %parallel_loop3A_667  : i32 {
          %parallel_loop3A_671 = arith.constant 2 : i32
          %parallel_loop3A_672 = arith.muli %parallel_loop3A_670, %parallel_loop3A_671 : i32
          %parallel_loop3A_673 = arith.constant 16 : i32
          %parallel_loop3A_674 = arith.muli %parallel_loop3A_672, %parallel_loop3A_673 : i32
          %parallel_loop3A_675 = arith.constant 16 : i32
          %parallel_loop3A_676 = arith.muli %parallel_loop3A_670, %parallel_loop3A_675 : i32
          %parallel_loop3A_677 = arith.constant 0 : i32
          %parallel_loop3A_678 = arith.constant 0 : i32
          %parallel_loop3A_679 = tpu.memref_slice %arg8[%parallel_loop3A_668, %parallel_loop3A_677, %parallel_loop3A_678] : memref<2x8x512xi32, #tpu.memory_space<vmem>> -> memref<1x8x512xi32, #tpu.memory_space<vmem>>
          %parallel_loop3A_680 = tpu.memref_squeeze %parallel_loop3A_679 : memref<1x8x512xi32, #tpu.memory_space<vmem>> -> memref<8x512xi32, #tpu.memory_space<vmem>>
          %parallel_loop3A_681 = arith.constant 0 : i32
          %parallel_loop3A_682 = tpu.memref_slice %parallel_loop3A_680[%add3A_665, %parallel_loop3A_681] : memref<8x512xi32, #tpu.memory_space<vmem>> -> memref<1x512xi32, #tpu.memory_space<vmem>>
          %parallel_loop3A_683 = tpu.memref_squeeze %parallel_loop3A_682 : memref<1x512xi32, #tpu.memory_space<vmem>> -> memref<512xi32, #tpu.memory_space<vmem>>
          %parallel_loop3A_684 = arith.index_cast %parallel_loop3A_676 : i32 to index
          %parallel_loop3A_685 = tpu.vector_load %parallel_loop3A_683[%parallel_loop3A_684] {strides = array<i32>} : memref<512xi32, #tpu.memory_space<vmem>>, vector<16xi32>,
          %parallel_loop3A_686 = vector.shape_cast %parallel_loop3A_685 : vector<16xi32> to vector<16xi32>
          %parallel_loop3A_687 = arith.constant 16 : i32
          %parallel_loop3A_688 = vector.broadcast %parallel_loop3A_687 : i32 to vector<16xi32>
          %parallel_loop3A_689 = arith.shli %parallel_loop3A_686, %parallel_loop3A_688 : vector<16xi32>
          %parallel_loop3A_690 = tpu.bitcast %parallel_loop3A_689 : vector<16xi32> -> vector<16xf32>
          %parallel_loop3A_691 = arith.constant -65536 : i32
          %parallel_loop3A_692 = vector.broadcast %parallel_loop3A_691 : i32 to vector<16xi32>
          %parallel_loop3A_693 = arith.andi %parallel_loop3A_686, %parallel_loop3A_692 : vector<16xi32>
          %parallel_loop3A_694 = tpu.bitcast %parallel_loop3A_693 : vector<16xi32> -> vector<16xf32>
          %parallel_loop3A_695 = arith.constant 16 : i32
          %parallel_loop3A_696 = arith.addi %parallel_loop3A_674, %parallel_loop3A_695 : i32
          %parallel_loop3A_697 = arith.constant 0 : i32
          %parallel_loop3A_698 = arith.constant 0 : i32
          %parallel_loop3A_699 = tpu.memref_slice %arg7[%parallel_loop3A_669, %parallel_loop3A_697, %parallel_loop3A_698] : memref<8x8x1024xf32, #tpu.memory_space<vmem>> -> memref<1x8x1024xf32, #tpu.memory_space<vmem>>
          %parallel_loop3A_700 = tpu.memref_squeeze %parallel_loop3A_699 : memref<1x8x1024xf32, #tpu.memory_space<vmem>> -> memref<8x1024xf32, #tpu.memory_space<vmem>>
          %parallel_loop3A_701 = arith.constant 0 : i32
          %parallel_loop3A_702 = tpu.memref_slice %parallel_loop3A_700[%add3A_665, %parallel_loop3A_701] : memref<8x1024xf32, #tpu.memory_space<vmem>> -> memref<1x1024xf32, #tpu.memory_space<vmem>>
          %parallel_loop3A_703 = tpu.memref_squeeze %parallel_loop3A_702 : memref<1x1024xf32, #tpu.memory_space<vmem>> -> memref<1024xf32, #tpu.memory_space<vmem>>
          %parallel_loop3A_704 = arith.index_cast %parallel_loop3A_674 : i32 to index
          %parallel_loop3A_705 = tpu.vector_load %parallel_loop3A_703[%parallel_loop3A_704] {strides = array<i32>} : memref<1024xf32, #tpu.memory_space<vmem>>, vector<16xf32>,
          %parallel_loop3A_706 = vector.shape_cast %parallel_loop3A_705 : vector<16xf32> to vector<16xf32>
          %parallel_loop3A_707 = arith.constant 3.200000e+01 : f32
          %parallel_loop3A_708 = vector.broadcast %parallel_loop3A_707 : f32 to vector<16xf32>
          %parallel_loop3A_709 = arith.mulf %parallel_loop3A_706, %parallel_loop3A_708 : vector<16xf32>
          %parallel_loop3A_710 = arith.addf %parallel_loop3A_709, %parallel_loop3A_690 : vector<16xf32>
          %parallel_loop3A_711 = arith.constant 0 : i32
          %parallel_loop3A_712 = arith.constant 0 : i32
          %parallel_loop3A_713 = tpu.memref_slice %arg7[%parallel_loop3A_669, %parallel_loop3A_711, %parallel_loop3A_712] : memref<8x8x1024xf32, #tpu.memory_space<vmem>> -> memref<1x8x1024xf32, #tpu.memory_space<vmem>>
          %parallel_loop3A_714 = tpu.memref_squeeze %parallel_loop3A_713 : memref<1x8x1024xf32, #tpu.memory_space<vmem>> -> memref<8x1024xf32, #tpu.memory_space<vmem>>
          %parallel_loop3A_715 = arith.constant 0 : i32
          %parallel_loop3A_716 = tpu.memref_slice %parallel_loop3A_714[%add3A_665, %parallel_loop3A_715] : memref<8x1024xf32, #tpu.memory_space<vmem>> -> memref<1x1024xf32, #tpu.memory_space<vmem>>
          %parallel_loop3A_717 = tpu.memref_squeeze %parallel_loop3A_716 : memref<1x1024xf32, #tpu.memory_space<vmem>> -> memref<1024xf32, #tpu.memory_space<vmem>>
          %parallel_loop3A_718 = arith.index_cast %parallel_loop3A_674 : i32 to index
          %parallel_loop3A_719 = tpu.vector_load %parallel_loop3A_717[%parallel_loop3A_718] {strides = array<i32>} : memref<1024xf32, #tpu.memory_space<vmem>>, vector<16xf32>,
          %parallel_loop3A_720 = vector.shape_cast %parallel_loop3A_719 : vector<16xf32> to vector<16xf32>
          %parallel_loop3A_721 = vector.shape_cast %parallel_loop3A_710 : vector<16xf32> to vector<16xf32>
          tpu.vector_store %parallel_loop3A_717[%parallel_loop3A_718], %parallel_loop3A_721 {strides = array<i32>} : memref<1024xf32, #tpu.memory_space<vmem>>, vector<16xf32>,
          %parallel_loop3A_722 = arith.constant 0 : i32
          %parallel_loop3A_723 = arith.constant 0 : i32
          %parallel_loop3A_724 = tpu.memref_slice %arg7[%parallel_loop3A_669, %parallel_loop3A_722, %parallel_loop3A_723] : memref<8x8x1024xf32, #tpu.memory_space<vmem>> -> memref<1x8x1024xf32, #tpu.memory_space<vmem>>
          %parallel_loop3A_725 = tpu.memref_squeeze %parallel_loop3A_724 : memref<1x8x1024xf32, #tpu.memory_space<vmem>> -> memref<8x1024xf32, #tpu.memory_space<vmem>>
          %parallel_loop3A_726 = arith.constant 0 : i32
          %parallel_loop3A_727 = tpu.memref_slice %parallel_loop3A_725[%add3A_665, %parallel_loop3A_726] : memref<8x1024xf32, #tpu.memory_space<vmem>> -> memref<1x1024xf32, #tpu.memory_space<vmem>>
          %parallel_loop3A_728 = tpu.memref_squeeze %parallel_loop3A_727 : memref<1x1024xf32, #tpu.memory_space<vmem>> -> memref<1024xf32, #tpu.memory_space<vmem>>
          %parallel_loop3A_729 = arith.index_cast %parallel_loop3A_696 : i32 to index
          %parallel_loop3A_730 = tpu.vector_load %parallel_loop3A_728[%parallel_loop3A_729] {strides = array<i32>} : memref<1024xf32, #tpu.memory_space<vmem>>, vector<16xf32>,
          %parallel_loop3A_731 = vector.shape_cast %parallel_loop3A_730 : vector<16xf32> to vector<16xf32>
          %parallel_loop3A_732 = arith.constant 3.200000e+01 : f32
          %parallel_loop3A_733 = vector.broadcast %parallel_loop3A_732 : f32 to vector<16xf32>
          %parallel_loop3A_734 = arith.mulf %parallel_loop3A_731, %parallel_loop3A_733 : vector<16xf32>
          %parallel_loop3A_735 = arith.addf %parallel_loop3A_734, %parallel_loop3A_694 : vector<16xf32>
          %parallel_loop3A_736 = arith.constant 0 : i32
          %parallel_loop3A_737 = arith.constant 0 : i32
          %parallel_loop3A_738 = tpu.memref_slice %arg7[%parallel_loop3A_669, %parallel_loop3A_736, %parallel_loop3A_737] : memref<8x8x1024xf32, #tpu.memory_space<vmem>> -> memref<1x8x1024xf32, #tpu.memory_space<vmem>>
          %parallel_loop3A_739 = tpu.memref_squeeze %parallel_loop3A_738 : memref<1x8x1024xf32, #tpu.memory_space<vmem>> -> memref<8x1024xf32, #tpu.memory_space<vmem>>
          %parallel_loop3A_740 = arith.constant 0 : i32
          %parallel_loop3A_741 = tpu.memref_slice %parallel_loop3A_739[%add3A_665, %parallel_loop3A_740] : memref<8x1024xf32, #tpu.memory_space<vmem>> -> memref<1x1024xf32, #tpu.memory_space<vmem>>
          %parallel_loop3A_742 = tpu.memref_squeeze %parallel_loop3A_741 : memref<1x1024xf32, #tpu.memory_space<vmem>> -> memref<1024xf32, #tpu.memory_space<vmem>>
          %parallel_loop3A_743 = arith.index_cast %parallel_loop3A_696 : i32 to index
          %parallel_loop3A_744 = tpu.vector_load %parallel_loop3A_742[%parallel_loop3A_743] {strides = array<i32>} : memref<1024xf32, #tpu.memory_space<vmem>>, vector<16xf32>,
          %parallel_loop3A_745 = vector.shape_cast %parallel_loop3A_744 : vector<16xf32> to vector<16xf32>
          %parallel_loop3A_746 = vector.shape_cast %parallel_loop3A_735 : vector<16xf32> to vector<16xf32>
          tpu.vector_store %parallel_loop3A_742[%parallel_loop3A_743], %parallel_loop3A_746 {strides = array<i32>} : memref<1024xf32, #tpu.memory_space<vmem>>, vector<16xf32>,
        } {sc.loop_unroll_factor = 4 : i64, sc.parallel_access}
      }
      %scan3A_339 = arith.constant 8 : i32
      %add3A_340 = arith.constant 16384 : i32
      %add3A_341 = arith.addi %add3A_340, %mul3A_2 : i32
      %mul3A_342 = arith.constant 8 : i32
      %mul3A_343 = arith.muli %add3A_309, %mul3A_342 : i32
      %add3A_344 = arith.addi %add3A_341, %mul3A_343 : i32
      %dma_start3A_345 = arith.constant 2 : i32
      %dma_start3A_346 = arith.constant 2 : i32
      %dma_start3A_347 = arith.constant 0 : i32
      %dma_start3A_348 = arith.constant 0 : i32
      %dma_start3A_349 = tpu.memref_slice %arg7[%dma_start3A_345, %dma_start3A_347, %dma_start3A_348] : memref<8x8x1024xf32, #tpu.memory_space<vmem>> -> memref<1x8x1024xf32, #tpu.memory_space<vmem>>
      %dma_start3A_350 = tpu.memref_squeeze %dma_start3A_349 : memref<1x8x1024xf32, #tpu.memory_space<vmem>> -> memref<8x1024xf32, #tpu.memory_space<vmem>>
      %dma_start3A_351 = arith.constant 0 : i32
      %dma_start3A_352 = tpu.memref_slice %arg5[%add3A_344, %dma_start3A_351] : memref<32768x1024xf32, #tpu.memory_space<hbm>> -> memref<8x1024xf32, #tpu.memory_space<hbm>>
      %dma_start3A_353 = tpu.memref_slice %arg11[%dma_start3A_346] : memref<8x!tpu.dma_semaphore, #tpu.memory_space<semaphore_mem>> -> memref<1x!tpu.dma_semaphore, #tpu.memory_space<semaphore_mem>>
      %dma_start3A_354 = tpu.memref_squeeze %dma_start3A_353 : memref<1x!tpu.dma_semaphore, #tpu.memory_space<semaphore_mem>> -> memref<!tpu.dma_semaphore, #tpu.memory_space<semaphore_mem>>
      %dma_start3A_355 = arith.constant 0 : i32
      %dma_start3A_356 = tpu.memref_slice %arg5[%add3A_344, %dma_start3A_355] : memref<32768x1024xf32, #tpu.memory_space<hbm>> -> memref<8x1024xf32, #tpu.memory_space<hbm>>
      %dma_start3A_357 = arith.constant 0 : i32
      %dma_start3A_358 = arith.constant 0 : i32
      %dma_start3A_359 = tpu.memref_slice %arg7[%dma_start3A_345, %dma_start3A_357, %dma_start3A_358] : memref<8x8x1024xf32, #tpu.memory_space<vmem>> -> memref<1x8x1024xf32, #tpu.memory_space<vmem>>
      %dma_start3A_360 = tpu.memref_squeeze %dma_start3A_359 : memref<1x8x1024xf32, #tpu.memory_space<vmem>> -> memref<8x1024xf32, #tpu.memory_space<vmem>>
      tpu.enqueue_dma source(%dma_start3A_360 : memref<8x1024xf32, #tpu.memory_space<vmem>>) target(%dma_start3A_356 : memref<8x1024xf32, #tpu.memory_space<hbm>>) target_semaphore(%dma_start3A_354 : memref<!tpu.dma_semaphore, #tpu.memory_space<semaphore_mem>>)
      %add3A_361 = arith.constant 3 : i32
      %add3A_362 = arith.addi %add3A_159, %add3A_361 : i32
      %add3A_363 = arith.constant 0 : i32
      %add3A_364 = arith.addi %shift_right_arithmetic3A_160, %add3A_363 : i32
      %ge3A_365 = arith.constant 4 : i32
      %ge3A_366 = arith.cmpi sge, %add3A_362, %ge3A_365 : i32
      %convert_element_type3A_367 = arith.extui %ge3A_366 : i1 to i32
      %cond3A_368 = arith.constant 0 : i32
      %cond3A_369 = arith.cmpi ne, %convert_element_type3A_367, %cond3A_368 : i32
      scf.if %cond3A_369 {
        %dma_wait3A_661 = arith.constant 7 : i32
        %dma_wait3A_662 = arith.constant 7 : i32
        %dma_wait3A_663 = arith.constant 0 : i32
        %dma_wait3A_664 = arith.constant 0 : i32
        %dma_wait3A_665 = tpu.memref_slice %arg7[%dma_wait3A_661, %dma_wait3A_663, %dma_wait3A_664] : memref<8x8x1024xf32, #tpu.memory_space<vmem>> -> memref<1x8x1024xf32, #tpu.memory_space<vmem>>
        %dma_wait3A_666 = tpu.memref_squeeze %dma_wait3A_665 : memref<1x8x1024xf32, #tpu.memory_space<vmem>> -> memref<8x1024xf32, #tpu.memory_space<vmem>>
        %dma_wait3A_667 = arith.constant 0 : i32
        %dma_wait3A_668 = arith.constant 0 : i32
        %dma_wait3A_669 = tpu.memref_slice %arg5[%dma_wait3A_667, %dma_wait3A_668] : memref<32768x1024xf32, #tpu.memory_space<hbm>> -> memref<8x1024xf32, #tpu.memory_space<hbm>>
        %dma_wait3A_670 = tpu.memref_slice %arg11[%dma_wait3A_662] : memref<8x!tpu.dma_semaphore, #tpu.memory_space<semaphore_mem>> -> memref<1x!tpu.dma_semaphore, #tpu.memory_space<semaphore_mem>>
        %dma_wait3A_671 = tpu.memref_squeeze %dma_wait3A_670 : memref<1x!tpu.dma_semaphore, #tpu.memory_space<semaphore_mem>> -> memref<!tpu.dma_semaphore, #tpu.memory_space<semaphore_mem>>
        %dma_wait3A_672 = arith.constant 0 : i32
        %dma_wait3A_673 = arith.constant 0 : i32
        %dma_wait3A_674 = tpu.memref_slice %arg5[%dma_wait3A_672, %dma_wait3A_673] : memref<32768x1024xf32, #tpu.memory_space<hbm>> -> memref<8x1024xf32, #tpu.memory_space<hbm>>
        %dma_wait3A_675 = arith.constant 0 : i32
        %dma_wait3A_676 = arith.constant 0 : i32
        %dma_wait3A_677 = tpu.memref_slice %arg7[%dma_wait3A_661, %dma_wait3A_675, %dma_wait3A_676] : memref<8x8x1024xf32, #tpu.memory_space<vmem>> -> memref<1x8x1024xf32, #tpu.memory_space<vmem>>
        %dma_wait3A_678 = tpu.memref_squeeze %dma_wait3A_677 : memref<1x8x1024xf32, #tpu.memory_space<vmem>> -> memref<8x1024xf32, #tpu.memory_space<vmem>>
        tpu.wait_dma2 semaphore(%dma_wait3A_671 : memref<!tpu.dma_semaphore, #tpu.memory_space<semaphore_mem>>) src(%dma_wait3A_678 : memref<8x1024xf32, #tpu.memory_space<vmem>>) dst(%dma_wait3A_674 : memref<8x1024xf32, #tpu.memory_space<hbm>>)
      } else {
      }
      %add3A_370 = arith.constant 4 : i32
      %add3A_371 = arith.addi %add3A_362, %add3A_370 : i32
      %lt3A_372 = arith.constant 128 : i32
      %lt3A_373 = arith.cmpi slt, %add3A_371, %lt3A_372 : i32
      %convert_element_type3A_374 = arith.extui %lt3A_373 : i1 to i32
      %cond3A_375 = arith.constant 0 : i32
      %cond3A_376 = arith.cmpi ne, %convert_element_type3A_374, %cond3A_375 : i32
      scf.if %cond3A_376 {
        %add3A_661 = arith.constant 1 : i32
        %add3A_662 = arith.addi %add3A_364, %add3A_661 : i32
        %mul3A_663 = arith.constant 8 : i32
        %mul3A_664 = arith.muli %add3A_662, %mul3A_663 : i32
        %add3A_665 = arith.constant 768 : i32
        %add3A_666 = arith.addi %add3A_665, %mul3A_664 : i32
        %dma_start3A_667 = arith.constant 7 : i32
        %dma_start3A_668 = arith.constant 7 : i32
        %dma_start3A_669 = arith.constant 0 : i32
        %dma_start3A_670 = arith.constant 0 : i32
        %dma_start3A_671 = tpu.memref_slice %arg7[%dma_start3A_667, %dma_start3A_669, %dma_start3A_670] : memref<8x8x1024xf32, #tpu.memory_space<vmem>> -> memref<1x8x1024xf32, #tpu.memory_space<vmem>>
        %dma_start3A_672 = tpu.memref_squeeze %dma_start3A_671 : memref<1x8x1024xf32, #tpu.memory_space<vmem>> -> memref<8x1024xf32, #tpu.memory_space<vmem>>
        %dma_start3A_673 = tpu.memref_slice %arg6[%add3A_666] : memref<1024xi32, #tpu.memory_space<vmem>> -> memref<8xi32, #tpu.memory_space<vmem>>
        %dma_start3A_674 = arith.constant 0 : i32
        %dma_start3A_675 = arith.constant 0 : i32
        %dma_start3A_676 = tpu.memref_slice %arg3[%dma_start3A_674, %dma_start3A_675] : memref<100000x1024xf32, #tpu.memory_space<hbm>> -> memref<100000x1024xf32, #tpu.memory_space<hbm>>
        %dma_start3A_677 = tpu.memref_slice %arg9[%dma_start3A_668] : memref<8x!tpu.dma_semaphore, #tpu.memory_space<semaphore_mem>> -> memref<1x!tpu.dma_semaphore, #tpu.memory_space<semaphore_mem>>
        %dma_start3A_678 = tpu.memref_squeeze %dma_start3A_677 : memref<1x!tpu.dma_semaphore, #tpu.memory_space<semaphore_mem>> -> memref<!tpu.dma_semaphore, #tpu.memory_space<semaphore_mem>>
        tpu.enqueue_indirect_dma source(%dma_start3A_676 : memref<100000x1024xf32, #tpu.memory_space<hbm>>) target(%dma_start3A_672 : memref<8x1024xf32, #tpu.memory_space<vmem>>) offsets(%dma_start3A_673 : memref<8xi32, #tpu.memory_space<vmem>>) semaphore(%dma_start3A_678 : memref<!tpu.dma_semaphore, #tpu.memory_space<semaphore_mem>>)
      } else {
      }
      %dma_wait3A_377 = arith.constant 3 : i32
      %dma_wait3A_378 = arith.constant 3 : i32
      %dma_wait3A_379 = arith.constant 0 : i32
      %dma_wait3A_380 = arith.constant 0 : i32
      %dma_wait3A_381 = tpu.memref_slice %arg7[%dma_wait3A_377, %dma_wait3A_379, %dma_wait3A_380] : memref<8x8x1024xf32, #tpu.memory_space<vmem>> -> memref<1x8x1024xf32, #tpu.memory_space<vmem>>
      %dma_wait3A_382 = tpu.memref_squeeze %dma_wait3A_381 : memref<1x8x1024xf32, #tpu.memory_space<vmem>> -> memref<8x1024xf32, #tpu.memory_space<vmem>>
      %dma_wait3A_383 = arith.constant 0 : i32
      %dma_wait3A_384 = tpu.memref_slice %arg6[%dma_wait3A_383] : memref<1024xi32, #tpu.memory_space<vmem>> -> memref<8xi32, #tpu.memory_space<vmem>>
      %dma_wait3A_385 = arith.constant 0 : i32
      %dma_wait3A_386 = arith.constant 0 : i32
      %dma_wait3A_387 = tpu.memref_slice %arg3[%dma_wait3A_385, %dma_wait3A_386] : memref<100000x1024xf32, #tpu.memory_space<hbm>> -> memref<100000x1024xf32, #tpu.memory_space<hbm>>
      %dma_wait3A_388 = tpu.memref_slice %arg9[%dma_wait3A_378] : memref<8x!tpu.dma_semaphore, #tpu.memory_space<semaphore_mem>> -> memref<1x!tpu.dma_semaphore, #tpu.memory_space<semaphore_mem>>
      %dma_wait3A_389 = tpu.memref_squeeze %dma_wait3A_388 : memref<1x!tpu.dma_semaphore, #tpu.memory_space<semaphore_mem>> -> memref<!tpu.dma_semaphore, #tpu.memory_space<semaphore_mem>>
      tpu.wait_indirect_dma semaphore(%dma_wait3A_389 : memref<!tpu.dma_semaphore, #tpu.memory_space<semaphore_mem>>) src(%dma_wait3A_387 : memref<100000x1024xf32, #tpu.memory_space<hbm>>) dst(%dma_wait3A_382 : memref<8x1024xf32, #tpu.memory_space<vmem>>)
      %scan3A_390 = arith.constant 0 : i32
      %scan3A_391 = arith.constant 8 : i32
      %scan3A_392 = arith.addi %scan3A_390, %scan3A_391 : i32
      %scan3A_393 = arith.constant 1 : i32
      scf.for %scan3A_661 = %scan3A_390 to %scan3A_392 step %scan3A_393  : i32 {
        %mul3A_662 = arith.constant 1 : i32
        %mul3A_663 = arith.muli %scan3A_661, %mul3A_662 : i32
        %add3A_664 = arith.constant 0 : i32
        %add3A_665 = arith.addi %add3A_664, %mul3A_663 : i32
        %parallel_loop3A = arith.constant 0 : i32
        %parallel_loop3A_666 = arith.constant 32 : i32
        %parallel_loop3A_667 = arith.constant 1 : i32
        %parallel_loop3A_668 = arith.constant 0 : i32
        %parallel_loop3A_669 = arith.constant 3 : i32
        scf.for %parallel_loop3A_670 = %parallel_loop3A to %parallel_loop3A_666 step %parallel_loop3A_667  : i32 {
          %parallel_loop3A_671 = arith.constant 2 : i32
          %parallel_loop3A_672 = arith.muli %parallel_loop3A_670, %parallel_loop3A_671 : i32
          %parallel_loop3A_673 = arith.constant 16 : i32
          %parallel_loop3A_674 = arith.muli %parallel_loop3A_672, %parallel_loop3A_673 : i32
          %parallel_loop3A_675 = arith.constant 16 : i32
          %parallel_loop3A_676 = arith.muli %parallel_loop3A_670, %parallel_loop3A_675 : i32
          %parallel_loop3A_677 = arith.constant 0 : i32
          %parallel_loop3A_678 = arith.constant 0 : i32
          %parallel_loop3A_679 = tpu.memref_slice %arg8[%parallel_loop3A_668, %parallel_loop3A_677, %parallel_loop3A_678] : memref<2x8x512xi32, #tpu.memory_space<vmem>> -> memref<1x8x512xi32, #tpu.memory_space<vmem>>
          %parallel_loop3A_680 = tpu.memref_squeeze %parallel_loop3A_679 : memref<1x8x512xi32, #tpu.memory_space<vmem>> -> memref<8x512xi32, #tpu.memory_space<vmem>>
          %parallel_loop3A_681 = arith.constant 0 : i32
          %parallel_loop3A_682 = tpu.memref_slice %parallel_loop3A_680[%add3A_665, %parallel_loop3A_681] : memref<8x512xi32, #tpu.memory_space<vmem>> -> memref<1x512xi32, #tpu.memory_space<vmem>>
          %parallel_loop3A_683 = tpu.memref_squeeze %parallel_loop3A_682 : memref<1x512xi32, #tpu.memory_space<vmem>> -> memref<512xi32, #tpu.memory_space<vmem>>
          %parallel_loop3A_684 = arith.index_cast %parallel_loop3A_676 : i32 to index
          %parallel_loop3A_685 = tpu.vector_load %parallel_loop3A_683[%parallel_loop3A_684] {strides = array<i32>} : memref<512xi32, #tpu.memory_space<vmem>>, vector<16xi32>,
          %parallel_loop3A_686 = vector.shape_cast %parallel_loop3A_685 : vector<16xi32> to vector<16xi32>
          %parallel_loop3A_687 = arith.constant 16 : i32
          %parallel_loop3A_688 = vector.broadcast %parallel_loop3A_687 : i32 to vector<16xi32>
          %parallel_loop3A_689 = arith.shli %parallel_loop3A_686, %parallel_loop3A_688 : vector<16xi32>
          %parallel_loop3A_690 = tpu.bitcast %parallel_loop3A_689 : vector<16xi32> -> vector<16xf32>
          %parallel_loop3A_691 = arith.constant -65536 : i32
          %parallel_loop3A_692 = vector.broadcast %parallel_loop3A_691 : i32 to vector<16xi32>
          %parallel_loop3A_693 = arith.andi %parallel_loop3A_686, %parallel_loop3A_692 : vector<16xi32>
          %parallel_loop3A_694 = tpu.bitcast %parallel_loop3A_693 : vector<16xi32> -> vector<16xf32>
          %parallel_loop3A_695 = arith.constant 16 : i32
          %parallel_loop3A_696 = arith.addi %parallel_loop3A_674, %parallel_loop3A_695 : i32
          %parallel_loop3A_697 = arith.constant 0 : i32
          %parallel_loop3A_698 = arith.constant 0 : i32
          %parallel_loop3A_699 = tpu.memref_slice %arg7[%parallel_loop3A_669, %parallel_loop3A_697, %parallel_loop3A_698] : memref<8x8x1024xf32, #tpu.memory_space<vmem>> -> memref<1x8x1024xf32, #tpu.memory_space<vmem>>
          %parallel_loop3A_700 = tpu.memref_squeeze %parallel_loop3A_699 : memref<1x8x1024xf32, #tpu.memory_space<vmem>> -> memref<8x1024xf32, #tpu.memory_space<vmem>>
          %parallel_loop3A_701 = arith.constant 0 : i32
          %parallel_loop3A_702 = tpu.memref_slice %parallel_loop3A_700[%add3A_665, %parallel_loop3A_701] : memref<8x1024xf32, #tpu.memory_space<vmem>> -> memref<1x1024xf32, #tpu.memory_space<vmem>>
          %parallel_loop3A_703 = tpu.memref_squeeze %parallel_loop3A_702 : memref<1x1024xf32, #tpu.memory_space<vmem>> -> memref<1024xf32, #tpu.memory_space<vmem>>
          %parallel_loop3A_704 = arith.index_cast %parallel_loop3A_674 : i32 to index
          %parallel_loop3A_705 = tpu.vector_load %parallel_loop3A_703[%parallel_loop3A_704] {strides = array<i32>} : memref<1024xf32, #tpu.memory_space<vmem>>, vector<16xf32>,
          %parallel_loop3A_706 = vector.shape_cast %parallel_loop3A_705 : vector<16xf32> to vector<16xf32>
          %parallel_loop3A_707 = arith.constant 3.200000e+01 : f32
          %parallel_loop3A_708 = vector.broadcast %parallel_loop3A_707 : f32 to vector<16xf32>
          %parallel_loop3A_709 = arith.mulf %parallel_loop3A_706, %parallel_loop3A_708 : vector<16xf32>
          %parallel_loop3A_710 = arith.addf %parallel_loop3A_709, %parallel_loop3A_690 : vector<16xf32>
          %parallel_loop3A_711 = arith.constant 0 : i32
          %parallel_loop3A_712 = arith.constant 0 : i32
          %parallel_loop3A_713 = tpu.memref_slice %arg7[%parallel_loop3A_669, %parallel_loop3A_711, %parallel_loop3A_712] : memref<8x8x1024xf32, #tpu.memory_space<vmem>> -> memref<1x8x1024xf32, #tpu.memory_space<vmem>>
          %parallel_loop3A_714 = tpu.memref_squeeze %parallel_loop3A_713 : memref<1x8x1024xf32, #tpu.memory_space<vmem>> -> memref<8x1024xf32, #tpu.memory_space<vmem>>
          %parallel_loop3A_715 = arith.constant 0 : i32
          %parallel_loop3A_716 = tpu.memref_slice %parallel_loop3A_714[%add3A_665, %parallel_loop3A_715] : memref<8x1024xf32, #tpu.memory_space<vmem>> -> memref<1x1024xf32, #tpu.memory_space<vmem>>
          %parallel_loop3A_717 = tpu.memref_squeeze %parallel_loop3A_716 : memref<1x1024xf32, #tpu.memory_space<vmem>> -> memref<1024xf32, #tpu.memory_space<vmem>>
          %parallel_loop3A_718 = arith.index_cast %parallel_loop3A_674 : i32 to index
          %parallel_loop3A_719 = tpu.vector_load %parallel_loop3A_717[%parallel_loop3A_718] {strides = array<i32>} : memref<1024xf32, #tpu.memory_space<vmem>>, vector<16xf32>,
          %parallel_loop3A_720 = vector.shape_cast %parallel_loop3A_719 : vector<16xf32> to vector<16xf32>
          %parallel_loop3A_721 = vector.shape_cast %parallel_loop3A_710 : vector<16xf32> to vector<16xf32>
          tpu.vector_store %parallel_loop3A_717[%parallel_loop3A_718], %parallel_loop3A_721 {strides = array<i32>} : memref<1024xf32, #tpu.memory_space<vmem>>, vector<16xf32>,
          %parallel_loop3A_722 = arith.constant 0 : i32
          %parallel_loop3A_723 = arith.constant 0 : i32
          %parallel_loop3A_724 = tpu.memref_slice %arg7[%parallel_loop3A_669, %parallel_loop3A_722, %parallel_loop3A_723] : memref<8x8x1024xf32, #tpu.memory_space<vmem>> -> memref<1x8x1024xf32, #tpu.memory_space<vmem>>
          %parallel_loop3A_725 = tpu.memref_squeeze %parallel_loop3A_724 : memref<1x8x1024xf32, #tpu.memory_space<vmem>> -> memref<8x1024xf32, #tpu.memory_space<vmem>>
          %parallel_loop3A_726 = arith.constant 0 : i32
          %parallel_loop3A_727 = tpu.memref_slice %parallel_loop3A_725[%add3A_665, %parallel_loop3A_726] : memref<8x1024xf32, #tpu.memory_space<vmem>> -> memref<1x1024xf32, #tpu.memory_space<vmem>>
          %parallel_loop3A_728 = tpu.memref_squeeze %parallel_loop3A_727 : memref<1x1024xf32, #tpu.memory_space<vmem>> -> memref<1024xf32, #tpu.memory_space<vmem>>
          %parallel_loop3A_729 = arith.index_cast %parallel_loop3A_696 : i32 to index
          %parallel_loop3A_730 = tpu.vector_load %parallel_loop3A_728[%parallel_loop3A_729] {strides = array<i32>} : memref<1024xf32, #tpu.memory_space<vmem>>, vector<16xf32>,
          %parallel_loop3A_731 = vector.shape_cast %parallel_loop3A_730 : vector<16xf32> to vector<16xf32>
          %parallel_loop3A_732 = arith.constant 3.200000e+01 : f32
          %parallel_loop3A_733 = vector.broadcast %parallel_loop3A_732 : f32 to vector<16xf32>
          %parallel_loop3A_734 = arith.mulf %parallel_loop3A_731, %parallel_loop3A_733 : vector<16xf32>
          %parallel_loop3A_735 = arith.addf %parallel_loop3A_734, %parallel_loop3A_694 : vector<16xf32>
          %parallel_loop3A_736 = arith.constant 0 : i32
          %parallel_loop3A_737 = arith.constant 0 : i32
          %parallel_loop3A_738 = tpu.memref_slice %arg7[%parallel_loop3A_669, %parallel_loop3A_736, %parallel_loop3A_737] : memref<8x8x1024xf32, #tpu.memory_space<vmem>> -> memref<1x8x1024xf32, #tpu.memory_space<vmem>>
          %parallel_loop3A_739 = tpu.memref_squeeze %parallel_loop3A_738 : memref<1x8x1024xf32, #tpu.memory_space<vmem>> -> memref<8x1024xf32, #tpu.memory_space<vmem>>
          %parallel_loop3A_740 = arith.constant 0 : i32
          %parallel_loop3A_741 = tpu.memref_slice %parallel_loop3A_739[%add3A_665, %parallel_loop3A_740] : memref<8x1024xf32, #tpu.memory_space<vmem>> -> memref<1x1024xf32, #tpu.memory_space<vmem>>
          %parallel_loop3A_742 = tpu.memref_squeeze %parallel_loop3A_741 : memref<1x1024xf32, #tpu.memory_space<vmem>> -> memref<1024xf32, #tpu.memory_space<vmem>>
          %parallel_loop3A_743 = arith.index_cast %parallel_loop3A_696 : i32 to index
          %parallel_loop3A_744 = tpu.vector_load %parallel_loop3A_742[%parallel_loop3A_743] {strides = array<i32>} : memref<1024xf32, #tpu.memory_space<vmem>>, vector<16xf32>,
          %parallel_loop3A_745 = vector.shape_cast %parallel_loop3A_744 : vector<16xf32> to vector<16xf32>
          %parallel_loop3A_746 = vector.shape_cast %parallel_loop3A_735 : vector<16xf32> to vector<16xf32>
          tpu.vector_store %parallel_loop3A_742[%parallel_loop3A_743], %parallel_loop3A_746 {strides = array<i32>} : memref<1024xf32, #tpu.memory_space<vmem>>, vector<16xf32>,
        } {sc.loop_unroll_factor = 4 : i64, sc.parallel_access}
      }
      %scan3A_394 = arith.constant 8 : i32
      %add3A_395 = arith.constant 24576 : i32
      %add3A_396 = arith.addi %add3A_395, %mul3A_2 : i32
      %mul3A_397 = arith.constant 8 : i32
      %mul3A_398 = arith.muli %add3A_364, %mul3A_397 : i32
      %add3A_399 = arith.addi %add3A_396, %mul3A_398 : i32
      %dma_start3A_400 = arith.constant 3 : i32
      %dma_start3A_401 = arith.constant 3 : i32
      %dma_start3A_402 = arith.constant 0 : i32
      %dma_start3A_403 = arith.constant 0 : i32
      %dma_start3A_404 = tpu.memref_slice %arg7[%dma_start3A_400, %dma_start3A_402, %dma_start3A_403] : memref<8x8x1024xf32, #tpu.memory_space<vmem>> -> memref<1x8x1024xf32, #tpu.memory_space<vmem>>
      %dma_start3A_405 = tpu.memref_squeeze %dma_start3A_404 : memref<1x8x1024xf32, #tpu.memory_space<vmem>> -> memref<8x1024xf32, #tpu.memory_space<vmem>>
      %dma_start3A_406 = arith.constant 0 : i32
      %dma_start3A_407 = tpu.memref_slice %arg5[%add3A_399, %dma_start3A_406] : memref<32768x1024xf32, #tpu.memory_space<hbm>> -> memref<8x1024xf32, #tpu.memory_space<hbm>>
      %dma_start3A_408 = tpu.memref_slice %arg11[%dma_start3A_401] : memref<8x!tpu.dma_semaphore, #tpu.memory_space<semaphore_mem>> -> memref<1x!tpu.dma_semaphore, #tpu.memory_space<semaphore_mem>>
      %dma_start3A_409 = tpu.memref_squeeze %dma_start3A_408 : memref<1x!tpu.dma_semaphore, #tpu.memory_space<semaphore_mem>> -> memref<!tpu.dma_semaphore, #tpu.memory_space<semaphore_mem>>
      %dma_start3A_410 = arith.constant 0 : i32
      %dma_start3A_411 = tpu.memref_slice %arg5[%add3A_399, %dma_start3A_410] : memref<32768x1024xf32, #tpu.memory_space<hbm>> -> memref<8x1024xf32, #tpu.memory_space<hbm>>
      %dma_start3A_412 = arith.constant 0 : i32
      %dma_start3A_413 = arith.constant 0 : i32
      %dma_start3A_414 = tpu.memref_slice %arg7[%dma_start3A_400, %dma_start3A_412, %dma_start3A_413] : memref<8x8x1024xf32, #tpu.memory_space<vmem>> -> memref<1x8x1024xf32, #tpu.memory_space<vmem>>
      %dma_start3A_415 = tpu.memref_squeeze %dma_start3A_414 : memref<1x8x1024xf32, #tpu.memory_space<vmem>> -> memref<8x1024xf32, #tpu.memory_space<vmem>>
      tpu.enqueue_dma source(%dma_start3A_415 : memref<8x1024xf32, #tpu.memory_space<vmem>>) target(%dma_start3A_411 : memref<8x1024xf32, #tpu.memory_space<hbm>>) target_semaphore(%dma_start3A_409 : memref<!tpu.dma_semaphore, #tpu.memory_space<semaphore_mem>>)
      %add3A_416 = arith.constant 4 : i32
      %add3A_417 = arith.addi %add3A_159, %add3A_416 : i32
      %add3A_418 = arith.constant 1 : i32
      %add3A_419 = arith.addi %shift_right_arithmetic3A_160, %add3A_418 : i32
      %dma_wait3A_420 = arith.constant 1 : i32
      %dma_wait3A_421 = arith.constant 1 : i32
      %dma_wait3A_422 = arith.constant 0 : i32
      %dma_wait3A_423 = arith.constant 0 : i32
      %dma_wait3A_424 = tpu.memref_slice %arg8[%dma_wait3A_420, %dma_wait3A_422, %dma_wait3A_423] : memref<2x8x512xi32, #tpu.memory_space<vmem>> -> memref<1x8x512xi32, #tpu.memory_space<vmem>>
      %dma_wait3A_425 = tpu.memref_squeeze %dma_wait3A_424 : memref<1x8x512xi32, #tpu.memory_space<vmem>> -> memref<8x512xi32, #tpu.memory_space<vmem>>
      %dma_wait3A_426 = arith.constant 0 : i32
      %dma_wait3A_427 = arith.constant 0 : i32
      %dma_wait3A_428 = tpu.memref_slice %arg4[%dma_wait3A_426, %dma_wait3A_427] : memref<8192x512xi32, #tpu.memory_space<hbm>> -> memref<8x512xi32, #tpu.memory_space<hbm>>
      %dma_wait3A_429 = tpu.memref_slice %arg10[%dma_wait3A_421] : memref<2x!tpu.dma_semaphore, #tpu.memory_space<semaphore_mem>> -> memref<1x!tpu.dma_semaphore, #tpu.memory_space<semaphore_mem>>
      %dma_wait3A_430 = tpu.memref_squeeze %dma_wait3A_429 : memref<1x!tpu.dma_semaphore, #tpu.memory_space<semaphore_mem>> -> memref<!tpu.dma_semaphore, #tpu.memory_space<semaphore_mem>>
      %dma_wait3A_431 = arith.constant 0 : i32
      %dma_wait3A_432 = arith.constant 0 : i32
      %dma_wait3A_433 = tpu.memref_slice %arg8[%dma_wait3A_420, %dma_wait3A_431, %dma_wait3A_432] : memref<2x8x512xi32, #tpu.memory_space<vmem>> -> memref<1x8x512xi32, #tpu.memory_space<vmem>>
      %dma_wait3A_434 = tpu.memref_squeeze %dma_wait3A_433 : memref<1x8x512xi32, #tpu.memory_space<vmem>> -> memref<8x512xi32, #tpu.memory_space<vmem>>
      %dma_wait3A_435 = arith.constant 0 : i32
      %dma_wait3A_436 = arith.constant 0 : i32
      %dma_wait3A_437 = tpu.memref_slice %arg4[%dma_wait3A_435, %dma_wait3A_436] : memref<8192x512xi32, #tpu.memory_space<hbm>> -> memref<8x512xi32, #tpu.memory_space<hbm>>
      tpu.wait_dma2 semaphore(%dma_wait3A_430 : memref<!tpu.dma_semaphore, #tpu.memory_space<semaphore_mem>>) src(%dma_wait3A_437 : memref<8x512xi32, #tpu.memory_space<hbm>>) dst(%dma_wait3A_434 : memref<8x512xi32, #tpu.memory_space<vmem>>)
      %add3A_438 = arith.constant 2 : i32
      %add3A_439 = arith.addi %shift_right_arithmetic3A_160, %add3A_438 : i32
      %lt3A_440 = arith.constant 32 : i32
      %lt3A_441 = arith.cmpi slt, %add3A_439, %lt3A_440 : i32
      %convert_element_type3A_442 = arith.extui %lt3A_441 : i1 to i32
      %cond3A_443 = arith.constant 0 : i32
      %cond3A_444 = arith.cmpi ne, %convert_element_type3A_442, %cond3A_443 : i32
      scf.if %cond3A_444 {
        %add3A_661 = arith.constant 2 : i32
        %add3A_662 = arith.addi %shift_right_arithmetic3A_160, %add3A_661 : i32
        %mul3A_663 = arith.constant 8 : i32
        %mul3A_664 = arith.muli %add3A_662, %mul3A_663 : i32
        %add3A_665 = arith.addi %mul3A_2, %mul3A_664 : i32
        %dma_start3A_666 = arith.constant 0 : i32
        %dma_start3A_667 = arith.constant 0 : i32
        %dma_start3A_668 = arith.constant 0 : i32
        %dma_start3A_669 = arith.constant 0 : i32
        %dma_start3A_670 = tpu.memref_slice %arg8[%dma_start3A_666, %dma_start3A_668, %dma_start3A_669] : memref<2x8x512xi32, #tpu.memory_space<vmem>> -> memref<1x8x512xi32, #tpu.memory_space<vmem>>
        %dma_start3A_671 = tpu.memref_squeeze %dma_start3A_670 : memref<1x8x512xi32, #tpu.memory_space<vmem>> -> memref<8x512xi32, #tpu.memory_space<vmem>>
        %dma_start3A_672 = arith.constant 0 : i32
        %dma_start3A_673 = tpu.memref_slice %arg4[%add3A_665, %dma_start3A_672] : memref<8192x512xi32, #tpu.memory_space<hbm>> -> memref<8x512xi32, #tpu.memory_space<hbm>>
        %dma_start3A_674 = tpu.memref_slice %arg10[%dma_start3A_667] : memref<2x!tpu.dma_semaphore, #tpu.memory_space<semaphore_mem>> -> memref<1x!tpu.dma_semaphore, #tpu.memory_space<semaphore_mem>>
        %dma_start3A_675 = tpu.memref_squeeze %dma_start3A_674 : memref<1x!tpu.dma_semaphore, #tpu.memory_space<semaphore_mem>> -> memref<!tpu.dma_semaphore, #tpu.memory_space<semaphore_mem>>
        %dma_start3A_676 = arith.constant 0 : i32
        %dma_start3A_677 = arith.constant 0 : i32
        %dma_start3A_678 = tpu.memref_slice %arg8[%dma_start3A_666, %dma_start3A_676, %dma_start3A_677] : memref<2x8x512xi32, #tpu.memory_space<vmem>> -> memref<1x8x512xi32, #tpu.memory_space<vmem>>
        %dma_start3A_679 = tpu.memref_squeeze %dma_start3A_678 : memref<1x8x512xi32, #tpu.memory_space<vmem>> -> memref<8x512xi32, #tpu.memory_space<vmem>>
        %dma_start3A_680 = arith.constant 0 : i32
        %dma_start3A_681 = tpu.memref_slice %arg4[%add3A_665, %dma_start3A_680] : memref<8192x512xi32, #tpu.memory_space<hbm>> -> memref<8x512xi32, #tpu.memory_space<hbm>>
        tpu.enqueue_dma source(%dma_start3A_681 : memref<8x512xi32, #tpu.memory_space<hbm>>) target(%dma_start3A_679 : memref<8x512xi32, #tpu.memory_space<vmem>>) target_semaphore(%dma_start3A_675 : memref<!tpu.dma_semaphore, #tpu.memory_space<semaphore_mem>>)
      } else {
      }
      %ge3A_445 = arith.constant 4 : i32
      %ge3A_446 = arith.cmpi sge, %add3A_417, %ge3A_445 : i32
      %convert_element_type3A_447 = arith.extui %ge3A_446 : i1 to i32
      %cond3A_448 = arith.constant 0 : i32
      %cond3A_449 = arith.cmpi ne, %convert_element_type3A_447, %cond3A_448 : i32
      scf.if %cond3A_449 {
        %dma_wait3A_661 = arith.constant 0 : i32
        %dma_wait3A_662 = arith.constant 0 : i32
        %dma_wait3A_663 = arith.constant 0 : i32
        %dma_wait3A_664 = arith.constant 0 : i32
        %dma_wait3A_665 = tpu.memref_slice %arg7[%dma_wait3A_661, %dma_wait3A_663, %dma_wait3A_664] : memref<8x8x1024xf32, #tpu.memory_space<vmem>> -> memref<1x8x1024xf32, #tpu.memory_space<vmem>>
        %dma_wait3A_666 = tpu.memref_squeeze %dma_wait3A_665 : memref<1x8x1024xf32, #tpu.memory_space<vmem>> -> memref<8x1024xf32, #tpu.memory_space<vmem>>
        %dma_wait3A_667 = arith.constant 0 : i32
        %dma_wait3A_668 = arith.constant 0 : i32
        %dma_wait3A_669 = tpu.memref_slice %arg5[%dma_wait3A_667, %dma_wait3A_668] : memref<32768x1024xf32, #tpu.memory_space<hbm>> -> memref<8x1024xf32, #tpu.memory_space<hbm>>
        %dma_wait3A_670 = tpu.memref_slice %arg11[%dma_wait3A_662] : memref<8x!tpu.dma_semaphore, #tpu.memory_space<semaphore_mem>> -> memref<1x!tpu.dma_semaphore, #tpu.memory_space<semaphore_mem>>
        %dma_wait3A_671 = tpu.memref_squeeze %dma_wait3A_670 : memref<1x!tpu.dma_semaphore, #tpu.memory_space<semaphore_mem>> -> memref<!tpu.dma_semaphore, #tpu.memory_space<semaphore_mem>>
        %dma_wait3A_672 = arith.constant 0 : i32
        %dma_wait3A_673 = arith.constant 0 : i32
        %dma_wait3A_674 = tpu.memref_slice %arg5[%dma_wait3A_672, %dma_wait3A_673] : memref<32768x1024xf32, #tpu.memory_space<hbm>> -> memref<8x1024xf32, #tpu.memory_space<hbm>>
        %dma_wait3A_675 = arith.constant 0 : i32
        %dma_wait3A_676 = arith.constant 0 : i32
        %dma_wait3A_677 = tpu.memref_slice %arg7[%dma_wait3A_661, %dma_wait3A_675, %dma_wait3A_676] : memref<8x8x1024xf32, #tpu.memory_space<vmem>> -> memref<1x8x1024xf32, #tpu.memory_space<vmem>>
        %dma_wait3A_678 = tpu.memref_squeeze %dma_wait3A_677 : memref<1x8x1024xf32, #tpu.memory_space<vmem>> -> memref<8x1024xf32, #tpu.memory_space<vmem>>
        tpu.wait_dma2 semaphore(%dma_wait3A_671 : memref<!tpu.dma_semaphore, #tpu.memory_space<semaphore_mem>>) src(%dma_wait3A_678 : memref<8x1024xf32, #tpu.memory_space<vmem>>) dst(%dma_wait3A_674 : memref<8x1024xf32, #tpu.memory_space<hbm>>)
      } else {
      }
      %add3A_450 = arith.constant 4 : i32
      %add3A_451 = arith.addi %add3A_417, %add3A_450 : i32
      %lt3A_452 = arith.constant 128 : i32
      %lt3A_453 = arith.cmpi slt, %add3A_451, %lt3A_452 : i32
      %convert_element_type3A_454 = arith.extui %lt3A_453 : i1 to i32
      %cond3A_455 = arith.constant 0 : i32
      %cond3A_456 = arith.cmpi ne, %convert_element_type3A_454, %cond3A_455 : i32
      scf.if %cond3A_456 {
        %add3A_661 = arith.constant 1 : i32
        %add3A_662 = arith.addi %add3A_419, %add3A_661 : i32
        %mul3A_663 = arith.constant 8 : i32
        %mul3A_664 = arith.muli %add3A_662, %mul3A_663 : i32
        %add3A_665 = arith.constant 0 : i32
        %add3A_666 = arith.addi %add3A_665, %mul3A_664 : i32
        %dma_start3A_667 = arith.constant 0 : i32
        %dma_start3A_668 = arith.constant 0 : i32
        %dma_start3A_669 = arith.constant 0 : i32
        %dma_start3A_670 = arith.constant 0 : i32
        %dma_start3A_671 = tpu.memref_slice %arg7[%dma_start3A_667, %dma_start3A_669, %dma_start3A_670] : memref<8x8x1024xf32, #tpu.memory_space<vmem>> -> memref<1x8x1024xf32, #tpu.memory_space<vmem>>
        %dma_start3A_672 = tpu.memref_squeeze %dma_start3A_671 : memref<1x8x1024xf32, #tpu.memory_space<vmem>> -> memref<8x1024xf32, #tpu.memory_space<vmem>>
        %dma_start3A_673 = tpu.memref_slice %arg6[%add3A_666] : memref<1024xi32, #tpu.memory_space<vmem>> -> memref<8xi32, #tpu.memory_space<vmem>>
        %dma_start3A_674 = arith.constant 0 : i32
        %dma_start3A_675 = arith.constant 0 : i32
        %dma_start3A_676 = tpu.memref_slice %arg3[%dma_start3A_674, %dma_start3A_675] : memref<100000x1024xf32, #tpu.memory_space<hbm>> -> memref<100000x1024xf32, #tpu.memory_space<hbm>>
        %dma_start3A_677 = tpu.memref_slice %arg9[%dma_start3A_668] : memref<8x!tpu.dma_semaphore, #tpu.memory_space<semaphore_mem>> -> memref<1x!tpu.dma_semaphore, #tpu.memory_space<semaphore_mem>>
        %dma_start3A_678 = tpu.memref_squeeze %dma_start3A_677 : memref<1x!tpu.dma_semaphore, #tpu.memory_space<semaphore_mem>> -> memref<!tpu.dma_semaphore, #tpu.memory_space<semaphore_mem>>
        tpu.enqueue_indirect_dma source(%dma_start3A_676 : memref<100000x1024xf32, #tpu.memory_space<hbm>>) target(%dma_start3A_672 : memref<8x1024xf32, #tpu.memory_space<vmem>>) offsets(%dma_start3A_673 : memref<8xi32, #tpu.memory_space<vmem>>) semaphore(%dma_start3A_678 : memref<!tpu.dma_semaphore, #tpu.memory_space<semaphore_mem>>)
      } else {
      }
      %dma_wait3A_457 = arith.constant 4 : i32
      %dma_wait3A_458 = arith.constant 4 : i32
      %dma_wait3A_459 = arith.constant 0 : i32
      %dma_wait3A_460 = arith.constant 0 : i32
      %dma_wait3A_461 = tpu.memref_slice %arg7[%dma_wait3A_457, %dma_wait3A_459, %dma_wait3A_460] : memref<8x8x1024xf32, #tpu.memory_space<vmem>> -> memref<1x8x1024xf32, #tpu.memory_space<vmem>>
      %dma_wait3A_462 = tpu.memref_squeeze %dma_wait3A_461 : memref<1x8x1024xf32, #tpu.memory_space<vmem>> -> memref<8x1024xf32, #tpu.memory_space<vmem>>
      %dma_wait3A_463 = arith.constant 0 : i32
      %dma_wait3A_464 = tpu.memref_slice %arg6[%dma_wait3A_463] : memref<1024xi32, #tpu.memory_space<vmem>> -> memref<8xi32, #tpu.memory_space<vmem>>
      %dma_wait3A_465 = arith.constant 0 : i32
      %dma_wait3A_466 = arith.constant 0 : i32
      %dma_wait3A_467 = tpu.memref_slice %arg3[%dma_wait3A_465, %dma_wait3A_466] : memref<100000x1024xf32, #tpu.memory_space<hbm>> -> memref<100000x1024xf32, #tpu.memory_space<hbm>>
      %dma_wait3A_468 = tpu.memref_slice %arg9[%dma_wait3A_458] : memref<8x!tpu.dma_semaphore, #tpu.memory_space<semaphore_mem>> -> memref<1x!tpu.dma_semaphore, #tpu.memory_space<semaphore_mem>>
      %dma_wait3A_469 = tpu.memref_squeeze %dma_wait3A_468 : memref<1x!tpu.dma_semaphore, #tpu.memory_space<semaphore_mem>> -> memref<!tpu.dma_semaphore, #tpu.memory_space<semaphore_mem>>
      tpu.wait_indirect_dma semaphore(%dma_wait3A_469 : memref<!tpu.dma_semaphore, #tpu.memory_space<semaphore_mem>>) src(%dma_wait3A_467 : memref<100000x1024xf32, #tpu.memory_space<hbm>>) dst(%dma_wait3A_462 : memref<8x1024xf32, #tpu.memory_space<vmem>>)
      %scan3A_470 = arith.constant 0 : i32
      %scan3A_471 = arith.constant 8 : i32
      %scan3A_472 = arith.addi %scan3A_470, %scan3A_471 : i32
      %scan3A_473 = arith.constant 1 : i32
      scf.for %scan3A_661 = %scan3A_470 to %scan3A_472 step %scan3A_473  : i32 {
        %mul3A_662 = arith.constant 1 : i32
        %mul3A_663 = arith.muli %scan3A_661, %mul3A_662 : i32
        %add3A_664 = arith.constant 0 : i32
        %add3A_665 = arith.addi %add3A_664, %mul3A_663 : i32
        %parallel_loop3A = arith.constant 0 : i32
        %parallel_loop3A_666 = arith.constant 32 : i32
        %parallel_loop3A_667 = arith.constant 1 : i32
        %parallel_loop3A_668 = arith.constant 1 : i32
        %parallel_loop3A_669 = arith.constant 4 : i32
        scf.for %parallel_loop3A_670 = %parallel_loop3A to %parallel_loop3A_666 step %parallel_loop3A_667  : i32 {
          %parallel_loop3A_671 = arith.constant 2 : i32
          %parallel_loop3A_672 = arith.muli %parallel_loop3A_670, %parallel_loop3A_671 : i32
          %parallel_loop3A_673 = arith.constant 16 : i32
          %parallel_loop3A_674 = arith.muli %parallel_loop3A_672, %parallel_loop3A_673 : i32
          %parallel_loop3A_675 = arith.constant 16 : i32
          %parallel_loop3A_676 = arith.muli %parallel_loop3A_670, %parallel_loop3A_675 : i32
          %parallel_loop3A_677 = arith.constant 0 : i32
          %parallel_loop3A_678 = arith.constant 0 : i32
          %parallel_loop3A_679 = tpu.memref_slice %arg8[%parallel_loop3A_668, %parallel_loop3A_677, %parallel_loop3A_678] : memref<2x8x512xi32, #tpu.memory_space<vmem>> -> memref<1x8x512xi32, #tpu.memory_space<vmem>>
          %parallel_loop3A_680 = tpu.memref_squeeze %parallel_loop3A_679 : memref<1x8x512xi32, #tpu.memory_space<vmem>> -> memref<8x512xi32, #tpu.memory_space<vmem>>
          %parallel_loop3A_681 = arith.constant 0 : i32
          %parallel_loop3A_682 = tpu.memref_slice %parallel_loop3A_680[%add3A_665, %parallel_loop3A_681] : memref<8x512xi32, #tpu.memory_space<vmem>> -> memref<1x512xi32, #tpu.memory_space<vmem>>
          %parallel_loop3A_683 = tpu.memref_squeeze %parallel_loop3A_682 : memref<1x512xi32, #tpu.memory_space<vmem>> -> memref<512xi32, #tpu.memory_space<vmem>>
          %parallel_loop3A_684 = arith.index_cast %parallel_loop3A_676 : i32 to index
          %parallel_loop3A_685 = tpu.vector_load %parallel_loop3A_683[%parallel_loop3A_684] {strides = array<i32>} : memref<512xi32, #tpu.memory_space<vmem>>, vector<16xi32>,
          %parallel_loop3A_686 = vector.shape_cast %parallel_loop3A_685 : vector<16xi32> to vector<16xi32>
          %parallel_loop3A_687 = arith.constant 16 : i32
          %parallel_loop3A_688 = vector.broadcast %parallel_loop3A_687 : i32 to vector<16xi32>
          %parallel_loop3A_689 = arith.shli %parallel_loop3A_686, %parallel_loop3A_688 : vector<16xi32>
          %parallel_loop3A_690 = tpu.bitcast %parallel_loop3A_689 : vector<16xi32> -> vector<16xf32>
          %parallel_loop3A_691 = arith.constant -65536 : i32
          %parallel_loop3A_692 = vector.broadcast %parallel_loop3A_691 : i32 to vector<16xi32>
          %parallel_loop3A_693 = arith.andi %parallel_loop3A_686, %parallel_loop3A_692 : vector<16xi32>
          %parallel_loop3A_694 = tpu.bitcast %parallel_loop3A_693 : vector<16xi32> -> vector<16xf32>
          %parallel_loop3A_695 = arith.constant 16 : i32
          %parallel_loop3A_696 = arith.addi %parallel_loop3A_674, %parallel_loop3A_695 : i32
          %parallel_loop3A_697 = arith.constant 0 : i32
          %parallel_loop3A_698 = arith.constant 0 : i32
          %parallel_loop3A_699 = tpu.memref_slice %arg7[%parallel_loop3A_669, %parallel_loop3A_697, %parallel_loop3A_698] : memref<8x8x1024xf32, #tpu.memory_space<vmem>> -> memref<1x8x1024xf32, #tpu.memory_space<vmem>>
          %parallel_loop3A_700 = tpu.memref_squeeze %parallel_loop3A_699 : memref<1x8x1024xf32, #tpu.memory_space<vmem>> -> memref<8x1024xf32, #tpu.memory_space<vmem>>
          %parallel_loop3A_701 = arith.constant 0 : i32
          %parallel_loop3A_702 = tpu.memref_slice %parallel_loop3A_700[%add3A_665, %parallel_loop3A_701] : memref<8x1024xf32, #tpu.memory_space<vmem>> -> memref<1x1024xf32, #tpu.memory_space<vmem>>
          %parallel_loop3A_703 = tpu.memref_squeeze %parallel_loop3A_702 : memref<1x1024xf32, #tpu.memory_space<vmem>> -> memref<1024xf32, #tpu.memory_space<vmem>>
          %parallel_loop3A_704 = arith.index_cast %parallel_loop3A_674 : i32 to index
          %parallel_loop3A_705 = tpu.vector_load %parallel_loop3A_703[%parallel_loop3A_704] {strides = array<i32>} : memref<1024xf32, #tpu.memory_space<vmem>>, vector<16xf32>,
          %parallel_loop3A_706 = vector.shape_cast %parallel_loop3A_705 : vector<16xf32> to vector<16xf32>
          %parallel_loop3A_707 = arith.constant 3.200000e+01 : f32
          %parallel_loop3A_708 = vector.broadcast %parallel_loop3A_707 : f32 to vector<16xf32>
          %parallel_loop3A_709 = arith.mulf %parallel_loop3A_706, %parallel_loop3A_708 : vector<16xf32>
          %parallel_loop3A_710 = arith.addf %parallel_loop3A_709, %parallel_loop3A_690 : vector<16xf32>
          %parallel_loop3A_711 = arith.constant 0 : i32
          %parallel_loop3A_712 = arith.constant 0 : i32
          %parallel_loop3A_713 = tpu.memref_slice %arg7[%parallel_loop3A_669, %parallel_loop3A_711, %parallel_loop3A_712] : memref<8x8x1024xf32, #tpu.memory_space<vmem>> -> memref<1x8x1024xf32, #tpu.memory_space<vmem>>
          %parallel_loop3A_714 = tpu.memref_squeeze %parallel_loop3A_713 : memref<1x8x1024xf32, #tpu.memory_space<vmem>> -> memref<8x1024xf32, #tpu.memory_space<vmem>>
          %parallel_loop3A_715 = arith.constant 0 : i32
          %parallel_loop3A_716 = tpu.memref_slice %parallel_loop3A_714[%add3A_665, %parallel_loop3A_715] : memref<8x1024xf32, #tpu.memory_space<vmem>> -> memref<1x1024xf32, #tpu.memory_space<vmem>>
          %parallel_loop3A_717 = tpu.memref_squeeze %parallel_loop3A_716 : memref<1x1024xf32, #tpu.memory_space<vmem>> -> memref<1024xf32, #tpu.memory_space<vmem>>
          %parallel_loop3A_718 = arith.index_cast %parallel_loop3A_674 : i32 to index
          %parallel_loop3A_719 = tpu.vector_load %parallel_loop3A_717[%parallel_loop3A_718] {strides = array<i32>} : memref<1024xf32, #tpu.memory_space<vmem>>, vector<16xf32>,
          %parallel_loop3A_720 = vector.shape_cast %parallel_loop3A_719 : vector<16xf32> to vector<16xf32>
          %parallel_loop3A_721 = vector.shape_cast %parallel_loop3A_710 : vector<16xf32> to vector<16xf32>
          tpu.vector_store %parallel_loop3A_717[%parallel_loop3A_718], %parallel_loop3A_721 {strides = array<i32>} : memref<1024xf32, #tpu.memory_space<vmem>>, vector<16xf32>,
          %parallel_loop3A_722 = arith.constant 0 : i32
          %parallel_loop3A_723 = arith.constant 0 : i32
          %parallel_loop3A_724 = tpu.memref_slice %arg7[%parallel_loop3A_669, %parallel_loop3A_722, %parallel_loop3A_723] : memref<8x8x1024xf32, #tpu.memory_space<vmem>> -> memref<1x8x1024xf32, #tpu.memory_space<vmem>>
          %parallel_loop3A_725 = tpu.memref_squeeze %parallel_loop3A_724 : memref<1x8x1024xf32, #tpu.memory_space<vmem>> -> memref<8x1024xf32, #tpu.memory_space<vmem>>
          %parallel_loop3A_726 = arith.constant 0 : i32
          %parallel_loop3A_727 = tpu.memref_slice %parallel_loop3A_725[%add3A_665, %parallel_loop3A_726] : memref<8x1024xf32, #tpu.memory_space<vmem>> -> memref<1x1024xf32, #tpu.memory_space<vmem>>
          %parallel_loop3A_728 = tpu.memref_squeeze %parallel_loop3A_727 : memref<1x1024xf32, #tpu.memory_space<vmem>> -> memref<1024xf32, #tpu.memory_space<vmem>>
          %parallel_loop3A_729 = arith.index_cast %parallel_loop3A_696 : i32 to index
          %parallel_loop3A_730 = tpu.vector_load %parallel_loop3A_728[%parallel_loop3A_729] {strides = array<i32>} : memref<1024xf32, #tpu.memory_space<vmem>>, vector<16xf32>,
          %parallel_loop3A_731 = vector.shape_cast %parallel_loop3A_730 : vector<16xf32> to vector<16xf32>
          %parallel_loop3A_732 = arith.constant 3.200000e+01 : f32
          %parallel_loop3A_733 = vector.broadcast %parallel_loop3A_732 : f32 to vector<16xf32>
          %parallel_loop3A_734 = arith.mulf %parallel_loop3A_731, %parallel_loop3A_733 : vector<16xf32>
          %parallel_loop3A_735 = arith.addf %parallel_loop3A_734, %parallel_loop3A_694 : vector<16xf32>
          %parallel_loop3A_736 = arith.constant 0 : i32
          %parallel_loop3A_737 = arith.constant 0 : i32
          %parallel_loop3A_738 = tpu.memref_slice %arg7[%parallel_loop3A_669, %parallel_loop3A_736, %parallel_loop3A_737] : memref<8x8x1024xf32, #tpu.memory_space<vmem>> -> memref<1x8x1024xf32, #tpu.memory_space<vmem>>
          %parallel_loop3A_739 = tpu.memref_squeeze %parallel_loop3A_738 : memref<1x8x1024xf32, #tpu.memory_space<vmem>> -> memref<8x1024xf32, #tpu.memory_space<vmem>>
          %parallel_loop3A_740 = arith.constant 0 : i32
          %parallel_loop3A_741 = tpu.memref_slice %parallel_loop3A_739[%add3A_665, %parallel_loop3A_740] : memref<8x1024xf32, #tpu.memory_space<vmem>> -> memref<1x1024xf32, #tpu.memory_space<vmem>>
          %parallel_loop3A_742 = tpu.memref_squeeze %parallel_loop3A_741 : memref<1x1024xf32, #tpu.memory_space<vmem>> -> memref<1024xf32, #tpu.memory_space<vmem>>
          %parallel_loop3A_743 = arith.index_cast %parallel_loop3A_696 : i32 to index
          %parallel_loop3A_744 = tpu.vector_load %parallel_loop3A_742[%parallel_loop3A_743] {strides = array<i32>} : memref<1024xf32, #tpu.memory_space<vmem>>, vector<16xf32>,
          %parallel_loop3A_745 = vector.shape_cast %parallel_loop3A_744 : vector<16xf32> to vector<16xf32>
          %parallel_loop3A_746 = vector.shape_cast %parallel_loop3A_735 : vector<16xf32> to vector<16xf32>
          tpu.vector_store %parallel_loop3A_742[%parallel_loop3A_743], %parallel_loop3A_746 {strides = array<i32>} : memref<1024xf32, #tpu.memory_space<vmem>>, vector<16xf32>,
        } {sc.loop_unroll_factor = 4 : i64, sc.parallel_access}
      }
      %scan3A_474 = arith.constant 8 : i32
      %add3A_475 = arith.constant 0 : i32
      %add3A_476 = arith.addi %add3A_475, %mul3A_2 : i32
      %mul3A_477 = arith.constant 8 : i32
      %mul3A_478 = arith.muli %add3A_419, %mul3A_477 : i32
      %add3A_479 = arith.addi %add3A_476, %mul3A_478 : i32
      %dma_start3A_480 = arith.constant 4 : i32
      %dma_start3A_481 = arith.constant 4 : i32
      %dma_start3A_482 = arith.constant 0 : i32
      %dma_start3A_483 = arith.constant 0 : i32
      %dma_start3A_484 = tpu.memref_slice %arg7[%dma_start3A_480, %dma_start3A_482, %dma_start3A_483] : memref<8x8x1024xf32, #tpu.memory_space<vmem>> -> memref<1x8x1024xf32, #tpu.memory_space<vmem>>
      %dma_start3A_485 = tpu.memref_squeeze %dma_start3A_484 : memref<1x8x1024xf32, #tpu.memory_space<vmem>> -> memref<8x1024xf32, #tpu.memory_space<vmem>>
      %dma_start3A_486 = arith.constant 0 : i32
      %dma_start3A_487 = tpu.memref_slice %arg5[%add3A_479, %dma_start3A_486] : memref<32768x1024xf32, #tpu.memory_space<hbm>> -> memref<8x1024xf32, #tpu.memory_space<hbm>>
      %dma_start3A_488 = tpu.memref_slice %arg11[%dma_start3A_481] : memref<8x!tpu.dma_semaphore, #tpu.memory_space<semaphore_mem>> -> memref<1x!tpu.dma_semaphore, #tpu.memory_space<semaphore_mem>>
      %dma_start3A_489 = tpu.memref_squeeze %dma_start3A_488 : memref<1x!tpu.dma_semaphore, #tpu.memory_space<semaphore_mem>> -> memref<!tpu.dma_semaphore, #tpu.memory_space<semaphore_mem>>
      %dma_start3A_490 = arith.constant 0 : i32
      %dma_start3A_491 = tpu.memref_slice %arg5[%add3A_479, %dma_start3A_490] : memref<32768x1024xf32, #tpu.memory_space<hbm>> -> memref<8x1024xf32, #tpu.memory_space<hbm>>
      %dma_start3A_492 = arith.constant 0 : i32
      %dma_start3A_493 = arith.constant 0 : i32
      %dma_start3A_494 = tpu.memref_slice %arg7[%dma_start3A_480, %dma_start3A_492, %dma_start3A_493] : memref<8x8x1024xf32, #tpu.memory_space<vmem>> -> memref<1x8x1024xf32, #tpu.memory_space<vmem>>
      %dma_start3A_495 = tpu.memref_squeeze %dma_start3A_494 : memref<1x8x1024xf32, #tpu.memory_space<vmem>> -> memref<8x1024xf32, #tpu.memory_space<vmem>>
      tpu.enqueue_dma source(%dma_start3A_495 : memref<8x1024xf32, #tpu.memory_space<vmem>>) target(%dma_start3A_491 : memref<8x1024xf32, #tpu.memory_space<hbm>>) target_semaphore(%dma_start3A_489 : memref<!tpu.dma_semaphore, #tpu.memory_space<semaphore_mem>>)
      %add3A_496 = arith.constant 5 : i32
      %add3A_497 = arith.addi %add3A_159, %add3A_496 : i32
      %add3A_498 = arith.constant 1 : i32
      %add3A_499 = arith.addi %shift_right_arithmetic3A_160, %add3A_498 : i32
      %ge3A_500 = arith.constant 4 : i32
      %ge3A_501 = arith.cmpi sge, %add3A_497, %ge3A_500 : i32
      %convert_element_type3A_502 = arith.extui %ge3A_501 : i1 to i32
      %cond3A_503 = arith.constant 0 : i32
      %cond3A_504 = arith.cmpi ne, %convert_element_type3A_502, %cond3A_503 : i32
      scf.if %cond3A_504 {
        %dma_wait3A_661 = arith.constant 1 : i32
        %dma_wait3A_662 = arith.constant 1 : i32
        %dma_wait3A_663 = arith.constant 0 : i32
        %dma_wait3A_664 = arith.constant 0 : i32
        %dma_wait3A_665 = tpu.memref_slice %arg7[%dma_wait3A_661, %dma_wait3A_663, %dma_wait3A_664] : memref<8x8x1024xf32, #tpu.memory_space<vmem>> -> memref<1x8x1024xf32, #tpu.memory_space<vmem>>
        %dma_wait3A_666 = tpu.memref_squeeze %dma_wait3A_665 : memref<1x8x1024xf32, #tpu.memory_space<vmem>> -> memref<8x1024xf32, #tpu.memory_space<vmem>>
        %dma_wait3A_667 = arith.constant 0 : i32
        %dma_wait3A_668 = arith.constant 0 : i32
        %dma_wait3A_669 = tpu.memref_slice %arg5[%dma_wait3A_667, %dma_wait3A_668] : memref<32768x1024xf32, #tpu.memory_space<hbm>> -> memref<8x1024xf32, #tpu.memory_space<hbm>>
        %dma_wait3A_670 = tpu.memref_slice %arg11[%dma_wait3A_662] : memref<8x!tpu.dma_semaphore, #tpu.memory_space<semaphore_mem>> -> memref<1x!tpu.dma_semaphore, #tpu.memory_space<semaphore_mem>>
        %dma_wait3A_671 = tpu.memref_squeeze %dma_wait3A_670 : memref<1x!tpu.dma_semaphore, #tpu.memory_space<semaphore_mem>> -> memref<!tpu.dma_semaphore, #tpu.memory_space<semaphore_mem>>
        %dma_wait3A_672 = arith.constant 0 : i32
        %dma_wait3A_673 = arith.constant 0 : i32
        %dma_wait3A_674 = tpu.memref_slice %arg5[%dma_wait3A_672, %dma_wait3A_673] : memref<32768x1024xf32, #tpu.memory_space<hbm>> -> memref<8x1024xf32, #tpu.memory_space<hbm>>
        %dma_wait3A_675 = arith.constant 0 : i32
        %dma_wait3A_676 = arith.constant 0 : i32
        %dma_wait3A_677 = tpu.memref_slice %arg7[%dma_wait3A_661, %dma_wait3A_675, %dma_wait3A_676] : memref<8x8x1024xf32, #tpu.memory_space<vmem>> -> memref<1x8x1024xf32, #tpu.memory_space<vmem>>
        %dma_wait3A_678 = tpu.memref_squeeze %dma_wait3A_677 : memref<1x8x1024xf32, #tpu.memory_space<vmem>> -> memref<8x1024xf32, #tpu.memory_space<vmem>>
        tpu.wait_dma2 semaphore(%dma_wait3A_671 : memref<!tpu.dma_semaphore, #tpu.memory_space<semaphore_mem>>) src(%dma_wait3A_678 : memref<8x1024xf32, #tpu.memory_space<vmem>>) dst(%dma_wait3A_674 : memref<8x1024xf32, #tpu.memory_space<hbm>>)
      } else {
      }
      %add3A_505 = arith.constant 4 : i32
      %add3A_506 = arith.addi %add3A_497, %add3A_505 : i32
      %lt3A_507 = arith.constant 128 : i32
      %lt3A_508 = arith.cmpi slt, %add3A_506, %lt3A_507 : i32
      %convert_element_type3A_509 = arith.extui %lt3A_508 : i1 to i32
      %cond3A_510 = arith.constant 0 : i32
      %cond3A_511 = arith.cmpi ne, %convert_element_type3A_509, %cond3A_510 : i32
      scf.if %cond3A_511 {
        %add3A_661 = arith.constant 1 : i32
        %add3A_662 = arith.addi %add3A_499, %add3A_661 : i32
        %mul3A_663 = arith.constant 8 : i32
        %mul3A_664 = arith.muli %add3A_662, %mul3A_663 : i32
        %add3A_665 = arith.constant 256 : i32
        %add3A_666 = arith.addi %add3A_665, %mul3A_664 : i32
        %dma_start3A_667 = arith.constant 1 : i32
        %dma_start3A_668 = arith.constant 1 : i32
        %dma_start3A_669 = arith.constant 0 : i32
        %dma_start3A_670 = arith.constant 0 : i32
        %dma_start3A_671 = tpu.memref_slice %arg7[%dma_start3A_667, %dma_start3A_669, %dma_start3A_670] : memref<8x8x1024xf32, #tpu.memory_space<vmem>> -> memref<1x8x1024xf32, #tpu.memory_space<vmem>>
        %dma_start3A_672 = tpu.memref_squeeze %dma_start3A_671 : memref<1x8x1024xf32, #tpu.memory_space<vmem>> -> memref<8x1024xf32, #tpu.memory_space<vmem>>
        %dma_start3A_673 = tpu.memref_slice %arg6[%add3A_666] : memref<1024xi32, #tpu.memory_space<vmem>> -> memref<8xi32, #tpu.memory_space<vmem>>
        %dma_start3A_674 = arith.constant 0 : i32
        %dma_start3A_675 = arith.constant 0 : i32
        %dma_start3A_676 = tpu.memref_slice %arg3[%dma_start3A_674, %dma_start3A_675] : memref<100000x1024xf32, #tpu.memory_space<hbm>> -> memref<100000x1024xf32, #tpu.memory_space<hbm>>
        %dma_start3A_677 = tpu.memref_slice %arg9[%dma_start3A_668] : memref<8x!tpu.dma_semaphore, #tpu.memory_space<semaphore_mem>> -> memref<1x!tpu.dma_semaphore, #tpu.memory_space<semaphore_mem>>
        %dma_start3A_678 = tpu.memref_squeeze %dma_start3A_677 : memref<1x!tpu.dma_semaphore, #tpu.memory_space<semaphore_mem>> -> memref<!tpu.dma_semaphore, #tpu.memory_space<semaphore_mem>>
        tpu.enqueue_indirect_dma source(%dma_start3A_676 : memref<100000x1024xf32, #tpu.memory_space<hbm>>) target(%dma_start3A_672 : memref<8x1024xf32, #tpu.memory_space<vmem>>) offsets(%dma_start3A_673 : memref<8xi32, #tpu.memory_space<vmem>>) semaphore(%dma_start3A_678 : memref<!tpu.dma_semaphore, #tpu.memory_space<semaphore_mem>>)
      } else {
      }
      %dma_wait3A_512 = arith.constant 5 : i32
      %dma_wait3A_513 = arith.constant 5 : i32
      %dma_wait3A_514 = arith.constant 0 : i32
      %dma_wait3A_515 = arith.constant 0 : i32
      %dma_wait3A_516 = tpu.memref_slice %arg7[%dma_wait3A_512, %dma_wait3A_514, %dma_wait3A_515] : memref<8x8x1024xf32, #tpu.memory_space<vmem>> -> memref<1x8x1024xf32, #tpu.memory_space<vmem>>
      %dma_wait3A_517 = tpu.memref_squeeze %dma_wait3A_516 : memref<1x8x1024xf32, #tpu.memory_space<vmem>> -> memref<8x1024xf32, #tpu.memory_space<vmem>>
      %dma_wait3A_518 = arith.constant 0 : i32
      %dma_wait3A_519 = tpu.memref_slice %arg6[%dma_wait3A_518] : memref<1024xi32, #tpu.memory_space<vmem>> -> memref<8xi32, #tpu.memory_space<vmem>>
      %dma_wait3A_520 = arith.constant 0 : i32
      %dma_wait3A_521 = arith.constant 0 : i32
      %dma_wait3A_522 = tpu.memref_slice %arg3[%dma_wait3A_520, %dma_wait3A_521] : memref<100000x1024xf32, #tpu.memory_space<hbm>> -> memref<100000x1024xf32, #tpu.memory_space<hbm>>
      %dma_wait3A_523 = tpu.memref_slice %arg9[%dma_wait3A_513] : memref<8x!tpu.dma_semaphore, #tpu.memory_space<semaphore_mem>> -> memref<1x!tpu.dma_semaphore, #tpu.memory_space<semaphore_mem>>
      %dma_wait3A_524 = tpu.memref_squeeze %dma_wait3A_523 : memref<1x!tpu.dma_semaphore, #tpu.memory_space<semaphore_mem>> -> memref<!tpu.dma_semaphore, #tpu.memory_space<semaphore_mem>>
      tpu.wait_indirect_dma semaphore(%dma_wait3A_524 : memref<!tpu.dma_semaphore, #tpu.memory_space<semaphore_mem>>) src(%dma_wait3A_522 : memref<100000x1024xf32, #tpu.memory_space<hbm>>) dst(%dma_wait3A_517 : memref<8x1024xf32, #tpu.memory_space<vmem>>)
      %scan3A_525 = arith.constant 0 : i32
      %scan3A_526 = arith.constant 8 : i32
      %scan3A_527 = arith.addi %scan3A_525, %scan3A_526 : i32
      %scan3A_528 = arith.constant 1 : i32
      scf.for %scan3A_661 = %scan3A_525 to %scan3A_527 step %scan3A_528  : i32 {
        %mul3A_662 = arith.constant 1 : i32
        %mul3A_663 = arith.muli %scan3A_661, %mul3A_662 : i32
        %add3A_664 = arith.constant 0 : i32
        %add3A_665 = arith.addi %add3A_664, %mul3A_663 : i32
        %parallel_loop3A = arith.constant 0 : i32
        %parallel_loop3A_666 = arith.constant 32 : i32
        %parallel_loop3A_667 = arith.constant 1 : i32
        %parallel_loop3A_668 = arith.constant 1 : i32
        %parallel_loop3A_669 = arith.constant 5 : i32
        scf.for %parallel_loop3A_670 = %parallel_loop3A to %parallel_loop3A_666 step %parallel_loop3A_667  : i32 {
          %parallel_loop3A_671 = arith.constant 2 : i32
          %parallel_loop3A_672 = arith.muli %parallel_loop3A_670, %parallel_loop3A_671 : i32
          %parallel_loop3A_673 = arith.constant 16 : i32
          %parallel_loop3A_674 = arith.muli %parallel_loop3A_672, %parallel_loop3A_673 : i32
          %parallel_loop3A_675 = arith.constant 16 : i32
          %parallel_loop3A_676 = arith.muli %parallel_loop3A_670, %parallel_loop3A_675 : i32
          %parallel_loop3A_677 = arith.constant 0 : i32
          %parallel_loop3A_678 = arith.constant 0 : i32
          %parallel_loop3A_679 = tpu.memref_slice %arg8[%parallel_loop3A_668, %parallel_loop3A_677, %parallel_loop3A_678] : memref<2x8x512xi32, #tpu.memory_space<vmem>> -> memref<1x8x512xi32, #tpu.memory_space<vmem>>
          %parallel_loop3A_680 = tpu.memref_squeeze %parallel_loop3A_679 : memref<1x8x512xi32, #tpu.memory_space<vmem>> -> memref<8x512xi32, #tpu.memory_space<vmem>>
          %parallel_loop3A_681 = arith.constant 0 : i32
          %parallel_loop3A_682 = tpu.memref_slice %parallel_loop3A_680[%add3A_665, %parallel_loop3A_681] : memref<8x512xi32, #tpu.memory_space<vmem>> -> memref<1x512xi32, #tpu.memory_space<vmem>>
          %parallel_loop3A_683 = tpu.memref_squeeze %parallel_loop3A_682 : memref<1x512xi32, #tpu.memory_space<vmem>> -> memref<512xi32, #tpu.memory_space<vmem>>
          %parallel_loop3A_684 = arith.index_cast %parallel_loop3A_676 : i32 to index
          %parallel_loop3A_685 = tpu.vector_load %parallel_loop3A_683[%parallel_loop3A_684] {strides = array<i32>} : memref<512xi32, #tpu.memory_space<vmem>>, vector<16xi32>,
          %parallel_loop3A_686 = vector.shape_cast %parallel_loop3A_685 : vector<16xi32> to vector<16xi32>
          %parallel_loop3A_687 = arith.constant 16 : i32
          %parallel_loop3A_688 = vector.broadcast %parallel_loop3A_687 : i32 to vector<16xi32>
          %parallel_loop3A_689 = arith.shli %parallel_loop3A_686, %parallel_loop3A_688 : vector<16xi32>
          %parallel_loop3A_690 = tpu.bitcast %parallel_loop3A_689 : vector<16xi32> -> vector<16xf32>
          %parallel_loop3A_691 = arith.constant -65536 : i32
          %parallel_loop3A_692 = vector.broadcast %parallel_loop3A_691 : i32 to vector<16xi32>
          %parallel_loop3A_693 = arith.andi %parallel_loop3A_686, %parallel_loop3A_692 : vector<16xi32>
          %parallel_loop3A_694 = tpu.bitcast %parallel_loop3A_693 : vector<16xi32> -> vector<16xf32>
          %parallel_loop3A_695 = arith.constant 16 : i32
          %parallel_loop3A_696 = arith.addi %parallel_loop3A_674, %parallel_loop3A_695 : i32
          %parallel_loop3A_697 = arith.constant 0 : i32
          %parallel_loop3A_698 = arith.constant 0 : i32
          %parallel_loop3A_699 = tpu.memref_slice %arg7[%parallel_loop3A_669, %parallel_loop3A_697, %parallel_loop3A_698] : memref<8x8x1024xf32, #tpu.memory_space<vmem>> -> memref<1x8x1024xf32, #tpu.memory_space<vmem>>
          %parallel_loop3A_700 = tpu.memref_squeeze %parallel_loop3A_699 : memref<1x8x1024xf32, #tpu.memory_space<vmem>> -> memref<8x1024xf32, #tpu.memory_space<vmem>>
          %parallel_loop3A_701 = arith.constant 0 : i32
          %parallel_loop3A_702 = tpu.memref_slice %parallel_loop3A_700[%add3A_665, %parallel_loop3A_701] : memref<8x1024xf32, #tpu.memory_space<vmem>> -> memref<1x1024xf32, #tpu.memory_space<vmem>>
          %parallel_loop3A_703 = tpu.memref_squeeze %parallel_loop3A_702 : memref<1x1024xf32, #tpu.memory_space<vmem>> -> memref<1024xf32, #tpu.memory_space<vmem>>
          %parallel_loop3A_704 = arith.index_cast %parallel_loop3A_674 : i32 to index
          %parallel_loop3A_705 = tpu.vector_load %parallel_loop3A_703[%parallel_loop3A_704] {strides = array<i32>} : memref<1024xf32, #tpu.memory_space<vmem>>, vector<16xf32>,
          %parallel_loop3A_706 = vector.shape_cast %parallel_loop3A_705 : vector<16xf32> to vector<16xf32>
          %parallel_loop3A_707 = arith.constant 3.200000e+01 : f32
          %parallel_loop3A_708 = vector.broadcast %parallel_loop3A_707 : f32 to vector<16xf32>
          %parallel_loop3A_709 = arith.mulf %parallel_loop3A_706, %parallel_loop3A_708 : vector<16xf32>
          %parallel_loop3A_710 = arith.addf %parallel_loop3A_709, %parallel_loop3A_690 : vector<16xf32>
          %parallel_loop3A_711 = arith.constant 0 : i32
          %parallel_loop3A_712 = arith.constant 0 : i32
          %parallel_loop3A_713 = tpu.memref_slice %arg7[%parallel_loop3A_669, %parallel_loop3A_711, %parallel_loop3A_712] : memref<8x8x1024xf32, #tpu.memory_space<vmem>> -> memref<1x8x1024xf32, #tpu.memory_space<vmem>>
          %parallel_loop3A_714 = tpu.memref_squeeze %parallel_loop3A_713 : memref<1x8x1024xf32, #tpu.memory_space<vmem>> -> memref<8x1024xf32, #tpu.memory_space<vmem>>
          %parallel_loop3A_715 = arith.constant 0 : i32
          %parallel_loop3A_716 = tpu.memref_slice %parallel_loop3A_714[%add3A_665, %parallel_loop3A_715] : memref<8x1024xf32, #tpu.memory_space<vmem>> -> memref<1x1024xf32, #tpu.memory_space<vmem>>
          %parallel_loop3A_717 = tpu.memref_squeeze %parallel_loop3A_716 : memref<1x1024xf32, #tpu.memory_space<vmem>> -> memref<1024xf32, #tpu.memory_space<vmem>>
          %parallel_loop3A_718 = arith.index_cast %parallel_loop3A_674 : i32 to index
          %parallel_loop3A_719 = tpu.vector_load %parallel_loop3A_717[%parallel_loop3A_718] {strides = array<i32>} : memref<1024xf32, #tpu.memory_space<vmem>>, vector<16xf32>,
          %parallel_loop3A_720 = vector.shape_cast %parallel_loop3A_719 : vector<16xf32> to vector<16xf32>
          %parallel_loop3A_721 = vector.shape_cast %parallel_loop3A_710 : vector<16xf32> to vector<16xf32>
          tpu.vector_store %parallel_loop3A_717[%parallel_loop3A_718], %parallel_loop3A_721 {strides = array<i32>} : memref<1024xf32, #tpu.memory_space<vmem>>, vector<16xf32>,
          %parallel_loop3A_722 = arith.constant 0 : i32
          %parallel_loop3A_723 = arith.constant 0 : i32
          %parallel_loop3A_724 = tpu.memref_slice %arg7[%parallel_loop3A_669, %parallel_loop3A_722, %parallel_loop3A_723] : memref<8x8x1024xf32, #tpu.memory_space<vmem>> -> memref<1x8x1024xf32, #tpu.memory_space<vmem>>
          %parallel_loop3A_725 = tpu.memref_squeeze %parallel_loop3A_724 : memref<1x8x1024xf32, #tpu.memory_space<vmem>> -> memref<8x1024xf32, #tpu.memory_space<vmem>>
          %parallel_loop3A_726 = arith.constant 0 : i32
          %parallel_loop3A_727 = tpu.memref_slice %parallel_loop3A_725[%add3A_665, %parallel_loop3A_726] : memref<8x1024xf32, #tpu.memory_space<vmem>> -> memref<1x1024xf32, #tpu.memory_space<vmem>>
          %parallel_loop3A_728 = tpu.memref_squeeze %parallel_loop3A_727 : memref<1x1024xf32, #tpu.memory_space<vmem>> -> memref<1024xf32, #tpu.memory_space<vmem>>
          %parallel_loop3A_729 = arith.index_cast %parallel_loop3A_696 : i32 to index
          %parallel_loop3A_730 = tpu.vector_load %parallel_loop3A_728[%parallel_loop3A_729] {strides = array<i32>} : memref<1024xf32, #tpu.memory_space<vmem>>, vector<16xf32>,
          %parallel_loop3A_731 = vector.shape_cast %parallel_loop3A_730 : vector<16xf32> to vector<16xf32>
          %parallel_loop3A_732 = arith.constant 3.200000e+01 : f32
          %parallel_loop3A_733 = vector.broadcast %parallel_loop3A_732 : f32 to vector<16xf32>
          %parallel_loop3A_734 = arith.mulf %parallel_loop3A_731, %parallel_loop3A_733 : vector<16xf32>
          %parallel_loop3A_735 = arith.addf %parallel_loop3A_734, %parallel_loop3A_694 : vector<16xf32>
          %parallel_loop3A_736 = arith.constant 0 : i32
          %parallel_loop3A_737 = arith.constant 0 : i32
          %parallel_loop3A_738 = tpu.memref_slice %arg7[%parallel_loop3A_669, %parallel_loop3A_736, %parallel_loop3A_737] : memref<8x8x1024xf32, #tpu.memory_space<vmem>> -> memref<1x8x1024xf32, #tpu.memory_space<vmem>>
          %parallel_loop3A_739 = tpu.memref_squeeze %parallel_loop3A_738 : memref<1x8x1024xf32, #tpu.memory_space<vmem>> -> memref<8x1024xf32, #tpu.memory_space<vmem>>
          %parallel_loop3A_740 = arith.constant 0 : i32
          %parallel_loop3A_741 = tpu.memref_slice %parallel_loop3A_739[%add3A_665, %parallel_loop3A_740] : memref<8x1024xf32, #tpu.memory_space<vmem>> -> memref<1x1024xf32, #tpu.memory_space<vmem>>
          %parallel_loop3A_742 = tpu.memref_squeeze %parallel_loop3A_741 : memref<1x1024xf32, #tpu.memory_space<vmem>> -> memref<1024xf32, #tpu.memory_space<vmem>>
          %parallel_loop3A_743 = arith.index_cast %parallel_loop3A_696 : i32 to index
          %parallel_loop3A_744 = tpu.vector_load %parallel_loop3A_742[%parallel_loop3A_743] {strides = array<i32>} : memref<1024xf32, #tpu.memory_space<vmem>>, vector<16xf32>,
          %parallel_loop3A_745 = vector.shape_cast %parallel_loop3A_744 : vector<16xf32> to vector<16xf32>
          %parallel_loop3A_746 = vector.shape_cast %parallel_loop3A_735 : vector<16xf32> to vector<16xf32>
          tpu.vector_store %parallel_loop3A_742[%parallel_loop3A_743], %parallel_loop3A_746 {strides = array<i32>} : memref<1024xf32, #tpu.memory_space<vmem>>, vector<16xf32>,
        } {sc.loop_unroll_factor = 4 : i64, sc.parallel_access}
      }
      %scan3A_529 = arith.constant 8 : i32
      %add3A_530 = arith.constant 8192 : i32
      %add3A_531 = arith.addi %add3A_530, %mul3A_2 : i32
      %mul3A_532 = arith.constant 8 : i32
      %mul3A_533 = arith.muli %add3A_499, %mul3A_532 : i32
      %add3A_534 = arith.addi %add3A_531, %mul3A_533 : i32
      %dma_start3A_535 = arith.constant 5 : i32
      %dma_start3A_536 = arith.constant 5 : i32
      %dma_start3A_537 = arith.constant 0 : i32
      %dma_start3A_538 = arith.constant 0 : i32
      %dma_start3A_539 = tpu.memref_slice %arg7[%dma_start3A_535, %dma_start3A_537, %dma_start3A_538] : memref<8x8x1024xf32, #tpu.memory_space<vmem>> -> memref<1x8x1024xf32, #tpu.memory_space<vmem>>
      %dma_start3A_540 = tpu.memref_squeeze %dma_start3A_539 : memref<1x8x1024xf32, #tpu.memory_space<vmem>> -> memref<8x1024xf32, #tpu.memory_space<vmem>>
      %dma_start3A_541 = arith.constant 0 : i32
      %dma_start3A_542 = tpu.memref_slice %arg5[%add3A_534, %dma_start3A_541] : memref<32768x1024xf32, #tpu.memory_space<hbm>> -> memref<8x1024xf32, #tpu.memory_space<hbm>>
      %dma_start3A_543 = tpu.memref_slice %arg11[%dma_start3A_536] : memref<8x!tpu.dma_semaphore, #tpu.memory_space<semaphore_mem>> -> memref<1x!tpu.dma_semaphore, #tpu.memory_space<semaphore_mem>>
      %dma_start3A_544 = tpu.memref_squeeze %dma_start3A_543 : memref<1x!tpu.dma_semaphore, #tpu.memory_space<semaphore_mem>> -> memref<!tpu.dma_semaphore, #tpu.memory_space<semaphore_mem>>
      %dma_start3A_545 = arith.constant 0 : i32
      %dma_start3A_546 = tpu.memref_slice %arg5[%add3A_534, %dma_start3A_545] : memref<32768x1024xf32, #tpu.memory_space<hbm>> -> memref<8x1024xf32, #tpu.memory_space<hbm>>
      %dma_start3A_547 = arith.constant 0 : i32
      %dma_start3A_548 = arith.constant 0 : i32
      %dma_start3A_549 = tpu.memref_slice %arg7[%dma_start3A_535, %dma_start3A_547, %dma_start3A_548] : memref<8x8x1024xf32, #tpu.memory_space<vmem>> -> memref<1x8x1024xf32, #tpu.memory_space<vmem>>
      %dma_start3A_550 = tpu.memref_squeeze %dma_start3A_549 : memref<1x8x1024xf32, #tpu.memory_space<vmem>> -> memref<8x1024xf32, #tpu.memory_space<vmem>>
      tpu.enqueue_dma source(%dma_start3A_550 : memref<8x1024xf32, #tpu.memory_space<vmem>>) target(%dma_start3A_546 : memref<8x1024xf32, #tpu.memory_space<hbm>>) target_semaphore(%dma_start3A_544 : memref<!tpu.dma_semaphore, #tpu.memory_space<semaphore_mem>>)
      %add3A_551 = arith.constant 6 : i32
      %add3A_552 = arith.addi %add3A_159, %add3A_551 : i32
      %add3A_553 = arith.constant 1 : i32
      %add3A_554 = arith.addi %shift_right_arithmetic3A_160, %add3A_553 : i32
      %ge3A_555 = arith.constant 4 : i32
      %ge3A_556 = arith.cmpi sge, %add3A_552, %ge3A_555 : i32
      %convert_element_type3A_557 = arith.extui %ge3A_556 : i1 to i32
      %cond3A_558 = arith.constant 0 : i32
      %cond3A_559 = arith.cmpi ne, %convert_element_type3A_557, %cond3A_558 : i32
      scf.if %cond3A_559 {
        %dma_wait3A_661 = arith.constant 2 : i32
        %dma_wait3A_662 = arith.constant 2 : i32
        %dma_wait3A_663 = arith.constant 0 : i32
        %dma_wait3A_664 = arith.constant 0 : i32
        %dma_wait3A_665 = tpu.memref_slice %arg7[%dma_wait3A_661, %dma_wait3A_663, %dma_wait3A_664] : memref<8x8x1024xf32, #tpu.memory_space<vmem>> -> memref<1x8x1024xf32, #tpu.memory_space<vmem>>
        %dma_wait3A_666 = tpu.memref_squeeze %dma_wait3A_665 : memref<1x8x1024xf32, #tpu.memory_space<vmem>> -> memref<8x1024xf32, #tpu.memory_space<vmem>>
        %dma_wait3A_667 = arith.constant 0 : i32
        %dma_wait3A_668 = arith.constant 0 : i32
        %dma_wait3A_669 = tpu.memref_slice %arg5[%dma_wait3A_667, %dma_wait3A_668] : memref<32768x1024xf32, #tpu.memory_space<hbm>> -> memref<8x1024xf32, #tpu.memory_space<hbm>>
        %dma_wait3A_670 = tpu.memref_slice %arg11[%dma_wait3A_662] : memref<8x!tpu.dma_semaphore, #tpu.memory_space<semaphore_mem>> -> memref<1x!tpu.dma_semaphore, #tpu.memory_space<semaphore_mem>>
        %dma_wait3A_671 = tpu.memref_squeeze %dma_wait3A_670 : memref<1x!tpu.dma_semaphore, #tpu.memory_space<semaphore_mem>> -> memref<!tpu.dma_semaphore, #tpu.memory_space<semaphore_mem>>
        %dma_wait3A_672 = arith.constant 0 : i32
        %dma_wait3A_673 = arith.constant 0 : i32
        %dma_wait3A_674 = tpu.memref_slice %arg5[%dma_wait3A_672, %dma_wait3A_673] : memref<32768x1024xf32, #tpu.memory_space<hbm>> -> memref<8x1024xf32, #tpu.memory_space<hbm>>
        %dma_wait3A_675 = arith.constant 0 : i32
        %dma_wait3A_676 = arith.constant 0 : i32
        %dma_wait3A_677 = tpu.memref_slice %arg7[%dma_wait3A_661, %dma_wait3A_675, %dma_wait3A_676] : memref<8x8x1024xf32, #tpu.memory_space<vmem>> -> memref<1x8x1024xf32, #tpu.memory_space<vmem>>
        %dma_wait3A_678 = tpu.memref_squeeze %dma_wait3A_677 : memref<1x8x1024xf32, #tpu.memory_space<vmem>> -> memref<8x1024xf32, #tpu.memory_space<vmem>>
        tpu.wait_dma2 semaphore(%dma_wait3A_671 : memref<!tpu.dma_semaphore, #tpu.memory_space<semaphore_mem>>) src(%dma_wait3A_678 : memref<8x1024xf32, #tpu.memory_space<vmem>>) dst(%dma_wait3A_674 : memref<8x1024xf32, #tpu.memory_space<hbm>>)
      } else {
      }
      %add3A_560 = arith.constant 4 : i32
      %add3A_561 = arith.addi %add3A_552, %add3A_560 : i32
      %lt3A_562 = arith.constant 128 : i32
      %lt3A_563 = arith.cmpi slt, %add3A_561, %lt3A_562 : i32
      %convert_element_type3A_564 = arith.extui %lt3A_563 : i1 to i32
      %cond3A_565 = arith.constant 0 : i32
      %cond3A_566 = arith.cmpi ne, %convert_element_type3A_564, %cond3A_565 : i32
      scf.if %cond3A_566 {
        %add3A_661 = arith.constant 1 : i32
        %add3A_662 = arith.addi %add3A_554, %add3A_661 : i32
        %mul3A_663 = arith.constant 8 : i32
        %mul3A_664 = arith.muli %add3A_662, %mul3A_663 : i32
        %add3A_665 = arith.constant 512 : i32
        %add3A_666 = arith.addi %add3A_665, %mul3A_664 : i32
        %dma_start3A_667 = arith.constant 2 : i32
        %dma_start3A_668 = arith.constant 2 : i32
        %dma_start3A_669 = arith.constant 0 : i32
        %dma_start3A_670 = arith.constant 0 : i32
        %dma_start3A_671 = tpu.memref_slice %arg7[%dma_start3A_667, %dma_start3A_669, %dma_start3A_670] : memref<8x8x1024xf32, #tpu.memory_space<vmem>> -> memref<1x8x1024xf32, #tpu.memory_space<vmem>>
        %dma_start3A_672 = tpu.memref_squeeze %dma_start3A_671 : memref<1x8x1024xf32, #tpu.memory_space<vmem>> -> memref<8x1024xf32, #tpu.memory_space<vmem>>
        %dma_start3A_673 = tpu.memref_slice %arg6[%add3A_666] : memref<1024xi32, #tpu.memory_space<vmem>> -> memref<8xi32, #tpu.memory_space<vmem>>
        %dma_start3A_674 = arith.constant 0 : i32
        %dma_start3A_675 = arith.constant 0 : i32
        %dma_start3A_676 = tpu.memref_slice %arg3[%dma_start3A_674, %dma_start3A_675] : memref<100000x1024xf32, #tpu.memory_space<hbm>> -> memref<100000x1024xf32, #tpu.memory_space<hbm>>
        %dma_start3A_677 = tpu.memref_slice %arg9[%dma_start3A_668] : memref<8x!tpu.dma_semaphore, #tpu.memory_space<semaphore_mem>> -> memref<1x!tpu.dma_semaphore, #tpu.memory_space<semaphore_mem>>
        %dma_start3A_678 = tpu.memref_squeeze %dma_start3A_677 : memref<1x!tpu.dma_semaphore, #tpu.memory_space<semaphore_mem>> -> memref<!tpu.dma_semaphore, #tpu.memory_space<semaphore_mem>>
        tpu.enqueue_indirect_dma source(%dma_start3A_676 : memref<100000x1024xf32, #tpu.memory_space<hbm>>) target(%dma_start3A_672 : memref<8x1024xf32, #tpu.memory_space<vmem>>) offsets(%dma_start3A_673 : memref<8xi32, #tpu.memory_space<vmem>>) semaphore(%dma_start3A_678 : memref<!tpu.dma_semaphore, #tpu.memory_space<semaphore_mem>>)
      } else {
      }
      %dma_wait3A_567 = arith.constant 6 : i32
      %dma_wait3A_568 = arith.constant 6 : i32
      %dma_wait3A_569 = arith.constant 0 : i32
      %dma_wait3A_570 = arith.constant 0 : i32
      %dma_wait3A_571 = tpu.memref_slice %arg7[%dma_wait3A_567, %dma_wait3A_569, %dma_wait3A_570] : memref<8x8x1024xf32, #tpu.memory_space<vmem>> -> memref<1x8x1024xf32, #tpu.memory_space<vmem>>
      %dma_wait3A_572 = tpu.memref_squeeze %dma_wait3A_571 : memref<1x8x1024xf32, #tpu.memory_space<vmem>> -> memref<8x1024xf32, #tpu.memory_space<vmem>>
      %dma_wait3A_573 = arith.constant 0 : i32
      %dma_wait3A_574 = tpu.memref_slice %arg6[%dma_wait3A_573] : memref<1024xi32, #tpu.memory_space<vmem>> -> memref<8xi32, #tpu.memory_space<vmem>>
      %dma_wait3A_575 = arith.constant 0 : i32
      %dma_wait3A_576 = arith.constant 0 : i32
      %dma_wait3A_577 = tpu.memref_slice %arg3[%dma_wait3A_575, %dma_wait3A_576] : memref<100000x1024xf32, #tpu.memory_space<hbm>> -> memref<100000x1024xf32, #tpu.memory_space<hbm>>
      %dma_wait3A_578 = tpu.memref_slice %arg9[%dma_wait3A_568] : memref<8x!tpu.dma_semaphore, #tpu.memory_space<semaphore_mem>> -> memref<1x!tpu.dma_semaphore, #tpu.memory_space<semaphore_mem>>
      %dma_wait3A_579 = tpu.memref_squeeze %dma_wait3A_578 : memref<1x!tpu.dma_semaphore, #tpu.memory_space<semaphore_mem>> -> memref<!tpu.dma_semaphore, #tpu.memory_space<semaphore_mem>>
      tpu.wait_indirect_dma semaphore(%dma_wait3A_579 : memref<!tpu.dma_semaphore, #tpu.memory_space<semaphore_mem>>) src(%dma_wait3A_577 : memref<100000x1024xf32, #tpu.memory_space<hbm>>) dst(%dma_wait3A_572 : memref<8x1024xf32, #tpu.memory_space<vmem>>)
      %scan3A_580 = arith.constant 0 : i32
      %scan3A_581 = arith.constant 8 : i32
      %scan3A_582 = arith.addi %scan3A_580, %scan3A_581 : i32
      %scan3A_583 = arith.constant 1 : i32
      scf.for %scan3A_661 = %scan3A_580 to %scan3A_582 step %scan3A_583  : i32 {
        %mul3A_662 = arith.constant 1 : i32
        %mul3A_663 = arith.muli %scan3A_661, %mul3A_662 : i32
        %add3A_664 = arith.constant 0 : i32
        %add3A_665 = arith.addi %add3A_664, %mul3A_663 : i32
        %parallel_loop3A = arith.constant 0 : i32
        %parallel_loop3A_666 = arith.constant 32 : i32
        %parallel_loop3A_667 = arith.constant 1 : i32
        %parallel_loop3A_668 = arith.constant 1 : i32
        %parallel_loop3A_669 = arith.constant 6 : i32
        scf.for %parallel_loop3A_670 = %parallel_loop3A to %parallel_loop3A_666 step %parallel_loop3A_667  : i32 {
          %parallel_loop3A_671 = arith.constant 2 : i32
          %parallel_loop3A_672 = arith.muli %parallel_loop3A_670, %parallel_loop3A_671 : i32
          %parallel_loop3A_673 = arith.constant 16 : i32
          %parallel_loop3A_674 = arith.muli %parallel_loop3A_672, %parallel_loop3A_673 : i32
          %parallel_loop3A_675 = arith.constant 16 : i32
          %parallel_loop3A_676 = arith.muli %parallel_loop3A_670, %parallel_loop3A_675 : i32
          %parallel_loop3A_677 = arith.constant 0 : i32
          %parallel_loop3A_678 = arith.constant 0 : i32
          %parallel_loop3A_679 = tpu.memref_slice %arg8[%parallel_loop3A_668, %parallel_loop3A_677, %parallel_loop3A_678] : memref<2x8x512xi32, #tpu.memory_space<vmem>> -> memref<1x8x512xi32, #tpu.memory_space<vmem>>
          %parallel_loop3A_680 = tpu.memref_squeeze %parallel_loop3A_679 : memref<1x8x512xi32, #tpu.memory_space<vmem>> -> memref<8x512xi32, #tpu.memory_space<vmem>>
          %parallel_loop3A_681 = arith.constant 0 : i32
          %parallel_loop3A_682 = tpu.memref_slice %parallel_loop3A_680[%add3A_665, %parallel_loop3A_681] : memref<8x512xi32, #tpu.memory_space<vmem>> -> memref<1x512xi32, #tpu.memory_space<vmem>>
          %parallel_loop3A_683 = tpu.memref_squeeze %parallel_loop3A_682 : memref<1x512xi32, #tpu.memory_space<vmem>> -> memref<512xi32, #tpu.memory_space<vmem>>
          %parallel_loop3A_684 = arith.index_cast %parallel_loop3A_676 : i32 to index
          %parallel_loop3A_685 = tpu.vector_load %parallel_loop3A_683[%parallel_loop3A_684] {strides = array<i32>} : memref<512xi32, #tpu.memory_space<vmem>>, vector<16xi32>,
          %parallel_loop3A_686 = vector.shape_cast %parallel_loop3A_685 : vector<16xi32> to vector<16xi32>
          %parallel_loop3A_687 = arith.constant 16 : i32
          %parallel_loop3A_688 = vector.broadcast %parallel_loop3A_687 : i32 to vector<16xi32>
          %parallel_loop3A_689 = arith.shli %parallel_loop3A_686, %parallel_loop3A_688 : vector<16xi32>
          %parallel_loop3A_690 = tpu.bitcast %parallel_loop3A_689 : vector<16xi32> -> vector<16xf32>
          %parallel_loop3A_691 = arith.constant -65536 : i32
          %parallel_loop3A_692 = vector.broadcast %parallel_loop3A_691 : i32 to vector<16xi32>
          %parallel_loop3A_693 = arith.andi %parallel_loop3A_686, %parallel_loop3A_692 : vector<16xi32>
          %parallel_loop3A_694 = tpu.bitcast %parallel_loop3A_693 : vector<16xi32> -> vector<16xf32>
          %parallel_loop3A_695 = arith.constant 16 : i32
          %parallel_loop3A_696 = arith.addi %parallel_loop3A_674, %parallel_loop3A_695 : i32
          %parallel_loop3A_697 = arith.constant 0 : i32
          %parallel_loop3A_698 = arith.constant 0 : i32
          %parallel_loop3A_699 = tpu.memref_slice %arg7[%parallel_loop3A_669, %parallel_loop3A_697, %parallel_loop3A_698] : memref<8x8x1024xf32, #tpu.memory_space<vmem>> -> memref<1x8x1024xf32, #tpu.memory_space<vmem>>
          %parallel_loop3A_700 = tpu.memref_squeeze %parallel_loop3A_699 : memref<1x8x1024xf32, #tpu.memory_space<vmem>> -> memref<8x1024xf32, #tpu.memory_space<vmem>>
          %parallel_loop3A_701 = arith.constant 0 : i32
          %parallel_loop3A_702 = tpu.memref_slice %parallel_loop3A_700[%add3A_665, %parallel_loop3A_701] : memref<8x1024xf32, #tpu.memory_space<vmem>> -> memref<1x1024xf32, #tpu.memory_space<vmem>>
          %parallel_loop3A_703 = tpu.memref_squeeze %parallel_loop3A_702 : memref<1x1024xf32, #tpu.memory_space<vmem>> -> memref<1024xf32, #tpu.memory_space<vmem>>
          %parallel_loop3A_704 = arith.index_cast %parallel_loop3A_674 : i32 to index
          %parallel_loop3A_705 = tpu.vector_load %parallel_loop3A_703[%parallel_loop3A_704] {strides = array<i32>} : memref<1024xf32, #tpu.memory_space<vmem>>, vector<16xf32>,
          %parallel_loop3A_706 = vector.shape_cast %parallel_loop3A_705 : vector<16xf32> to vector<16xf32>
          %parallel_loop3A_707 = arith.constant 3.200000e+01 : f32
          %parallel_loop3A_708 = vector.broadcast %parallel_loop3A_707 : f32 to vector<16xf32>
          %parallel_loop3A_709 = arith.mulf %parallel_loop3A_706, %parallel_loop3A_708 : vector<16xf32>
          %parallel_loop3A_710 = arith.addf %parallel_loop3A_709, %parallel_loop3A_690 : vector<16xf32>
          %parallel_loop3A_711 = arith.constant 0 : i32
          %parallel_loop3A_712 = arith.constant 0 : i32
          %parallel_loop3A_713 = tpu.memref_slice %arg7[%parallel_loop3A_669, %parallel_loop3A_711, %parallel_loop3A_712] : memref<8x8x1024xf32, #tpu.memory_space<vmem>> -> memref<1x8x1024xf32, #tpu.memory_space<vmem>>
          %parallel_loop3A_714 = tpu.memref_squeeze %parallel_loop3A_713 : memref<1x8x1024xf32, #tpu.memory_space<vmem>> -> memref<8x1024xf32, #tpu.memory_space<vmem>>
          %parallel_loop3A_715 = arith.constant 0 : i32
          %parallel_loop3A_716 = tpu.memref_slice %parallel_loop3A_714[%add3A_665, %parallel_loop3A_715] : memref<8x1024xf32, #tpu.memory_space<vmem>> -> memref<1x1024xf32, #tpu.memory_space<vmem>>
          %parallel_loop3A_717 = tpu.memref_squeeze %parallel_loop3A_716 : memref<1x1024xf32, #tpu.memory_space<vmem>> -> memref<1024xf32, #tpu.memory_space<vmem>>
          %parallel_loop3A_718 = arith.index_cast %parallel_loop3A_674 : i32 to index
          %parallel_loop3A_719 = tpu.vector_load %parallel_loop3A_717[%parallel_loop3A_718] {strides = array<i32>} : memref<1024xf32, #tpu.memory_space<vmem>>, vector<16xf32>,
          %parallel_loop3A_720 = vector.shape_cast %parallel_loop3A_719 : vector<16xf32> to vector<16xf32>
          %parallel_loop3A_721 = vector.shape_cast %parallel_loop3A_710 : vector<16xf32> to vector<16xf32>
          tpu.vector_store %parallel_loop3A_717[%parallel_loop3A_718], %parallel_loop3A_721 {strides = array<i32>} : memref<1024xf32, #tpu.memory_space<vmem>>, vector<16xf32>,
          %parallel_loop3A_722 = arith.constant 0 : i32
          %parallel_loop3A_723 = arith.constant 0 : i32
          %parallel_loop3A_724 = tpu.memref_slice %arg7[%parallel_loop3A_669, %parallel_loop3A_722, %parallel_loop3A_723] : memref<8x8x1024xf32, #tpu.memory_space<vmem>> -> memref<1x8x1024xf32, #tpu.memory_space<vmem>>
          %parallel_loop3A_725 = tpu.memref_squeeze %parallel_loop3A_724 : memref<1x8x1024xf32, #tpu.memory_space<vmem>> -> memref<8x1024xf32, #tpu.memory_space<vmem>>
          %parallel_loop3A_726 = arith.constant 0 : i32
          %parallel_loop3A_727 = tpu.memref_slice %parallel_loop3A_725[%add3A_665, %parallel_loop3A_726] : memref<8x1024xf32, #tpu.memory_space<vmem>> -> memref<1x1024xf32, #tpu.memory_space<vmem>>
          %parallel_loop3A_728 = tpu.memref_squeeze %parallel_loop3A_727 : memref<1x1024xf32, #tpu.memory_space<vmem>> -> memref<1024xf32, #tpu.memory_space<vmem>>
          %parallel_loop3A_729 = arith.index_cast %parallel_loop3A_696 : i32 to index
          %parallel_loop3A_730 = tpu.vector_load %parallel_loop3A_728[%parallel_loop3A_729] {strides = array<i32>} : memref<1024xf32, #tpu.memory_space<vmem>>, vector<16xf32>,
          %parallel_loop3A_731 = vector.shape_cast %parallel_loop3A_730 : vector<16xf32> to vector<16xf32>
          %parallel_loop3A_732 = arith.constant 3.200000e+01 : f32
          %parallel_loop3A_733 = vector.broadcast %parallel_loop3A_732 : f32 to vector<16xf32>
          %parallel_loop3A_734 = arith.mulf %parallel_loop3A_731, %parallel_loop3A_733 : vector<16xf32>
          %parallel_loop3A_735 = arith.addf %parallel_loop3A_734, %parallel_loop3A_694 : vector<16xf32>
          %parallel_loop3A_736 = arith.constant 0 : i32
          %parallel_loop3A_737 = arith.constant 0 : i32
          %parallel_loop3A_738 = tpu.memref_slice %arg7[%parallel_loop3A_669, %parallel_loop3A_736, %parallel_loop3A_737] : memref<8x8x1024xf32, #tpu.memory_space<vmem>> -> memref<1x8x1024xf32, #tpu.memory_space<vmem>>
          %parallel_loop3A_739 = tpu.memref_squeeze %parallel_loop3A_738 : memref<1x8x1024xf32, #tpu.memory_space<vmem>> -> memref<8x1024xf32, #tpu.memory_space<vmem>>
          %parallel_loop3A_740 = arith.constant 0 : i32
          %parallel_loop3A_741 = tpu.memref_slice %parallel_loop3A_739[%add3A_665, %parallel_loop3A_740] : memref<8x1024xf32, #tpu.memory_space<vmem>> -> memref<1x1024xf32, #tpu.memory_space<vmem>>
          %parallel_loop3A_742 = tpu.memref_squeeze %parallel_loop3A_741 : memref<1x1024xf32, #tpu.memory_space<vmem>> -> memref<1024xf32, #tpu.memory_space<vmem>>
          %parallel_loop3A_743 = arith.index_cast %parallel_loop3A_696 : i32 to index
          %parallel_loop3A_744 = tpu.vector_load %parallel_loop3A_742[%parallel_loop3A_743] {strides = array<i32>} : memref<1024xf32, #tpu.memory_space<vmem>>, vector<16xf32>,
          %parallel_loop3A_745 = vector.shape_cast %parallel_loop3A_744 : vector<16xf32> to vector<16xf32>
          %parallel_loop3A_746 = vector.shape_cast %parallel_loop3A_735 : vector<16xf32> to vector<16xf32>
          tpu.vector_store %parallel_loop3A_742[%parallel_loop3A_743], %parallel_loop3A_746 {strides = array<i32>} : memref<1024xf32, #tpu.memory_space<vmem>>, vector<16xf32>,
        } {sc.loop_unroll_factor = 4 : i64, sc.parallel_access}
      }
      %scan3A_584 = arith.constant 8 : i32
      %add3A_585 = arith.constant 16384 : i32
      %add3A_586 = arith.addi %add3A_585, %mul3A_2 : i32
      %mul3A_587 = arith.constant 8 : i32
      %mul3A_588 = arith.muli %add3A_554, %mul3A_587 : i32
      %add3A_589 = arith.addi %add3A_586, %mul3A_588 : i32
      %dma_start3A_590 = arith.constant 6 : i32
      %dma_start3A_591 = arith.constant 6 : i32
      %dma_start3A_592 = arith.constant 0 : i32
      %dma_start3A_593 = arith.constant 0 : i32
      %dma_start3A_594 = tpu.memref_slice %arg7[%dma_start3A_590, %dma_start3A_592, %dma_start3A_593] : memref<8x8x1024xf32, #tpu.memory_space<vmem>> -> memref<1x8x1024xf32, #tpu.memory_space<vmem>>
      %dma_start3A_595 = tpu.memref_squeeze %dma_start3A_594 : memref<1x8x1024xf32, #tpu.memory_space<vmem>> -> memref<8x1024xf32, #tpu.memory_space<vmem>>
      %dma_start3A_596 = arith.constant 0 : i32
      %dma_start3A_597 = tpu.memref_slice %arg5[%add3A_589, %dma_start3A_596] : memref<32768x1024xf32, #tpu.memory_space<hbm>> -> memref<8x1024xf32, #tpu.memory_space<hbm>>
      %dma_start3A_598 = tpu.memref_slice %arg11[%dma_start3A_591] : memref<8x!tpu.dma_semaphore, #tpu.memory_space<semaphore_mem>> -> memref<1x!tpu.dma_semaphore, #tpu.memory_space<semaphore_mem>>
      %dma_start3A_599 = tpu.memref_squeeze %dma_start3A_598 : memref<1x!tpu.dma_semaphore, #tpu.memory_space<semaphore_mem>> -> memref<!tpu.dma_semaphore, #tpu.memory_space<semaphore_mem>>
      %dma_start3A_600 = arith.constant 0 : i32
      %dma_start3A_601 = tpu.memref_slice %arg5[%add3A_589, %dma_start3A_600] : memref<32768x1024xf32, #tpu.memory_space<hbm>> -> memref<8x1024xf32, #tpu.memory_space<hbm>>
      %dma_start3A_602 = arith.constant 0 : i32
      %dma_start3A_603 = arith.constant 0 : i32
      %dma_start3A_604 = tpu.memref_slice %arg7[%dma_start3A_590, %dma_start3A_602, %dma_start3A_603] : memref<8x8x1024xf32, #tpu.memory_space<vmem>> -> memref<1x8x1024xf32, #tpu.memory_space<vmem>>
      %dma_start3A_605 = tpu.memref_squeeze %dma_start3A_604 : memref<1x8x1024xf32, #tpu.memory_space<vmem>> -> memref<8x1024xf32, #tpu.memory_space<vmem>>
      tpu.enqueue_dma source(%dma_start3A_605 : memref<8x1024xf32, #tpu.memory_space<vmem>>) target(%dma_start3A_601 : memref<8x1024xf32, #tpu.memory_space<hbm>>) target_semaphore(%dma_start3A_599 : memref<!tpu.dma_semaphore, #tpu.memory_space<semaphore_mem>>)
      %add3A_606 = arith.constant 7 : i32
      %add3A_607 = arith.addi %add3A_159, %add3A_606 : i32
      %add3A_608 = arith.constant 1 : i32
      %add3A_609 = arith.addi %shift_right_arithmetic3A_160, %add3A_608 : i32
      %ge3A_610 = arith.constant 4 : i32
      %ge3A_611 = arith.cmpi sge, %add3A_607, %ge3A_610 : i32
      %convert_element_type3A_612 = arith.extui %ge3A_611 : i1 to i32
      %cond3A_613 = arith.constant 0 : i32
      %cond3A_614 = arith.cmpi ne, %convert_element_type3A_612, %cond3A_613 : i32
      scf.if %cond3A_614 {
        %dma_wait3A_661 = arith.constant 3 : i32
        %dma_wait3A_662 = arith.constant 3 : i32
        %dma_wait3A_663 = arith.constant 0 : i32
        %dma_wait3A_664 = arith.constant 0 : i32
        %dma_wait3A_665 = tpu.memref_slice %arg7[%dma_wait3A_661, %dma_wait3A_663, %dma_wait3A_664] : memref<8x8x1024xf32, #tpu.memory_space<vmem>> -> memref<1x8x1024xf32, #tpu.memory_space<vmem>>
        %dma_wait3A_666 = tpu.memref_squeeze %dma_wait3A_665 : memref<1x8x1024xf32, #tpu.memory_space<vmem>> -> memref<8x1024xf32, #tpu.memory_space<vmem>>
        %dma_wait3A_667 = arith.constant 0 : i32
        %dma_wait3A_668 = arith.constant 0 : i32
        %dma_wait3A_669 = tpu.memref_slice %arg5[%dma_wait3A_667, %dma_wait3A_668] : memref<32768x1024xf32, #tpu.memory_space<hbm>> -> memref<8x1024xf32, #tpu.memory_space<hbm>>
        %dma_wait3A_670 = tpu.memref_slice %arg11[%dma_wait3A_662] : memref<8x!tpu.dma_semaphore, #tpu.memory_space<semaphore_mem>> -> memref<1x!tpu.dma_semaphore, #tpu.memory_space<semaphore_mem>>
        %dma_wait3A_671 = tpu.memref_squeeze %dma_wait3A_670 : memref<1x!tpu.dma_semaphore, #tpu.memory_space<semaphore_mem>> -> memref<!tpu.dma_semaphore, #tpu.memory_space<semaphore_mem>>
        %dma_wait3A_672 = arith.constant 0 : i32
        %dma_wait3A_673 = arith.constant 0 : i32
        %dma_wait3A_674 = tpu.memref_slice %arg5[%dma_wait3A_672, %dma_wait3A_673] : memref<32768x1024xf32, #tpu.memory_space<hbm>> -> memref<8x1024xf32, #tpu.memory_space<hbm>>
        %dma_wait3A_675 = arith.constant 0 : i32
        %dma_wait3A_676 = arith.constant 0 : i32
        %dma_wait3A_677 = tpu.memref_slice %arg7[%dma_wait3A_661, %dma_wait3A_675, %dma_wait3A_676] : memref<8x8x1024xf32, #tpu.memory_space<vmem>> -> memref<1x8x1024xf32, #tpu.memory_space<vmem>>
        %dma_wait3A_678 = tpu.memref_squeeze %dma_wait3A_677 : memref<1x8x1024xf32, #tpu.memory_space<vmem>> -> memref<8x1024xf32, #tpu.memory_space<vmem>>
        tpu.wait_dma2 semaphore(%dma_wait3A_671 : memref<!tpu.dma_semaphore, #tpu.memory_space<semaphore_mem>>) src(%dma_wait3A_678 : memref<8x1024xf32, #tpu.memory_space<vmem>>) dst(%dma_wait3A_674 : memref<8x1024xf32, #tpu.memory_space<hbm>>)
      } else {
      }
      %add3A_615 = arith.constant 4 : i32
      %add3A_616 = arith.addi %add3A_607, %add3A_615 : i32
      %lt3A_617 = arith.constant 128 : i32
      %lt3A_618 = arith.cmpi slt, %add3A_616, %lt3A_617 : i32
      %convert_element_type3A_619 = arith.extui %lt3A_618 : i1 to i32
      %cond3A_620 = arith.constant 0 : i32
      %cond3A_621 = arith.cmpi ne, %convert_element_type3A_619, %cond3A_620 : i32
      scf.if %cond3A_621 {
        %add3A_661 = arith.constant 1 : i32
        %add3A_662 = arith.addi %add3A_609, %add3A_661 : i32
        %mul3A_663 = arith.constant 8 : i32
        %mul3A_664 = arith.muli %add3A_662, %mul3A_663 : i32
        %add3A_665 = arith.constant 768 : i32
        %add3A_666 = arith.addi %add3A_665, %mul3A_664 : i32
        %dma_start3A_667 = arith.constant 3 : i32
        %dma_start3A_668 = arith.constant 3 : i32
        %dma_start3A_669 = arith.constant 0 : i32
        %dma_start3A_670 = arith.constant 0 : i32
        %dma_start3A_671 = tpu.memref_slice %arg7[%dma_start3A_667, %dma_start3A_669, %dma_start3A_670] : memref<8x8x1024xf32, #tpu.memory_space<vmem>> -> memref<1x8x1024xf32, #tpu.memory_space<vmem>>
        %dma_start3A_672 = tpu.memref_squeeze %dma_start3A_671 : memref<1x8x1024xf32, #tpu.memory_space<vmem>> -> memref<8x1024xf32, #tpu.memory_space<vmem>>
        %dma_start3A_673 = tpu.memref_slice %arg6[%add3A_666] : memref<1024xi32, #tpu.memory_space<vmem>> -> memref<8xi32, #tpu.memory_space<vmem>>
        %dma_start3A_674 = arith.constant 0 : i32
        %dma_start3A_675 = arith.constant 0 : i32
        %dma_start3A_676 = tpu.memref_slice %arg3[%dma_start3A_674, %dma_start3A_675] : memref<100000x1024xf32, #tpu.memory_space<hbm>> -> memref<100000x1024xf32, #tpu.memory_space<hbm>>
        %dma_start3A_677 = tpu.memref_slice %arg9[%dma_start3A_668] : memref<8x!tpu.dma_semaphore, #tpu.memory_space<semaphore_mem>> -> memref<1x!tpu.dma_semaphore, #tpu.memory_space<semaphore_mem>>
        %dma_start3A_678 = tpu.memref_squeeze %dma_start3A_677 : memref<1x!tpu.dma_semaphore, #tpu.memory_space<semaphore_mem>> -> memref<!tpu.dma_semaphore, #tpu.memory_space<semaphore_mem>>
        tpu.enqueue_indirect_dma source(%dma_start3A_676 : memref<100000x1024xf32, #tpu.memory_space<hbm>>) target(%dma_start3A_672 : memref<8x1024xf32, #tpu.memory_space<vmem>>) offsets(%dma_start3A_673 : memref<8xi32, #tpu.memory_space<vmem>>) semaphore(%dma_start3A_678 : memref<!tpu.dma_semaphore, #tpu.memory_space<semaphore_mem>>)
      } else {
      }
      %dma_wait3A_622 = arith.constant 7 : i32
      %dma_wait3A_623 = arith.constant 7 : i32
      %dma_wait3A_624 = arith.constant 0 : i32
      %dma_wait3A_625 = arith.constant 0 : i32
      %dma_wait3A_626 = tpu.memref_slice %arg7[%dma_wait3A_622, %dma_wait3A_624, %dma_wait3A_625] : memref<8x8x1024xf32, #tpu.memory_space<vmem>> -> memref<1x8x1024xf32, #tpu.memory_space<vmem>>
      %dma_wait3A_627 = tpu.memref_squeeze %dma_wait3A_626 : memref<1x8x1024xf32, #tpu.memory_space<vmem>> -> memref<8x1024xf32, #tpu.memory_space<vmem>>
      %dma_wait3A_628 = arith.constant 0 : i32
      %dma_wait3A_629 = tpu.memref_slice %arg6[%dma_wait3A_628] : memref<1024xi32, #tpu.memory_space<vmem>> -> memref<8xi32, #tpu.memory_space<vmem>>
      %dma_wait3A_630 = arith.constant 0 : i32
      %dma_wait3A_631 = arith.constant 0 : i32
      %dma_wait3A_632 = tpu.memref_slice %arg3[%dma_wait3A_630, %dma_wait3A_631] : memref<100000x1024xf32, #tpu.memory_space<hbm>> -> memref<100000x1024xf32, #tpu.memory_space<hbm>>
      %dma_wait3A_633 = tpu.memref_slice %arg9[%dma_wait3A_623] : memref<8x!tpu.dma_semaphore, #tpu.memory_space<semaphore_mem>> -> memref<1x!tpu.dma_semaphore, #tpu.memory_space<semaphore_mem>>
      %dma_wait3A_634 = tpu.memref_squeeze %dma_wait3A_633 : memref<1x!tpu.dma_semaphore, #tpu.memory_space<semaphore_mem>> -> memref<!tpu.dma_semaphore, #tpu.memory_space<semaphore_mem>>
      tpu.wait_indirect_dma semaphore(%dma_wait3A_634 : memref<!tpu.dma_semaphore, #tpu.memory_space<semaphore_mem>>) src(%dma_wait3A_632 : memref<100000x1024xf32, #tpu.memory_space<hbm>>) dst(%dma_wait3A_627 : memref<8x1024xf32, #tpu.memory_space<vmem>>)
      %scan3A_635 = arith.constant 0 : i32
      %scan3A_636 = arith.constant 8 : i32
      %scan3A_637 = arith.addi %scan3A_635, %scan3A_636 : i32
      %scan3A_638 = arith.constant 1 : i32
      scf.for %scan3A_661 = %scan3A_635 to %scan3A_637 step %scan3A_638  : i32 {
        %mul3A_662 = arith.constant 1 : i32
        %mul3A_663 = arith.muli %scan3A_661, %mul3A_662 : i32
        %add3A_664 = arith.constant 0 : i32
        %add3A_665 = arith.addi %add3A_664, %mul3A_663 : i32
        %parallel_loop3A = arith.constant 0 : i32
        %parallel_loop3A_666 = arith.constant 32 : i32
        %parallel_loop3A_667 = arith.constant 1 : i32
        %parallel_loop3A_668 = arith.constant 1 : i32
        %parallel_loop3A_669 = arith.constant 7 : i32
        scf.for %parallel_loop3A_670 = %parallel_loop3A to %parallel_loop3A_666 step %parallel_loop3A_667  : i32 {
          %parallel_loop3A_671 = arith.constant 2 : i32
          %parallel_loop3A_672 = arith.muli %parallel_loop3A_670, %parallel_loop3A_671 : i32
          %parallel_loop3A_673 = arith.constant 16 : i32
          %parallel_loop3A_674 = arith.muli %parallel_loop3A_672, %parallel_loop3A_673 : i32
          %parallel_loop3A_675 = arith.constant 16 : i32
          %parallel_loop3A_676 = arith.muli %parallel_loop3A_670, %parallel_loop3A_675 : i32
          %parallel_loop3A_677 = arith.constant 0 : i32
          %parallel_loop3A_678 = arith.constant 0 : i32
          %parallel_loop3A_679 = tpu.memref_slice %arg8[%parallel_loop3A_668, %parallel_loop3A_677, %parallel_loop3A_678] : memref<2x8x512xi32, #tpu.memory_space<vmem>> -> memref<1x8x512xi32, #tpu.memory_space<vmem>>
          %parallel_loop3A_680 = tpu.memref_squeeze %parallel_loop3A_679 : memref<1x8x512xi32, #tpu.memory_space<vmem>> -> memref<8x512xi32, #tpu.memory_space<vmem>>
          %parallel_loop3A_681 = arith.constant 0 : i32
          %parallel_loop3A_682 = tpu.memref_slice %parallel_loop3A_680[%add3A_665, %parallel_loop3A_681] : memref<8x512xi32, #tpu.memory_space<vmem>> -> memref<1x512xi32, #tpu.memory_space<vmem>>
          %parallel_loop3A_683 = tpu.memref_squeeze %parallel_loop3A_682 : memref<1x512xi32, #tpu.memory_space<vmem>> -> memref<512xi32, #tpu.memory_space<vmem>>
          %parallel_loop3A_684 = arith.index_cast %parallel_loop3A_676 : i32 to index
          %parallel_loop3A_685 = tpu.vector_load %parallel_loop3A_683[%parallel_loop3A_684] {strides = array<i32>} : memref<512xi32, #tpu.memory_space<vmem>>, vector<16xi32>,
          %parallel_loop3A_686 = vector.shape_cast %parallel_loop3A_685 : vector<16xi32> to vector<16xi32>
          %parallel_loop3A_687 = arith.constant 16 : i32
          %parallel_loop3A_688 = vector.broadcast %parallel_loop3A_687 : i32 to vector<16xi32>
          %parallel_loop3A_689 = arith.shli %parallel_loop3A_686, %parallel_loop3A_688 : vector<16xi32>
          %parallel_loop3A_690 = tpu.bitcast %parallel_loop3A_689 : vector<16xi32> -> vector<16xf32>
          %parallel_loop3A_691 = arith.constant -65536 : i32
          %parallel_loop3A_692 = vector.broadcast %parallel_loop3A_691 : i32 to vector<16xi32>
          %parallel_loop3A_693 = arith.andi %parallel_loop3A_686, %parallel_loop3A_692 : vector<16xi32>
          %parallel_loop3A_694 = tpu.bitcast %parallel_loop3A_693 : vector<16xi32> -> vector<16xf32>
          %parallel_loop3A_695 = arith.constant 16 : i32
          %parallel_loop3A_696 = arith.addi %parallel_loop3A_674, %parallel_loop3A_695 : i32
          %parallel_loop3A_697 = arith.constant 0 : i32
          %parallel_loop3A_698 = arith.constant 0 : i32
          %parallel_loop3A_699 = tpu.memref_slice %arg7[%parallel_loop3A_669, %parallel_loop3A_697, %parallel_loop3A_698] : memref<8x8x1024xf32, #tpu.memory_space<vmem>> -> memref<1x8x1024xf32, #tpu.memory_space<vmem>>
          %parallel_loop3A_700 = tpu.memref_squeeze %parallel_loop3A_699 : memref<1x8x1024xf32, #tpu.memory_space<vmem>> -> memref<8x1024xf32, #tpu.memory_space<vmem>>
          %parallel_loop3A_701 = arith.constant 0 : i32
          %parallel_loop3A_702 = tpu.memref_slice %parallel_loop3A_700[%add3A_665, %parallel_loop3A_701] : memref<8x1024xf32, #tpu.memory_space<vmem>> -> memref<1x1024xf32, #tpu.memory_space<vmem>>
          %parallel_loop3A_703 = tpu.memref_squeeze %parallel_loop3A_702 : memref<1x1024xf32, #tpu.memory_space<vmem>> -> memref<1024xf32, #tpu.memory_space<vmem>>
          %parallel_loop3A_704 = arith.index_cast %parallel_loop3A_674 : i32 to index
          %parallel_loop3A_705 = tpu.vector_load %parallel_loop3A_703[%parallel_loop3A_704] {strides = array<i32>} : memref<1024xf32, #tpu.memory_space<vmem>>, vector<16xf32>,
          %parallel_loop3A_706 = vector.shape_cast %parallel_loop3A_705 : vector<16xf32> to vector<16xf32>
          %parallel_loop3A_707 = arith.constant 3.200000e+01 : f32
          %parallel_loop3A_708 = vector.broadcast %parallel_loop3A_707 : f32 to vector<16xf32>
          %parallel_loop3A_709 = arith.mulf %parallel_loop3A_706, %parallel_loop3A_708 : vector<16xf32>
          %parallel_loop3A_710 = arith.addf %parallel_loop3A_709, %parallel_loop3A_690 : vector<16xf32>
          %parallel_loop3A_711 = arith.constant 0 : i32
          %parallel_loop3A_712 = arith.constant 0 : i32
          %parallel_loop3A_713 = tpu.memref_slice %arg7[%parallel_loop3A_669, %parallel_loop3A_711, %parallel_loop3A_712] : memref<8x8x1024xf32, #tpu.memory_space<vmem>> -> memref<1x8x1024xf32, #tpu.memory_space<vmem>>
          %parallel_loop3A_714 = tpu.memref_squeeze %parallel_loop3A_713 : memref<1x8x1024xf32, #tpu.memory_space<vmem>> -> memref<8x1024xf32, #tpu.memory_space<vmem>>
          %parallel_loop3A_715 = arith.constant 0 : i32
          %parallel_loop3A_716 = tpu.memref_slice %parallel_loop3A_714[%add3A_665, %parallel_loop3A_715] : memref<8x1024xf32, #tpu.memory_space<vmem>> -> memref<1x1024xf32, #tpu.memory_space<vmem>>
          %parallel_loop3A_717 = tpu.memref_squeeze %parallel_loop3A_716 : memref<1x1024xf32, #tpu.memory_space<vmem>> -> memref<1024xf32, #tpu.memory_space<vmem>>
          %parallel_loop3A_718 = arith.index_cast %parallel_loop3A_674 : i32 to index
          %parallel_loop3A_719 = tpu.vector_load %parallel_loop3A_717[%parallel_loop3A_718] {strides = array<i32>} : memref<1024xf32, #tpu.memory_space<vmem>>, vector<16xf32>,
          %parallel_loop3A_720 = vector.shape_cast %parallel_loop3A_719 : vector<16xf32> to vector<16xf32>
          %parallel_loop3A_721 = vector.shape_cast %parallel_loop3A_710 : vector<16xf32> to vector<16xf32>
          tpu.vector_store %parallel_loop3A_717[%parallel_loop3A_718], %parallel_loop3A_721 {strides = array<i32>} : memref<1024xf32, #tpu.memory_space<vmem>>, vector<16xf32>,
          %parallel_loop3A_722 = arith.constant 0 : i32
          %parallel_loop3A_723 = arith.constant 0 : i32
          %parallel_loop3A_724 = tpu.memref_slice %arg7[%parallel_loop3A_669, %parallel_loop3A_722, %parallel_loop3A_723] : memref<8x8x1024xf32, #tpu.memory_space<vmem>> -> memref<1x8x1024xf32, #tpu.memory_space<vmem>>
          %parallel_loop3A_725 = tpu.memref_squeeze %parallel_loop3A_724 : memref<1x8x1024xf32, #tpu.memory_space<vmem>> -> memref<8x1024xf32, #tpu.memory_space<vmem>>
          %parallel_loop3A_726 = arith.constant 0 : i32
          %parallel_loop3A_727 = tpu.memref_slice %parallel_loop3A_725[%add3A_665, %parallel_loop3A_726] : memref<8x1024xf32, #tpu.memory_space<vmem>> -> memref<1x1024xf32, #tpu.memory_space<vmem>>
          %parallel_loop3A_728 = tpu.memref_squeeze %parallel_loop3A_727 : memref<1x1024xf32, #tpu.memory_space<vmem>> -> memref<1024xf32, #tpu.memory_space<vmem>>
          %parallel_loop3A_729 = arith.index_cast %parallel_loop3A_696 : i32 to index
          %parallel_loop3A_730 = tpu.vector_load %parallel_loop3A_728[%parallel_loop3A_729] {strides = array<i32>} : memref<1024xf32, #tpu.memory_space<vmem>>, vector<16xf32>,
          %parallel_loop3A_731 = vector.shape_cast %parallel_loop3A_730 : vector<16xf32> to vector<16xf32>
          %parallel_loop3A_732 = arith.constant 3.200000e+01 : f32
          %parallel_loop3A_733 = vector.broadcast %parallel_loop3A_732 : f32 to vector<16xf32>
          %parallel_loop3A_734 = arith.mulf %parallel_loop3A_731, %parallel_loop3A_733 : vector<16xf32>
          %parallel_loop3A_735 = arith.addf %parallel_loop3A_734, %parallel_loop3A_694 : vector<16xf32>
          %parallel_loop3A_736 = arith.constant 0 : i32
          %parallel_loop3A_737 = arith.constant 0 : i32
          %parallel_loop3A_738 = tpu.memref_slice %arg7[%parallel_loop3A_669, %parallel_loop3A_736, %parallel_loop3A_737] : memref<8x8x1024xf32, #tpu.memory_space<vmem>> -> memref<1x8x1024xf32, #tpu.memory_space<vmem>>
          %parallel_loop3A_739 = tpu.memref_squeeze %parallel_loop3A_738 : memref<1x8x1024xf32, #tpu.memory_space<vmem>> -> memref<8x1024xf32, #tpu.memory_space<vmem>>
          %parallel_loop3A_740 = arith.constant 0 : i32
          %parallel_loop3A_741 = tpu.memref_slice %parallel_loop3A_739[%add3A_665, %parallel_loop3A_740] : memref<8x1024xf32, #tpu.memory_space<vmem>> -> memref<1x1024xf32, #tpu.memory_space<vmem>>
          %parallel_loop3A_742 = tpu.memref_squeeze %parallel_loop3A_741 : memref<1x1024xf32, #tpu.memory_space<vmem>> -> memref<1024xf32, #tpu.memory_space<vmem>>
          %parallel_loop3A_743 = arith.index_cast %parallel_loop3A_696 : i32 to index
          %parallel_loop3A_744 = tpu.vector_load %parallel_loop3A_742[%parallel_loop3A_743] {strides = array<i32>} : memref<1024xf32, #tpu.memory_space<vmem>>, vector<16xf32>,
          %parallel_loop3A_745 = vector.shape_cast %parallel_loop3A_744 : vector<16xf32> to vector<16xf32>
          %parallel_loop3A_746 = vector.shape_cast %parallel_loop3A_735 : vector<16xf32> to vector<16xf32>
          tpu.vector_store %parallel_loop3A_742[%parallel_loop3A_743], %parallel_loop3A_746 {strides = array<i32>} : memref<1024xf32, #tpu.memory_space<vmem>>, vector<16xf32>,
        } {sc.loop_unroll_factor = 4 : i64, sc.parallel_access}
      }
      %scan3A_639 = arith.constant 8 : i32
      %add3A_640 = arith.constant 24576 : i32
      %add3A_641 = arith.addi %add3A_640, %mul3A_2 : i32
      %mul3A_642 = arith.constant 8 : i32
      %mul3A_643 = arith.muli %add3A_609, %mul3A_642 : i32
      %add3A_644 = arith.addi %add3A_641, %mul3A_643 : i32
      %dma_start3A_645 = arith.constant 7 : i32
      %dma_start3A_646 = arith.constant 7 : i32
      %dma_start3A_647 = arith.constant 0 : i32
      %dma_start3A_648 = arith.constant 0 : i32
      %dma_start3A_649 = tpu.memref_slice %arg7[%dma_start3A_645, %dma_start3A_647, %dma_start3A_648] : memref<8x8x1024xf32, #tpu.memory_space<vmem>> -> memref<1x8x1024xf32, #tpu.memory_space<vmem>>
      %dma_start3A_650 = tpu.memref_squeeze %dma_start3A_649 : memref<1x8x1024xf32, #tpu.memory_space<vmem>> -> memref<8x1024xf32, #tpu.memory_space<vmem>>
      %dma_start3A_651 = arith.constant 0 : i32
      %dma_start3A_652 = tpu.memref_slice %arg5[%add3A_644, %dma_start3A_651] : memref<32768x1024xf32, #tpu.memory_space<hbm>> -> memref<8x1024xf32, #tpu.memory_space<hbm>>
      %dma_start3A_653 = tpu.memref_slice %arg11[%dma_start3A_646] : memref<8x!tpu.dma_semaphore, #tpu.memory_space<semaphore_mem>> -> memref<1x!tpu.dma_semaphore, #tpu.memory_space<semaphore_mem>>
      %dma_start3A_654 = tpu.memref_squeeze %dma_start3A_653 : memref<1x!tpu.dma_semaphore, #tpu.memory_space<semaphore_mem>> -> memref<!tpu.dma_semaphore, #tpu.memory_space<semaphore_mem>>
      %dma_start3A_655 = arith.constant 0 : i32
      %dma_start3A_656 = tpu.memref_slice %arg5[%add3A_644, %dma_start3A_655] : memref<32768x1024xf32, #tpu.memory_space<hbm>> -> memref<8x1024xf32, #tpu.memory_space<hbm>>
      %dma_start3A_657 = arith.constant 0 : i32
      %dma_start3A_658 = arith.constant 0 : i32
      %dma_start3A_659 = tpu.memref_slice %arg7[%dma_start3A_645, %dma_start3A_657, %dma_start3A_658] : memref<8x8x1024xf32, #tpu.memory_space<vmem>> -> memref<1x8x1024xf32, #tpu.memory_space<vmem>>
      %dma_start3A_660 = tpu.memref_squeeze %dma_start3A_659 : memref<1x8x1024xf32, #tpu.memory_space<vmem>> -> memref<8x1024xf32, #tpu.memory_space<vmem>>
      tpu.enqueue_dma source(%dma_start3A_660 : memref<8x1024xf32, #tpu.memory_space<vmem>>) target(%dma_start3A_656 : memref<8x1024xf32, #tpu.memory_space<hbm>>) target_semaphore(%dma_start3A_654 : memref<!tpu.dma_semaphore, #tpu.memory_space<semaphore_mem>>)
    }
    %scan3A_83 = arith.constant 16 : i32
    %dma_wait3A = arith.constant 4 : i32
    %dma_wait3A_84 = arith.constant 4 : i32
    %dma_wait3A_85 = arith.constant 0 : i32
    %dma_wait3A_86 = arith.constant 0 : i32
    %dma_wait3A_87 = tpu.memref_slice %arg7[%dma_wait3A, %dma_wait3A_85, %dma_wait3A_86] : memref<8x8x1024xf32, #tpu.memory_space<vmem>> -> memref<1x8x1024xf32, #tpu.memory_space<vmem>>
    %dma_wait3A_88 = tpu.memref_squeeze %dma_wait3A_87 : memref<1x8x1024xf32, #tpu.memory_space<vmem>> -> memref<8x1024xf32, #tpu.memory_space<vmem>>
    %dma_wait3A_89 = arith.constant 0 : i32
    %dma_wait3A_90 = arith.constant 0 : i32
    %dma_wait3A_91 = tpu.memref_slice %arg5[%dma_wait3A_89, %dma_wait3A_90] : memref<32768x1024xf32, #tpu.memory_space<hbm>> -> memref<8x1024xf32, #tpu.memory_space<hbm>>
    %dma_wait3A_92 = tpu.memref_slice %arg11[%dma_wait3A_84] : memref<8x!tpu.dma_semaphore, #tpu.memory_space<semaphore_mem>> -> memref<1x!tpu.dma_semaphore, #tpu.memory_space<semaphore_mem>>
    %dma_wait3A_93 = tpu.memref_squeeze %dma_wait3A_92 : memref<1x!tpu.dma_semaphore, #tpu.memory_space<semaphore_mem>> -> memref<!tpu.dma_semaphore, #tpu.memory_space<semaphore_mem>>
    %dma_wait3A_94 = arith.constant 0 : i32
    %dma_wait3A_95 = arith.constant 0 : i32
    %dma_wait3A_96 = tpu.memref_slice %arg5[%dma_wait3A_94, %dma_wait3A_95] : memref<32768x1024xf32, #tpu.memory_space<hbm>> -> memref<8x1024xf32, #tpu.memory_space<hbm>>
    %dma_wait3A_97 = arith.constant 0 : i32
    %dma_wait3A_98 = arith.constant 0 : i32
    %dma_wait3A_99 = tpu.memref_slice %arg7[%dma_wait3A, %dma_wait3A_97, %dma_wait3A_98] : memref<8x8x1024xf32, #tpu.memory_space<vmem>> -> memref<1x8x1024xf32, #tpu.memory_space<vmem>>
    %dma_wait3A_100 = tpu.memref_squeeze %dma_wait3A_99 : memref<1x8x1024xf32, #tpu.memory_space<vmem>> -> memref<8x1024xf32, #tpu.memory_space<vmem>>
    tpu.wait_dma2 semaphore(%dma_wait3A_93 : memref<!tpu.dma_semaphore, #tpu.memory_space<semaphore_mem>>) src(%dma_wait3A_100 : memref<8x1024xf32, #tpu.memory_space<vmem>>) dst(%dma_wait3A_96 : memref<8x1024xf32, #tpu.memory_space<hbm>>)
    %dma_wait3A_101 = arith.constant 5 : i32
    %dma_wait3A_102 = arith.constant 5 : i32
    %dma_wait3A_103 = arith.constant 0 : i32
    %dma_wait3A_104 = arith.constant 0 : i32
    %dma_wait3A_105 = tpu.memref_slice %arg7[%dma_wait3A_101, %dma_wait3A_103, %dma_wait3A_104] : memref<8x8x1024xf32, #tpu.memory_space<vmem>> -> memref<1x8x1024xf32, #tpu.memory_space<vmem>>
    %dma_wait3A_106 = tpu.memref_squeeze %dma_wait3A_105 : memref<1x8x1024xf32, #tpu.memory_space<vmem>> -> memref<8x1024xf32, #tpu.memory_space<vmem>>
    %dma_wait3A_107 = arith.constant 0 : i32
    %dma_wait3A_108 = arith.constant 0 : i32
    %dma_wait3A_109 = tpu.memref_slice %arg5[%dma_wait3A_107, %dma_wait3A_108] : memref<32768x1024xf32, #tpu.memory_space<hbm>> -> memref<8x1024xf32, #tpu.memory_space<hbm>>
    %dma_wait3A_110 = tpu.memref_slice %arg11[%dma_wait3A_102] : memref<8x!tpu.dma_semaphore, #tpu.memory_space<semaphore_mem>> -> memref<1x!tpu.dma_semaphore, #tpu.memory_space<semaphore_mem>>
    %dma_wait3A_111 = tpu.memref_squeeze %dma_wait3A_110 : memref<1x!tpu.dma_semaphore, #tpu.memory_space<semaphore_mem>> -> memref<!tpu.dma_semaphore, #tpu.memory_space<semaphore_mem>>
    %dma_wait3A_112 = arith.constant 0 : i32
    %dma_wait3A_113 = arith.constant 0 : i32
    %dma_wait3A_114 = tpu.memref_slice %arg5[%dma_wait3A_112, %dma_wait3A_113] : memref<32768x1024xf32, #tpu.memory_space<hbm>> -> memref<8x1024xf32, #tpu.memory_space<hbm>>
    %dma_wait3A_115 = arith.constant 0 : i32
    %dma_wait3A_116 = arith.constant 0 : i32
    %dma_wait3A_117 = tpu.memref_slice %arg7[%dma_wait3A_101, %dma_wait3A_115, %dma_wait3A_116] : memref<8x8x1024xf32, #tpu.memory_space<vmem>> -> memref<1x8x1024xf32, #tpu.memory_space<vmem>>
    %dma_wait3A_118 = tpu.memref_squeeze %dma_wait3A_117 : memref<1x8x1024xf32, #tpu.memory_space<vmem>> -> memref<8x1024xf32, #tpu.memory_space<vmem>>
    tpu.wait_dma2 semaphore(%dma_wait3A_111 : memref<!tpu.dma_semaphore, #tpu.memory_space<semaphore_mem>>) src(%dma_wait3A_118 : memref<8x1024xf32, #tpu.memory_space<vmem>>) dst(%dma_wait3A_114 : memref<8x1024xf32, #tpu.memory_space<hbm>>)
    %dma_wait3A_119 = arith.constant 6 : i32
    %dma_wait3A_120 = arith.constant 6 : i32
    %dma_wait3A_121 = arith.constant 0 : i32
    %dma_wait3A_122 = arith.constant 0 : i32
    %dma_wait3A_123 = tpu.memref_slice %arg7[%dma_wait3A_119, %dma_wait3A_121, %dma_wait3A_122] : memref<8x8x1024xf32, #tpu.memory_space<vmem>> -> memref<1x8x1024xf32, #tpu.memory_space<vmem>>
    %dma_wait3A_124 = tpu.memref_squeeze %dma_wait3A_123 : memref<1x8x1024xf32, #tpu.memory_space<vmem>> -> memref<8x1024xf32, #tpu.memory_space<vmem>>
    %dma_wait3A_125 = arith.constant 0 : i32
    %dma_wait3A_126 = arith.constant 0 : i32
    %dma_wait3A_127 = tpu.memref_slice %arg5[%dma_wait3A_125, %dma_wait3A_126] : memref<32768x1024xf32, #tpu.memory_space<hbm>> -> memref<8x1024xf32, #tpu.memory_space<hbm>>
    %dma_wait3A_128 = tpu.memref_slice %arg11[%dma_wait3A_120] : memref<8x!tpu.dma_semaphore, #tpu.memory_space<semaphore_mem>> -> memref<1x!tpu.dma_semaphore, #tpu.memory_space<semaphore_mem>>
    %dma_wait3A_129 = tpu.memref_squeeze %dma_wait3A_128 : memref<1x!tpu.dma_semaphore, #tpu.memory_space<semaphore_mem>> -> memref<!tpu.dma_semaphore, #tpu.memory_space<semaphore_mem>>
    %dma_wait3A_130 = arith.constant 0 : i32
    %dma_wait3A_131 = arith.constant 0 : i32
    %dma_wait3A_132 = tpu.memref_slice %arg5[%dma_wait3A_130, %dma_wait3A_131] : memref<32768x1024xf32, #tpu.memory_space<hbm>> -> memref<8x1024xf32, #tpu.memory_space<hbm>>
    %dma_wait3A_133 = arith.constant 0 : i32
    %dma_wait3A_134 = arith.constant 0 : i32
    %dma_wait3A_135 = tpu.memref_slice %arg7[%dma_wait3A_119, %dma_wait3A_133, %dma_wait3A_134] : memref<8x8x1024xf32, #tpu.memory_space<vmem>> -> memref<1x8x1024xf32, #tpu.memory_space<vmem>>
    %dma_wait3A_136 = tpu.memref_squeeze %dma_wait3A_135 : memref<1x8x1024xf32, #tpu.memory_space<vmem>> -> memref<8x1024xf32, #tpu.memory_space<vmem>>
    tpu.wait_dma2 semaphore(%dma_wait3A_129 : memref<!tpu.dma_semaphore, #tpu.memory_space<semaphore_mem>>) src(%dma_wait3A_136 : memref<8x1024xf32, #tpu.memory_space<vmem>>) dst(%dma_wait3A_132 : memref<8x1024xf32, #tpu.memory_space<hbm>>)
    %dma_wait3A_137 = arith.constant 7 : i32
    %dma_wait3A_138 = arith.constant 7 : i32
    %dma_wait3A_139 = arith.constant 0 : i32
    %dma_wait3A_140 = arith.constant 0 : i32
    %dma_wait3A_141 = tpu.memref_slice %arg7[%dma_wait3A_137, %dma_wait3A_139, %dma_wait3A_140] : memref<8x8x1024xf32, #tpu.memory_space<vmem>> -> memref<1x8x1024xf32, #tpu.memory_space<vmem>>
    %dma_wait3A_142 = tpu.memref_squeeze %dma_wait3A_141 : memref<1x8x1024xf32, #tpu.memory_space<vmem>> -> memref<8x1024xf32, #tpu.memory_space<vmem>>
    %dma_wait3A_143 = arith.constant 0 : i32
    %dma_wait3A_144 = arith.constant 0 : i32
    %dma_wait3A_145 = tpu.memref_slice %arg5[%dma_wait3A_143, %dma_wait3A_144] : memref<32768x1024xf32, #tpu.memory_space<hbm>> -> memref<8x1024xf32, #tpu.memory_space<hbm>>
    %dma_wait3A_146 = tpu.memref_slice %arg11[%dma_wait3A_138] : memref<8x!tpu.dma_semaphore, #tpu.memory_space<semaphore_mem>> -> memref<1x!tpu.dma_semaphore, #tpu.memory_space<semaphore_mem>>
    %dma_wait3A_147 = tpu.memref_squeeze %dma_wait3A_146 : memref<1x!tpu.dma_semaphore, #tpu.memory_space<semaphore_mem>> -> memref<!tpu.dma_semaphore, #tpu.memory_space<semaphore_mem>>
    %dma_wait3A_148 = arith.constant 0 : i32
    %dma_wait3A_149 = arith.constant 0 : i32
    %dma_wait3A_150 = tpu.memref_slice %arg5[%dma_wait3A_148, %dma_wait3A_149] : memref<32768x1024xf32, #tpu.memory_space<hbm>> -> memref<8x1024xf32, #tpu.memory_space<hbm>>
    %dma_wait3A_151 = arith.constant 0 : i32
    %dma_wait3A_152 = arith.constant 0 : i32
    %dma_wait3A_153 = tpu.memref_slice %arg7[%dma_wait3A_137, %dma_wait3A_151, %dma_wait3A_152] : memref<8x8x1024xf32, #tpu.memory_space<vmem>> -> memref<1x8x1024xf32, #tpu.memory_space<vmem>>
    %dma_wait3A_154 = tpu.memref_squeeze %dma_wait3A_153 : memref<1x8x1024xf32, #tpu.memory_space<vmem>> -> memref<8x1024xf32, #tpu.memory_space<vmem>>
    tpu.wait_dma2 semaphore(%dma_wait3A_147 : memref<!tpu.dma_semaphore, #tpu.memory_space<semaphore_mem>>) src(%dma_wait3A_154 : memref<8x1024xf32, #tpu.memory_space<vmem>>) dst(%dma_wait3A_150 : memref<8x1024xf32, #tpu.memory_space<hbm>>)
    return
  }
}

</mosaic_0001>

<sc_bundles>
// kernel: kernel.3.cloned.1.call-start
scs
__scs_entry_jumppad:
0x0: {  	(pc) =	sbr.rel $0x88, $3  }
0x1: {  	(tag) =	ssettag $0x0;
	lr =	simm.s32 $0x1  }
0x2: {  	[smem:$0x3F9F] =	sst lr;
	_ =	strace $0xD0000000  }
0x3: {  	_ = 	snop  }
0x4: {  	_ = 	snop  }
0x5: {  	_ = 	snop  }
0x6: {  	_ = 	snop  }
0x7: {  	_ = 	snop  }
__scs_overlays_trampoline_lowered:
0x8: {  	[smem:$0x3FAE] =	sst s0  }
0x9: {  	[smem:$0x3FAF] =	sst s1  }
0xa: {  	[smem:$0x3FB0] =	sst s2  }
0xb: {  	[smem:$0x3FB1] =	sst s3  }
0xc: {  	[smem:$0x3FB2] =	sst s4  }
0xd: {  	[smem:$0x3FB3] =	sst s5  }
0xe: {  	[smem:$0x3FB4] =	sst s6  }
0xf: {  	[smem:$0x3FB5] =	sst s7  }
0x10: {  	[smem:$0x3FB6] =	sst s8  }
0x11: {  	[smem:$0x3FB7] =	sst s9;
	s0 =	simm.s32 @!p0 $0x0  }
0x12: {  	s1 =	sld [smem:$0x3F9D];
	s0 =	simm.s32 @p0 $0x1  }
0x13: {  	[smem:$0x3FB8] =	sst s0;
	s0 =	simm.s32 @!p1 $0x0  }
0x14: {  	s2 =	sld [smem:$0x3F9C];
	s0 =	simm.s32 @p1 $0x1  }
0x15: {  	[smem:$0x3FB9] =	sst s0;
	s0 =	simm.s32 @!p2 $0x0  }
0x16: {  	s3 =	sld [smem:$0x3FDB];
	s0 =	simm.s32 @p2 $0x1  }
0x17: {  	s4 =	simm.s32 $0x1BF5;
	[smem:$0x3FBB] =	sst s0  }
0x18: {  	s0 =	sld [smem:$0x3F9E];
	_ =	swait.ge [sflag:s4], $0x0  }
0x19: {  	s7 =	sld [smem:$0x3F9F]  }
0x1a: {  	s8 =	sadd.s32 $0xFFFFE003, lr  }
0x1b: {  	s9 =	sadd.s32 $0xFFFFFEF7, lr;
	s5 =	simm.s32 $0xFFFFFFFF;
	p2 =	slt.u32 s8, $0xFFFFF086  }
0x1c: {  	p1 =	slt.u32 s9, $0xF7A;
	s5 =	simm.s32 @!p2 $0x0  }
0x1d: {  	s5 =	simm.s32 @p1 $0x1;
	p0 =	seq.s32 s7, s2  }
0x1e: {  	s7 =	smul.u32 @!p0 $0xF7A, s2;
	p2 =	seq.s32 @!p0 s5, $0x0  }
0x1f: {  	s9 =	smul.u32 $0xF7A, s1;
	s8 =	simm.s32 @!p0 $0x1BF5;
	p2 =	por !p2, p0  }
0x20: {  	[sflag:s8] =	ssyncset.s32 @!p0 $0xFFFFF086;
	s6 =	sadd.s32 @!p0 s3, s7;
	s7 =	simm.s32 @!p0 $0x108  }
0x21: {  	s3 =	sadd.s32 s3, s9;
	s6 =	sadd.s32 @!p0 $0x88, s6;
	s7 =	simm.s32 @p2 $0x1082  }
0x22: {  	[simem:s7], [sflag:s8] =	dma.local @!p0 [hbm:s6], $0xF7A  }
0x23: {  	s9 =	sor.u32 $0xD0000000, s2;
	s6 =	simm.s32 $0x108;
	_ =	swait.ge @!p0 [sflag:s8], $0x0  }
0x24: {  	s3 =	sadd.s32 $0x88, s3;
	s6 =	simm.s32 @!p1 $0x1082;
	[sflag:s4] =	ssyncset.s32 $0xFFFFF086  }
0x25: {  	[simem:s6], [sflag:s4] =	dma.local [hbm:s3], $0xF7A  }
0x26: {  	[smem:$0x3F9F] =	sst s1;
	(tag) =	ssettag s2;
	_ =	strace s9  }
0x27: {  	s1 =	sld [smem:$0x3FAF]  }
0x28: {  	s2 =	sld [smem:$0x3FB0]  }
0x29: {  	s4 =	sld [smem:$0x3FB2]  }
0x2a: {  	p0 =	seq.s32 s5, $0x0;
	s5 =	sld [smem:$0x3FB3]  }
0x2b: {  	s6 =	sld [smem:$0x3FB4]  }
0x2c: {  	s7 =	sld [smem:$0x3FB5]  }
0x2d: {  	s3 =	simm.s32 $0x108;
	s8 =	sld [smem:$0x3FB6]  }
0x2e: {  	s3 =	simm.s32 @!p0 $0x1082;
	s9 =	sld [smem:$0x3FB7]  }
0x2f: {  	lr =	sadd.s32 s0, s3;
	s0 =	sld [smem:$0x3FAE]  }
0x30: {  	s3 =	sld [smem:$0x3FB1]  }
0x31: {  	[smem:$0x3FBA] =	sst s10  }
0x32: {  	s10 =	sld [smem:$0x3FB8];
	_ =	sdelay $0x3  }
0x33: {  	p0 =	seq.s32 s10, $0x1;
	s10 =	sld [smem:$0x3FBA];
	_ =	sdelay $0x3  }
0x34: {  	[smem:$0x3FBA] =	sst s10  }
0x35: {  	s10 =	sld [smem:$0x3FB9];
	_ =	sdelay $0x3  }
0x36: {  	p1 =	seq.s32 s10, $0x1;
	s10 =	sld [smem:$0x3FBA];
	_ =	sdelay $0x3  }
0x37: {  	[smem:$0x3FBA] =	sst s10  }
0x38: {  	s10 =	sld [smem:$0x3FBB]  }
0x39: {  	_ = 	snop;
	(pc) =	sbr.ind lr, $3  }
0x3a: {  	_ = 	snop  }
0x3b: {  	_ = 	snop  }
0x3c: {  	p2 =	seq.s32 s10, $0x1;
	s10 =	sld [smem:$0x3FBA]  }
0x3d: {  	_ =	shalt  }
0x3e: {  	_ =	shalt  }
0x3f: {  	_ =	shalt  }
0x40: {  	_ =	shalt  }
0x41: {  	_ =	shalt  }
0x42: {  	_ =	shalt  }
0x43: {  	_ =	shalt  }
0x44: {  	_ =	shalt  }
0x45: {  	_ =	shalt  }
0x46: {  	_ =	shalt  }
0x47: {  	_ =	shalt  }
0x48: {  	_ =	shalt  }
0x49: {  	_ =	shalt  }
0x4a: {  	_ =	shalt  }
0x4b: {  	_ =	shalt  }
0x4c: {  	_ =	shalt  }
0x4d: {  	_ =	shalt  }
0x4e: {  	_ =	shalt  }
0x4f: {  	_ =	shalt  }
0x50: {  	_ =	shalt  }
0x51: {  	_ =	shalt  }
0x52: {  	_ =	shalt  }
0x53: {  	_ =	shalt  }
0x54: {  	_ =	shalt  }
0x55: {  	_ =	shalt  }
0x56: {  	_ =	shalt  }
0x57: {  	_ =	shalt  }
0x58: {  	_ =	shalt  }
0x59: {  	_ =	shalt  }
0x5a: {  	_ =	shalt  }
0x5b: {  	_ =	shalt  }
0x5c: {  	_ =	shalt  }
0x5d: {  	_ =	shalt  }
0x5e: {  	_ =	shalt  }
0x5f: {  	_ =	shalt  }
0x60: {  	_ =	shalt  }
0x61: {  	_ =	shalt  }
0x62: {  	_ =	shalt  }
0x63: {  	_ =	shalt  }
0x64: {  	_ =	shalt  }
0x65: {  	_ =	shalt  }
0x66: {  	_ =	shalt  }
0x67: {  	_ =	shalt  }
0x68: {  	_ =	shalt  }
0x69: {  	_ =	shalt  }
0x6a: {  	_ =	shalt  }
0x6b: {  	_ =	shalt  }
0x6c: {  	_ =	shalt  }
0x6d: {  	_ =	shalt  }
0x6e: {  	_ =	shalt  }
0x6f: {  	_ =	shalt  }
0x70: {  	_ =	shalt  }
0x71: {  	_ =	shalt  }
0x72: {  	_ =	shalt  }
0x73: {  	_ =	shalt  }
0x74: {  	_ =	shalt  }
0x75: {  	_ =	shalt  }
0x76: {  	_ =	shalt  }
0x77: {  	_ =	shalt  }
0x78: {  	_ =	shalt  }
0x79: {  	_ =	shalt  }
0x7a: {  	_ =	shalt  }
0x7b: {  	_ =	shalt  }
0x7c: {  	_ =	shalt  }
0x7d: {  	_ =	shalt  }
0x7e: {  	_ =	shalt  }
0x7f: {  	_ =	shalt  }
0x80: {  	_ =	shalt  }
0x81: {  	_ =	shalt  }
0x82: {  	_ =	shalt  }
0x83: {  	_ =	shalt  }
0x84: {  	_ =	shalt  }
0x85: {  	_ =	shalt  }
0x86: {  	_ =	shalt  }
0x87: {  	_ =	shalt  }
.Lfunc_end0:
.L_simem_size_0:
called_computation_lowered:
.L_overlay_start_0:
0x88: {  	s2 =	sld [smem:$0x3FD9]  }
0x89: {  	s3 =	sld [smem:$0x3FFE];
	_ =	sdelay $0x1  }
0x8a: {  	s1 =	srdreg.scid  }
0x8b: {  	s0 =	sand.u32 $0x1, s1  }
0x8c: {  	s17 =	sshll.u32 s0, $0xA;
	s2 =	sadd.s32 s3, s2  }
0x8d: {  	s2 =	sadd.s32 s2, s17  }
0x8e: {  	[smem:$0x3FC6] =	sst s2  }
0x8f: {  	_ = 	snop  }
0x90: {  	s2 =	sld [smem:$0x3FC8]  }
0x91: {  	s18 =	sld [smem:$0x3FD0];
	(tm) =	ssettm $0x1  }
0x92: {  	s4 =	sld [smem:$0x3FFB];
	_ =	sdelay $0x3  }
0x93: {  	_ =	strace s4  }
0x94: {  	s4 =	sld [smem:$0x3FFC];
	_ =	sdelay $0x3  }
0x95: {  	_ =	strace s4  }
0x96: {  	s4 =	sld [smem:$0x3FFD];
	_ =	sdelay $0x3  }
0x97: {  	_ =	strace s4  }
0x98: {  	_ =	strace $0x8FFFFFFF  }
0x99: {  	s19 =	sld [smem:$0x3FDB];
	_ =	sdelay $0x1  }
0x9a: {  	s5 =	simm.s32 $_scs_section_size  }
0x9b: {  	s6 =	simm.s32 $_size__tile_overlayer_lowered;
	s7 =	simm.s32 $_tile_overlayer_lowered  }
0x9c: {  	s22 =	simm.s32 $0x1BFF;
	s21 =	sshll.u32 s7, $0x1;
	s4 =	sadd.s32 s5, s19  }
0x9d: {  	s8 =	simm.s32 $0x0;
	s20 =	sshll.u32 s6, $0x1;
	s6 =	sadd.s32 s21, s4  }
0x9e: {  	[timem:s8], [sflag:s22] =	dma.local [hbm:s6], s20  }
0x9f: {  	_ =	swait.ge [sflag:s22], s20  }
0xa0: {  	s5 =	ssub.s32 $0x0, s20;
	[sflag:s22] =	ssyncset.done $0x0  }
0xa1: {  	[sflag:s22] =	ssyncadd.s32 s5;
	_ =	sdelay $0x1  }
0xa2: {  	s23 =	simm.s32 $0x1B8B  }
0xa3: {  	_ =	swait.ge [sflag:s23], $0x1  }
0xa4: {  	[sflag:s23] =	ssyncset.done $0x0  }
0xa5: {  	s25 =	simm.s32 $0x1B8E;
	s24 =	sld [smem:$0x3FFE];
	[sflag:s23] =	ssyncadd.s32 $0xFFFFFFFF  }
0xa6: {  	s26 =	simm.s32 $execute0_lowered;
	[smem:$0x3FD2] =	sst s25  }
0xa7: {  	s6 =	sshll.u32 s26, $0x1;
	_ =	strace $0x80000046;
	[dreg:$0x1] =	wrdreg $0xFFFFFFFF  }
0xa8: {  	s28 =	simm.s32 $_size_execute0_lowered;
	s4 =	sadd.s32 s4, s6;
	[dreg:$0x0] =	wrdreg $0x0  }
0xa9: {  	s6 =	sshll.u32 s28, $0x1;
	[dreg:$0x2] =	wrdreg s4  }
0xaa: {  	[dreg:$0x3] =	wrdreg s6  }
0xab: {  	[dreg:$0x4] =	wrdreg $0xC0  }
0xac: {  	_ =	task [dreg:s8], $0x5FFFF  }
0xad: {  	[dreg:$0x1] =	wrdreg $0xFFFFFFFF  }
0xae: {  	[dreg:$0x0] =	wrdreg $0x60  }
0xaf: {  	[dreg:$0x2] =	wrdreg s24  }
0xb0: {  	[dreg:$0x3] =	wrdreg s2  }
0xb1: {  	[dreg:$0x4] =	wrdreg s18  }
0xb2: {  	[dreg:$0x5] =	wrdreg $0x9  }
0xb3: {  	_ =	task.clear_ibuf [dreg:s8], $0x6FFFF;
	_ =	strace $0x90000046  }
0xb4: {  	s29 =	simm.s32 $0x9;
	_ =	strace $0x80000048  }
0xb5: {  	_ =	swait.ge [sflag:s29], $0x1  }
0xb6: {  	[sflag:s29] =	ssyncadd.s32 $0xFFFFFFFF  }
0xb7: {  	_ =	strace $0x90000048  }
0xb8: {  	_ =	sfence  }
0xb9: {  	s30 =	sld [smem:$0x0];
	_ =	sdelay $0x2  }
0xba: {  	s31 =	sshll.u32 s1, $0xD;
	s1 =	sshrl.u32 s1, $0x2  }
0xbb: {  	s3 =	sand.u32 $0x4000, s31;
	s1 =	sadd.s32 s1, s30  }
0xbc: {  	s0 =	sor.u32 s3, s0;
	s1 =	sshll.u32 s1, $0x11  }
0xbd: {  	s0 =	sor.u32 s1, s0  }
0xbe: {  	s0 =	sadd.s32 $0x8F2B, s0  }
0xbf: {  	[sflag:s0] =	ssyncadd.remote.s32 $0x1  }
0xc0: {  	_ =	sfence.sel $0xFFFF  }
0xc1: {  	[dreg:$0x0] =	wrdreg $0xFFFFFFFF;
	(pc) =	sbr.abs _section_cstart, $3  }
0xc2: {  	[dreg:$0x1] =	wrdreg $0xFFFFFFFF  }
0xc3: {  	_ =	task.clear_ibuf [dreg:s8], $0x2FFFF;
	_ =	strace $0x9FFFFFFF  }
0xc4: {  	(tm) =	ssettm $0x7FFFFFFF  }
0xc5: {  	_ =	shalt  }
tec
execute0_lowered:
.L_overlay_start_1:
0x0: {  	(tag) =	ssettag $0x1  }
0x1: {  	s0 =	rddreg [dreg:$0x0]  }
0x2: {  	s1 =	rddreg [dreg:$0x1]  }
0x3: {  	s2 =	rddreg [dreg:$0x2];
	s4 =	simm.s32 $0x0  }
0x4: {  	s3 =	srdreg.scid;
	s5 =	stileid.u32;
	s28 =	simm.s32 $0x8400  }
0x5: {  	s30 =	simm.s32 $0x8;
	[smem:$0x7FF] =	sst s4;
	s3 =	sand.u32 $0x1, s3  }
0x6: {  	s7 =	sadd.s32 $0x400, s0;
	s6 =	sshll.u32 s5, $0x9;
	s5 =	sadd.s32 $0x1400, s0  }
0x7: {  	s16 =	sadd.s32 $0x100, s1;
	s17 =	sadd.s32 $0x200, s1;
	s8 =	sshll.u32 s3, $0x8  }
0x8: {  	s18 =	sadd.s32 $0x300, s1;
	s22 =	ssub.s32 $0x2, s3;
	s6 =	sor.u32 s8, s6  }
0x9: {  	_ =	strace $0x80000047;
	s3 =	sshrl.u32 s22, $0x1;
	s9 =	sshrl.u32 s6, $0x3  }
0xa: {  	s8 =	sor.u32 $0x2000, s6;
	s0 =	ssub.s32 s22, s3;
	s11 =	sor.u32 $0x4000, s6  }
0xb: {  	s10 =	sshll.u32 s6, $0x6;
	[dreg:$0x4] =	wrdreg s9;
	s23 =	sadd.s32 s7, s9  }
0xc: {  	s12 =	sor.u32 $0x6000, s6;
	s31 =	sadd.s32 s5, s10;
	[dreg:$0x5] =	wrdreg s23  }
0xd: {  	s24 =	sshrl.u32 s8, $0x3;
	s0 =	smax.u32 s0, $0x1;
	[dreg:$0x9] =	wrdreg s31  }
0xe: {  	s26 =	sshrl.u32 s12, $0x3;
	s3 =	sadd.s32 s7, s24;
	[dreg:$0xa] =	wrdreg s0  }
0xf: {  	v0 =	vlaneseq.u32;
	s25 =	sshrl.u32 s11, $0x3;
	s29 =	sadd.s32 s7, s26;
	[dreg:$0x6] =	wrdreg s3  }
0x10: {  	v1 =	vshrl.u32 v0, $0x3;
	s10 =	simm.s32 $0x7;
	s3 =	sadd.s32 s7, s25;
	[dreg:$0x8] =	wrdreg s29  }
0x11: {  	vm0 =	vmmov $0xffff;
	v0 =	vand.u32 $0x7, v0;
	v1 =	vmul.u32 $0x8, v1;
	s25 =	simm.s32 $0xE;
	s7 =	simm.s32 $0x0;
	[dreg:$0x7] =	wrdreg s3  }
.LBB2_1:
0x12: {  	[dreg:$0xb] =	wrdreg s7  }
0x13: {  	s0 =	rddreg [dreg:$0x5];
	s3 =	simm.s32 $0x13  }
0x14: {  	[tilespmem:s4], [sflag:$0x13] =	stream.linear.gather [hbm4b:s0+s4], $0x100, $0x38;
	[tilespmem:$0x12400] =	vst v63  }
0x15: {  	_ =	swait.ge [sflag:s3], $0x100  }
0x16: {  	[sflag:s3] =	ssyncset.done $0x0  }
0x17: {  	s20 =	simm.s32 $0x100;
	s19 =	rddreg [dreg:$0x6];
	[sflag:s3] =	ssyncadd.s32 $0xFFFFFF00  }
0x18: {  	[tilespmem:s20], [sflag:$0x13] =	stream.linear.gather [hbm4b:s19+s4], $0x100, $0x38;
	[tilespmem:$0x12400] =	vst v63  }
0x19: {  	_ =	swait.ge [sflag:s3], $0x100  }
0x1a: {  	[sflag:s3] =	ssyncset.done $0x0  }
0x1b: {  	s22 =	simm.s32 $0x200;
	s21 =	rddreg [dreg:$0x7];
	[sflag:s3] =	ssyncadd.s32 $0xFFFFFF00  }
0x1c: {  	[tilespmem:s22], [sflag:$0x13] =	stream.linear.gather [hbm4b:s21+s4], $0x100, $0x38;
	[tilespmem:$0x12400] =	vst v63  }
0x1d: {  	_ =	swait.ge [sflag:s3], $0x100  }
0x1e: {  	[sflag:s3] =	ssyncset.done $0x0  }
0x1f: {  	s24 =	simm.s32 $0x300;
	s23 =	rddreg [dreg:$0x8];
	[sflag:s3] =	ssyncadd.s32 $0xFFFFFF00  }
0x20: {  	[tilespmem:s24], [sflag:$0x13] =	stream.linear.gather [hbm4b:s23+s4], $0x100, $0x38;
	[tilespmem:$0x12400] =	vst v63  }
0x21: {  	_ =	swait.ge [sflag:s3], $0x100  }
0x22: {  	[sflag:s3] =	ssyncset.done $0x0  }
0x23: {  	s29 =	simm.s32 $0x10400;
	s26 =	rddreg [dreg:$0x9];
	[sflag:s3] =	ssyncadd.s32 $0xFFFFFF00  }
0x24: {  	[tilespmem:s29], [sflag:$0x9] =	stream.linear.gather [hbm4b:s26+s4], $0x1000, $0x38;
	[tilespmem:$0x12400] =	vst v63  }
0x25: {  	v2 =	vld.msk [tilespmem:$0x0], $0xff;
	_ =	sdelay $0x4  }
0x26: {  	v3 =	vshll.u32 v2, $0x3  }
0x27: {  	v2 =	vand.u32 $0x7, v2;
	v3 =	vand.u32 $0xFFFFFFC0, v3  }
0x28: {  	v2 =	vor.u32 v2, v3  }
0x29: {  	v2 =	vperm.xlane v2, v0;
	_ =	sdelay $0x1  }
0x2a: {  	v2 =	vadd.s32 v1, v2;
	_ =	sdelay $0x3  }
0x2b: {  	s31 =	simm.s32 $0x400  }
0x2c: {  	[tilespmem:s31], [sflag:$0x1] =	stream.indirect_vreg.gather [hbm4b:s1+s4], $0x80, v2, vm0, $0xb8;
	[tilespmem:$0x12400] =	vst v63  }
0x2d: {  	s3 =	simm.s32 $0xC00  }
0x2e: {  	[tilespmem:s3], [sflag:$0x1] =	stream.indirect_vreg.gather [hbm4b:s16+s4], $0x80, v2, vm0, $0xb8;
	[tilespmem:$0x12400] =	vst v63  }
0x2f: {  	s7 =	simm.s32 $0x1400  }
0x30: {  	[tilespmem:s7], [sflag:$0x1] =	stream.indirect_vreg.gather [hbm4b:s17+s4], $0x80, v2, vm0, $0xb8;
	[tilespmem:$0x12400] =	vst v63  }
0x31: {  	s9 =	simm.s32 $0x1C00  }
0x32: {  	[tilespmem:s9], [sflag:$0x1] =	stream.indirect_vreg.gather [hbm4b:s18+s4], $0x80, v2, vm0, $0xb8;
	[tilespmem:$0x12400] =	vst v63  }
0x33: {  	v2 =	vld.msk [tilespmem:$0x100], $0xff;
	_ =	sdelay $0x4  }
0x34: {  	v3 =	vshll.u32 v2, $0x3  }
0x35: {  	v2 =	vand.u32 $0x7, v2;
	v3 =	vand.u32 $0xFFFFFFC0, v3  }
0x36: {  	v2 =	vor.u32 v2, v3  }
0x37: {  	v2 =	vperm.xlane v2, v0;
	_ =	sdelay $0x1  }
0x38: {  	v2 =	vadd.s32 v1, v2;
	_ =	sdelay $0x3  }
0x39: {  	s13 =	simm.s32 $0x2400  }
0x3a: {  	[tilespmem:s13], [sflag:$0x2] =	stream.indirect_vreg.gather [hbm4b:s1+s4], $0x80, v2, vm0, $0xb8;
	[tilespmem:$0x12400] =	vst v63  }
0x3b: {  	s14 =	simm.s32 $0x2C00  }
0x3c: {  	[tilespmem:s14], [sflag:$0x2] =	stream.indirect_vreg.gather [hbm4b:s16+s4], $0x80, v2, vm0, $0xb8;
	[tilespmem:$0x12400] =	vst v63  }
0x3d: {  	s15 =	simm.s32 $0x3400  }
0x3e: {  	[tilespmem:s15], [sflag:$0x2] =	stream.indirect_vreg.gather [hbm4b:s17+s4], $0x80, v2, vm0, $0xb8;
	[tilespmem:$0x12400] =	vst v63  }
0x3f: {  	s19 =	simm.s32 $0x3C00  }
0x40: {  	[tilespmem:s19], [sflag:$0x2] =	stream.indirect_vreg.gather [hbm4b:s18+s4], $0x80, v2, vm0, $0xb8;
	[tilespmem:$0x12400] =	vst v63  }
0x41: {  	v2 =	vld.msk [tilespmem:$0x200], $0xff;
	_ =	sdelay $0x4  }
0x42: {  	v3 =	vshll.u32 v2, $0x3  }
0x43: {  	v2 =	vand.u32 $0x7, v2;
	v3 =	vand.u32 $0xFFFFFFC0, v3  }
0x44: {  	v2 =	vor.u32 v2, v3  }
0x45: {  	v2 =	vperm.xlane v2, v0;
	_ =	sdelay $0x1  }
0x46: {  	v2 =	vadd.s32 v1, v2;
	_ =	sdelay $0x3  }
0x47: {  	s20 =	simm.s32 $0x4400  }
0x48: {  	[tilespmem:s20], [sflag:$0x3] =	stream.indirect_vreg.gather [hbm4b:s1+s4], $0x80, v2, vm0, $0xb8;
	[tilespmem:$0x12400] =	vst v63  }
0x49: {  	s21 =	simm.s32 $0x4C00  }
0x4a: {  	[tilespmem:s21], [sflag:$0x3] =	stream.indirect_vreg.gather [hbm4b:s16+s4], $0x80, v2, vm0, $0xb8;
	[tilespmem:$0x12400] =	vst v63  }
0x4b: {  	s22 =	simm.s32 $0x5400  }
0x4c: {  	[tilespmem:s22], [sflag:$0x3] =	stream.indirect_vreg.gather [hbm4b:s17+s4], $0x80, v2, vm0, $0xb8;
	[tilespmem:$0x12400] =	vst v63  }
0x4d: {  	s23 =	simm.s32 $0x5C00  }
0x4e: {  	[tilespmem:s23], [sflag:$0x3] =	stream.indirect_vreg.gather [hbm4b:s18+s4], $0x80, v2, vm0, $0xb8;
	[tilespmem:$0x12400] =	vst v63  }
0x4f: {  	v2 =	vld.msk [tilespmem:$0x300], $0xff;
	_ =	sdelay $0x4  }
0x50: {  	v3 =	vshll.u32 v2, $0x3  }
0x51: {  	v2 =	vand.u32 $0x7, v2;
	v3 =	vand.u32 $0xFFFFFFC0, v3  }
0x52: {  	v2 =	vor.u32 v2, v3  }
0x53: {  	v2 =	vperm.xlane v2, v0;
	_ =	sdelay $0x1  }
0x54: {  	v2 =	vadd.s32 v1, v2;
	_ =	sdelay $0x3  }
0x55: {  	s24 =	simm.s32 $0x6400  }
0x56: {  	[tilespmem:s24], [sflag:$0x4] =	stream.indirect_vreg.gather [hbm4b:s1+s4], $0x80, v2, vm0, $0xb8;
	[tilespmem:$0x12400] =	vst v63  }
0x57: {  	s26 =	simm.s32 $0x6C00  }
0x58: {  	[tilespmem:s26], [sflag:$0x4] =	stream.indirect_vreg.gather [hbm4b:s16+s4], $0x80, v2, vm0, $0xb8;
	[tilespmem:$0x12400] =	vst v63  }
0x59: {  	s29 =	simm.s32 $0x7400  }
0x5a: {  	[tilespmem:s29], [sflag:$0x4] =	stream.indirect_vreg.gather [hbm4b:s17+s4], $0x80, v2, vm0, $0xb8;
	[tilespmem:$0x12400] =	vst v63  }
0x5b: {  	s31 =	simm.s32 $0x7C00;
	s21 =	simm.s32 $0x0  }
0x5c: {  	[tilespmem:s31], [sflag:$0x4] =	stream.indirect_vreg.gather [hbm4b:s18+s4], $0x80, v2, vm0, $0xb8;
	[tilespmem:$0x12400] =	vst v63  }
.LBB2_2:
0x5d: {  	s22 =	sshll.u32 s21, $0x4  }
0x5e: {  	s3 =	simm.s32 $0x9;
	s26 =	sor.u32 $0x8, s22  }
0x5f: {  	_ =	swait.ge [sflag:s3], $0x1000;
	s7 =	sor.u32 s6, s26  }
0x60: {  	s20 =	simm.s32 $0x11400;
	[sflag:s3] =	ssyncset.done $0x0;
	s0 =	sshll.u32 s7, $0x6  }
0x61: {  	p0 =	seq.s32 s21, $0x0;
	[sflag:s3] =	ssyncadd.s32 $0xFFFFF000;
	s0 =	sadd.s32 s5, s0  }
0x62: {  	[tilespmem:s20], [sflag:$0xA] =	stream.linear.gather [hbm4b:s0+s4], $0x1000, $0x38;
	[tilespmem:$0x12400] =	vst v63  }
0x63: {  	s0 =	simm.s32 @!p0 $0xF  }
0x64: {  	_ =	swait.ge @!p0 [sflag:s0], $0x2000  }
0x65: {  	[sflag:s0] =	ssyncset.done @!p0 $0x0  }
0x66: {  	[sflag:s0] =	ssyncadd.s32 @!p0 $0xFFFFE000  }
0x67: {  	v2 =	vld.msk [tilespmem:s26+$0x0], $0xff;
	_ =	sdelay $0x4  }
0x68: {  	v3 =	vshll.u32 v2, $0x3  }
0x69: {  	v2 =	vand.u32 $0x7, v2;
	v3 =	vand.u32 $0xFFFFFFC0, v3  }
0x6a: {  	v2 =	vor.u32 v2, v3  }
0x6b: {  	v2 =	vperm.xlane v2, v0;
	_ =	sdelay $0x1  }
0x6c: {  	v2 =	vadd.s32 v1, v2;
	_ =	sdelay $0x3  }
0x6d: {  	s15 =	simm.s32 $0x0  }
0x6e: {  	[tilespmem:s28], [sflag:$0x5] =	stream.indirect_vreg.gather [hbm4b:s1+s15], $0x80, v2, vm0, $0xb8;
	[tilespmem:$0x12400] =	vst v63  }
0x6f: {  	s23 =	simm.s32 $0x8C00  }
0x70: {  	[tilespmem:s23], [sflag:$0x5] =	stream.indirect_vreg.gather [hbm4b:s16+s15], $0x80, v2, vm0, $0xb8;
	[tilespmem:$0x12400] =	vst v63  }
0x71: {  	s24 =	simm.s32 $0x9400  }
0x72: {  	[tilespmem:s24], [sflag:$0x5] =	stream.indirect_vreg.gather [hbm4b:s17+s15], $0x80, v2, vm0, $0xb8;
	[tilespmem:$0x12400] =	vst v63  }
0x73: {  	s29 =	simm.s32 $0x1;
	s28 =	simm.s32 $0x9C00  }
0x74: {  	[tilespmem:s28], [sflag:$0x5] =	stream.indirect_vreg.gather [hbm4b:s18+s15], $0x80, v2, vm0, $0xb8;
	[tilespmem:$0x12400] =	vst v63  }
0x75: {  	_ =	swait.ge [sflag:s29], $0x2000  }
0x76: {  	s31 =	sshll.u32 s21, $0x1;
	[sflag:s29] =	ssyncset.done $0x0  }
0x77: {  	s3 =	simm.s32 $0x440;
	s0 =	simm.s32 $0x0;
	[sflag:s29] =	ssyncadd.s32 $0xFFFFE000  }
.LBB2_3:
0x78: {  	v2 =	vld [tilespmem:s3+$0xFFFFFFC0]  }
0x79: {  	v3 =	vld [tilespmem:s3+$0x30]  }
0x7a: {  	v5 =	vld [tilespmem:s3+$0xFFFFFFD0]  }
0x7b: {  	v6 =	vld [tilespmem:s3+$0xFFFFFFE0]  }
0x7c: {  	s13 =	sshll.u32 s0, $0x7;
	v7 =	vld [tilespmem:s3+$0xFFFFFFF0]  }
0x7d: {  	s20 =	sand.u32 $0xC00, s15;
	v8 =	vld [tilespmem:s3+$0x0];
	s14 =	sadd.s32 $0x10400, s13  }
0x7e: {  	s19 =	sand.u32 $0x40, s15;
	v9 =	vld [tilespmem:s3+$0x10];
	s13 =	sadd.s32 s20, s14  }
0x7f: {  	v10 =	vld [tilespmem:s3+$0x20];
	s13 =	sadd.s32 s19, s13  }
0x80: {  	v4 =	vld [tilespmem:s13+$0x30]  }
0x81: {  	s29 =	sadd.s32 $0x400, s3;
	v11 =	vld [tilespmem:s13+$0x0]  }
0x82: {  	s23 =	simm.s32 $0x200;
	v14 =	vld [tilespmem:s29+$0xFFFFFFC0]  }
0x83: {  	s20 =	simm.s32 $0x40;
	s19 =	sand.u32 $0xC00, s23;
	v12 =	vld [tilespmem:s13+$0x10]  }
0x84: {  	v16 =	vld [tilespmem:s29+$0x30];
	s24 =	sand.u32 $0x40, s20;
	s19 =	sadd.s32 s19, s14;
	v2 =	vmul.f32 $3.200000000e+01, v2;
	v3 =	vmul.f32 $3.200000000e+01, v3  }
0x85: {  	v13 =	vld [tilespmem:s13+$0x20];
	v5 =	vmul.f32 $3.200000000e+01, v5;
	s23 =	sadd.s32 s24, s19;
	v15 =	vshll.u32 v4, $0x10;
	v4 =	vand.u32 $0xFFFF0000, v4  }
0x86: {  	v17 =	vshll.u32 v11, $0x10;
	v3 =	vadd.f32 v4, v3;
	v4 =	vmul.f32 $3.200000000e+01, v6;
	v6 =	vld [tilespmem:s23+$0x30]  }
0x87: {  	v18 =	vld [tilespmem:s29+$0xFFFFFFD0];
	v7 =	vmul.f32 $3.200000000e+01, v7;
	v11 =	vand.u32 $0xFFFF0000, v11;
	v2 =	vadd.f32 v17, v2  }
0x88: {  	v62 =	vld [tilespmem:s29+$0xFFFFFFE0];
	v9 =	vmul.f32 $3.200000000e+01, v9;
	v11 =	vadd.f32 v11, v5;
	v5 =	vand.u32 $0xFFFF0000, v12;
	[tilespmem:s3+$0x30] =	vst v3  }
0x89: {  	v19 =	vld [tilespmem:s29+$0xFFFFFFF0];
	v7 =	vadd.f32 v5, v7;
	v3 =	vmul.f32 $3.200000000e+01, v8;
	v8 =	vshll.u32 v12, $0x10;
	[tilespmem:s3+$0xFFFFFFC0] =	vst v2  }
0x8a: {  	v5 =	vld [tilespmem:s29+$0x0];
	v12 =	vmul.f32 $3.200000000e+01, v16;
	[tilespmem:s3+$0xFFFFFFD0] =	vst v11;
	v2 =	vadd.f32 v8, v4;
	v4 =	vshll.u32 v13, $0x10  }
0x8b: {  	v10 =	vmul.f32 $3.200000000e+01, v10;
	[tilespmem:s3+$0xFFFFFFF0] =	vst v7;
	v63 =	vadd.f32 v4, v3;
	v4 =	vld [tilespmem:s29+$0x10];
	v11 =	vand.u32 $0xFFFF0000, v6  }
0x8c: {  	v8 =	vld [tilespmem:s29+$0x20];
	v3 =	vmul.f32 $3.200000000e+01, v14;
	[tilespmem:s3+$0xFFFFFFE0] =	vst v2;
	v2 =	vand.u32 $0xFFFF0000, v13;
	v14 =	vadd.f32 v11, v12  }
0x8d: {  	s28 =	simm.s32 $0x400;
	s20 =	simm.s32 $0x80;
	v7 =	vmul.f32 $3.200000000e+01, v62;
	v13 =	vadd.f32 v15, v10;
	v12 =	vadd.f32 v2, v9;
	v11 =	vld [tilespmem:s23+$0x0];
	[tilespmem:s3+$0x0] =	vst v63  }
0x8e: {  	s13 =	smov.u32 s29;
	s19 =	simm.s32 $0x4;
	s24 =	smov.u32 s3;
	v10 =	vld [tilespmem:s23+$0x10];
	v2 =	vshll.u32 v6, $0x10;
	v6 =	vmul.f32 $3.200000000e+01, v18;
	v9 =	vmul.f32 $3.200000000e+01, v19;
	[tilespmem:s29+$0x30] =	vst v14  }
.LBB2_4:
0x8f: {  	s9 =	sand.u32 $0xC00, s28;
	s19 =	sadd.s32 $0x4, s19;
	v14 =	vld [tilespmem:s23+$0x20];
	v15 =	vmul.f32 $3.200000000e+01, v5;
	s29 =	sadd.s32 $0x400, s29;
	[tilespmem:s24+$0x10] =	vst v12  }
0x90: {  	s23 =	sand.u32 $0x40, s20;
	s9 =	sadd.s32 s9, s14;
	v5 =	vld [tilespmem:s29+$0xFFFFFFC0];
	p1 =	slt.u32 s19, $0x1C;
	v4 =	vmul.f32 $3.200000000e+01, v4;
	[tilespmem:s24+$0x20] =	vst v13  }
0x91: {  	s24 =	smov.u32 s13;
	s13 =	smov.u32 s29;
	s23 =	sadd.s32 s23, s9;
	v12 =	vld [tilespmem:s29+$0x30];
	v8 =	vmul.f32 $3.200000000e+01, v8  }
0x92: {  	v16 =	vld [tilespmem:s23+$0x30];
	v13 =	vshll.u32 v11, $0x10;
	v11 =	vand.u32 $0xFFFF0000, v11  }
0x93: {  	v17 =	vld [tilespmem:s29+$0xFFFFFFD0];
	v13 =	vadd.f32 v13, v3;
	v18 =	vshll.u32 v10, $0x10;
	v10 =	vand.u32 $0xFFFF0000, v10  }
0x94: {  	v6 =	vadd.f32 v11, v6;
	v19 =	vld [tilespmem:s29+$0xFFFFFFE0];
	v11 =	vshll.u32 v14, $0x10;
	v14 =	vand.u32 $0xFFFF0000, v14  }
0x95: {  	v7 =	vadd.f32 v18, v7;
	v9 =	vadd.f32 v10, v9;
	v3 =	vmul.f32 $3.200000000e+01, v5;
	v20 =	vld [tilespmem:s29+$0xFFFFFFF0];
	[tilespmem:s24+$0xFFFFFFC0] =	vst v13  }
.Ltmp0:
0x96: {  	v15 =	vadd.f32 v11, v15;
	v5 =	vld [tilespmem:s29+$0x0];
	v10 =	vmul.f32 $3.200000000e+01, v12;
	[tilespmem:s24+$0xFFFFFFD0] =	vst v6;
	v12 =	vadd.f32 v14, v4;
	(pc) =	sbr.rel @p1 .LBB2_4-.Ltmp0, $4  }
0x97: {  	v13 =	vadd.f32 v2, v8;
	v4 =	vld [tilespmem:s29+$0x10];
	v11 =	vand.u32 $0xFFFF0000, v16;
	[tilespmem:s24+$0xFFFFFFE0] =	vst v7;
	v2 =	vshll.u32 v16, $0x10  }
0x98: {  	v6 =	vmul.f32 $3.200000000e+01, v17;
	v8 =	vld [tilespmem:s29+$0x20];
	v14 =	vadd.f32 v11, v10;
	[tilespmem:s24+$0xFFFFFFF0] =	vst v9  }
0x99: {  	v11 =	vld [tilespmem:s23+$0x0];
	v7 =	vmul.f32 $3.200000000e+01, v19;
	[tilespmem:s24+$0x0] =	vst v15  }
0x9a: {  	s20 =	sadd.s32 $0x40, s20;
	s28 =	sadd.s32 $0x200, s28;
	v10 =	vld [tilespmem:s23+$0x10];
	v9 =	vmul.f32 $3.200000000e+01, v20;
	[tilespmem:s29+$0x30] =	vst v14  }
0x9b: {  	_ =	sdelay $0x2  }
0x9c: {  	v14 =	vld [tilespmem:s23+$0x20];
	v15 =	vshll.u32 v11, $0x10  }
0x9d: {  	[tilespmem:s24+$0x10] =	vst v12;
	v62 =	vmul.f32 $3.200000000e+01, v8;
	v58 =	vand.u32 $0xFFFF0000, v11;
	v3 =	vadd.f32 v15, v3  }
0x9e: {  	[tilespmem:s24+$0x20] =	vst v13;
	v6 =	vadd.f32 v58, v6  }
0x9f: {  	s0 =	sadd.s32 $0x1, s0;
	v60 =	vand.u32 $0xFFFF0000, v10;
	v2 =	vadd.f32 v2, v62;
	[tilespmem:s13+$0xFFFFFFC0] =	vst v3  }
0xa0: {  	v5 =	vmul.f32 $3.200000000e+01, v5;
	p1 =	sne.s32 s0, $0x8;
	v59 =	vshll.u32 v10, $0x10;
	v9 =	vadd.f32 v60, v9;
	[tilespmem:s13+$0xFFFFFFD0] =	vst v6  }
.Ltmp1:
0xa1: {  	v4 =	vmul.f32 $3.200000000e+01, v4;
	v61 =	vshll.u32 v14, $0x10;
	v3 =	vadd.f32 v59, v7;
	[tilespmem:s13+$0x20] =	vst v2;
	(pc) =	sbr.rel @p1 .LBB2_3-.Ltmp1, $4  }
0xa2: {  	v63 =	vand.u32 $0xFFFF0000, v14;
	v5 =	vadd.f32 v61, v5;
	[tilespmem:s13+$0xFFFFFFF0] =	vst v9  }
0xa3: {  	[tilespmem:s13+$0xFFFFFFE0] =	vst v3;
	v3 =	vadd.f32 v63, v4  }
0xa4: {  	[tilespmem:s13+$0x0] =	vst v5  }
0xa5: {  	s3 =	sadd.s32 $0x80, s3;
	[tilespmem:s13+$0x10] =	vst v3  }
0xa6: {  	s0 =	sadd.s32 s6, s22  }
0xa7: {  	s0 =	sshll.u32 s0, $0x7  }
0xa8: {  	s3 =	simm.s32 $0x400;
	s0 =	sadd.s32 s2, s0  }
0xa9: {  	[hbm4b:s0+s4] =	stream.linear.scatter [tilespmem:s3], [sflag:$0xB], $0x2000, $0x38;
	[tilespmem:$0x12400] =	vst v63  }
0xaa: {  	s0 =	simm.s32 @!p0 $0x10  }
0xab: {  	_ =	swait.ge @!p0 [sflag:s0], $0x2000  }
0xac: {  	[sflag:s0] =	ssyncset.done @!p0 $0x0  }
0xad: {  	[sflag:s0] =	ssyncadd.s32 @!p0 $0xFFFFE000  }
0xae: {  	v2 =	vld.msk [tilespmem:s22+$0x108], $0xff;
	_ =	sdelay $0x4  }
0xaf: {  	v3 =	vshll.u32 v2, $0x3  }
0xb0: {  	v2 =	vand.u32 $0x7, v2;
	v3 =	vand.u32 $0xFFFFFFC0, v3  }
0xb1: {  	v2 =	vor.u32 v2, v3  }
0xb2: {  	v2 =	vperm.xlane v2, v0;
	_ =	sdelay $0x1  }
0xb3: {  	v2 =	vadd.s32 v1, v2;
	_ =	sdelay $0x3  }
0xb4: {  	s15 =	simm.s32 $0x0;
	s20 =	simm.s32 $0xA400  }
0xb5: {  	[tilespmem:s20], [sflag:$0x6] =	stream.indirect_vreg.gather [hbm4b:s1+s15], $0x80, v2, vm0, $0xb8;
	[tilespmem:$0x12400] =	vst v63  }
0xb6: {  	s23 =	simm.s32 $0xAC00  }
0xb7: {  	[tilespmem:s23], [sflag:$0x6] =	stream.indirect_vreg.gather [hbm4b:s16+s15], $0x80, v2, vm0, $0xb8;
	[tilespmem:$0x12400] =	vst v63  }
0xb8: {  	s24 =	simm.s32 $0xB400  }
0xb9: {  	[tilespmem:s24], [sflag:$0x6] =	stream.indirect_vreg.gather [hbm4b:s17+s15], $0x80, v2, vm0, $0xb8;
	[tilespmem:$0x12400] =	vst v63  }
0xba: {  	s28 =	simm.s32 $0xBC00;
	s29 =	simm.s32 $0x2  }
0xbb: {  	[tilespmem:s28], [sflag:$0x6] =	stream.indirect_vreg.gather [hbm4b:s18+s15], $0x80, v2, vm0, $0xb8;
	[tilespmem:$0x12400] =	vst v63  }
0xbc: {  	_ =	swait.ge [sflag:s29], $0x2000  }
0xbd: {  	[sflag:s29] =	ssyncset.done $0x0  }
0xbe: {  	s0 =	simm.s32 $0x0;
	s24 =	simm.s32 $0x2470;
	[sflag:s29] =	ssyncadd.s32 $0xFFFFE000  }
.LBB2_7:
0xbf: {  	v2 =	vld [tilespmem:s24+$0xFFFFFF90]  }
0xc0: {  	v3 =	vld [tilespmem:s24+$0x0]  }
0xc1: {  	v5 =	vld [tilespmem:s24+$0xFFFFFFA0]  }
0xc2: {  	v6 =	vld [tilespmem:s24+$0xFFFFFFB0]  }
0xc3: {  	s3 =	sshll.u32 s0, $0x7;
	v7 =	vld [tilespmem:s24+$0xFFFFFFC0]  }
0xc4: {  	s19 =	sand.u32 $0xC00, s15;
	v8 =	vld [tilespmem:s24+$0xFFFFFFD0];
	s14 =	sadd.s32 $0x10400, s3  }
0xc5: {  	s9 =	sand.u32 $0x40, s15;
	v9 =	vld [tilespmem:s24+$0xFFFFFFE0];
	s3 =	sadd.s32 s19, s14  }
0xc6: {  	v10 =	vld [tilespmem:s24+$0xFFFFFFF0];
	s3 =	sadd.s32 s9, s3  }
0xc7: {  	v4 =	vld [tilespmem:s3+$0x30]  }
0xc8: {  	s29 =	sadd.s32 $0x400, s24;
	v11 =	vld [tilespmem:s3+$0x0]  }
0xc9: {  	s20 =	simm.s32 $0x200;
	v14 =	vld [tilespmem:s29+$0xFFFFFF90]  }
0xca: {  	s13 =	simm.s32 $0x40;
	s9 =	sand.u32 $0xC00, s20;
	v12 =	vld [tilespmem:s3+$0x10]  }
0xcb: {  	s23 =	sand.u32 $0x40, s13;
	v16 =	vld [tilespmem:s29+$0x0];
	s9 =	sadd.s32 s9, s14;
	v2 =	vmul.f32 $3.200000000e+01, v2;
	v3 =	vmul.f32 $3.200000000e+01, v3  }
0xcc: {  	v13 =	vld [tilespmem:s3+$0x20];
	v5 =	vmul.f32 $3.200000000e+01, v5;
	s23 =	sadd.s32 s23, s9;
	v15 =	vshll.u32 v4, $0x10;
	v4 =	vand.u32 $0xFFFF0000, v4  }
0xcd: {  	v17 =	vshll.u32 v11, $0x10;
	v3 =	vadd.f32 v4, v3;
	v4 =	vmul.f32 $3.200000000e+01, v6;
	v6 =	vld [tilespmem:s23+$0x30]  }
0xce: {  	v18 =	vld [tilespmem:s29+$0xFFFFFFA0];
	v7 =	vmul.f32 $3.200000000e+01, v7;
	v11 =	vand.u32 $0xFFFF0000, v11;
	v2 =	vadd.f32 v17, v2  }
0xcf: {  	v62 =	vld [tilespmem:s29+$0xFFFFFFB0];
	v9 =	vmul.f32 $3.200000000e+01, v9;
	v11 =	vadd.f32 v11, v5;
	v5 =	vand.u32 $0xFFFF0000, v12;
	[tilespmem:s24+$0x0] =	vst v3  }
0xd0: {  	v19 =	vld [tilespmem:s29+$0xFFFFFFC0];
	v7 =	vadd.f32 v5, v7;
	v3 =	vmul.f32 $3.200000000e+01, v8;
	v8 =	vshll.u32 v12, $0x10;
	[tilespmem:s24+$0xFFFFFF90] =	vst v2  }
0xd1: {  	v5 =	vld [tilespmem:s29+$0xFFFFFFD0];
	v12 =	vmul.f32 $3.200000000e+01, v16;
	[tilespmem:s24+$0xFFFFFFA0] =	vst v11;
	v2 =	vadd.f32 v8, v4;
	v4 =	vshll.u32 v13, $0x10  }
0xd2: {  	v10 =	vmul.f32 $3.200000000e+01, v10;
	[tilespmem:s24+$0xFFFFFFC0] =	vst v7;
	v63 =	vadd.f32 v4, v3;
	v4 =	vld [tilespmem:s29+$0xFFFFFFE0];
	v11 =	vand.u32 $0xFFFF0000, v6  }
0xd3: {  	v8 =	vld [tilespmem:s29+$0xFFFFFFF0];
	v3 =	vmul.f32 $3.200000000e+01, v14;
	[tilespmem:s24+$0xFFFFFFB0] =	vst v2;
	v2 =	vand.u32 $0xFFFF0000, v13;
	v14 =	vadd.f32 v11, v12  }
0xd4: {  	s28 =	simm.s32 $0x400;
	s13 =	smov.u32 s29;
	v7 =	vmul.f32 $3.200000000e+01, v62;
	v13 =	vadd.f32 v15, v10;
	v12 =	vadd.f32 v2, v9;
	v11 =	vld [tilespmem:s23+$0x0];
	[tilespmem:s24+$0xFFFFFFD0] =	vst v63  }
0xd5: {  	s19 =	simm.s32 $0x4;
	s20 =	simm.s32 $0x80;
	s3 =	smov.u32 s24;
	v10 =	vld [tilespmem:s23+$0x10];
	v2 =	vshll.u32 v6, $0x10;
	v6 =	vmul.f32 $3.200000000e+01, v18;
	v9 =	vmul.f32 $3.200000000e+01, v19;
	[tilespmem:s29+$0x0] =	vst v14  }
.LBB2_8:
0xd6: {  	s9 =	sand.u32 $0xC00, s28;
	s19 =	sadd.s32 $0x4, s19;
	v14 =	vld [tilespmem:s23+$0x20];
	v15 =	vmul.f32 $3.200000000e+01, v5;
	s29 =	sadd.s32 $0x400, s29;
	[tilespmem:s3+$0xFFFFFFE0] =	vst v12  }
0xd7: {  	s23 =	sand.u32 $0x40, s20;
	s9 =	sadd.s32 s9, s14;
	v5 =	vld [tilespmem:s29+$0xFFFFFF90];
	p1 =	slt.u32 s19, $0x1C;
	v4 =	vmul.f32 $3.200000000e+01, v4;
	[tilespmem:s3+$0xFFFFFFF0] =	vst v13  }
0xd8: {  	s3 =	smov.u32 s13;
	s13 =	smov.u32 s29;
	s23 =	sadd.s32 s23, s9;
	v12 =	vld [tilespmem:s29+$0x0];
	v8 =	vmul.f32 $3.200000000e+01, v8  }
0xd9: {  	v16 =	vld [tilespmem:s23+$0x30];
	v13 =	vshll.u32 v11, $0x10;
	v11 =	vand.u32 $0xFFFF0000, v11  }
0xda: {  	v17 =	vld [tilespmem:s29+$0xFFFFFFA0];
	v13 =	vadd.f32 v13, v3;
	v18 =	vshll.u32 v10, $0x10;
	v10 =	vand.u32 $0xFFFF0000, v10  }
0xdb: {  	v6 =	vadd.f32 v11, v6;
	v19 =	vld [tilespmem:s29+$0xFFFFFFB0];
	v11 =	vshll.u32 v14, $0x10;
	v14 =	vand.u32 $0xFFFF0000, v14  }
0xdc: {  	v7 =	vadd.f32 v18, v7;
	v9 =	vadd.f32 v10, v9;
	v3 =	vmul.f32 $3.200000000e+01, v5;
	v20 =	vld [tilespmem:s29+$0xFFFFFFC0];
	[tilespmem:s3+$0xFFFFFF90] =	vst v13  }
.Ltmp2:
0xdd: {  	v15 =	vadd.f32 v11, v15;
	v5 =	vld [tilespmem:s29+$0xFFFFFFD0];
	v10 =	vmul.f32 $3.200000000e+01, v12;
	[tilespmem:s3+$0xFFFFFFA0] =	vst v6;
	v12 =	vadd.f32 v14, v4;
	(pc) =	sbr.rel @p1 .LBB2_8-.Ltmp2, $4  }
0xde: {  	v13 =	vadd.f32 v2, v8;
	v4 =	vld [tilespmem:s29+$0xFFFFFFE0];
	v11 =	vand.u32 $0xFFFF0000, v16;
	[tilespmem:s3+$0xFFFFFFB0] =	vst v7;
	v2 =	vshll.u32 v16, $0x10  }
0xdf: {  	v6 =	vmul.f32 $3.200000000e+01, v17;
	v8 =	vld [tilespmem:s29+$0xFFFFFFF0];
	v14 =	vadd.f32 v11, v10;
	[tilespmem:s3+$0xFFFFFFC0] =	vst v9  }
0xe0: {  	v11 =	vld [tilespmem:s23+$0x0];
	v7 =	vmul.f32 $3.200000000e+01, v19;
	[tilespmem:s3+$0xFFFFFFD0] =	vst v15  }
0xe1: {  	s20 =	sadd.s32 $0x40, s20;
	s28 =	sadd.s32 $0x200, s28;
	v10 =	vld [tilespmem:s23+$0x10];
	v9 =	vmul.f32 $3.200000000e+01, v20;
	[tilespmem:s29+$0x0] =	vst v14  }
0xe2: {  	_ =	sdelay $0x2  }
0xe3: {  	v14 =	vld [tilespmem:s23+$0x20];
	v15 =	vshll.u32 v11, $0x10  }
0xe4: {  	[tilespmem:s3+$0xFFFFFFE0] =	vst v12;
	v62 =	vmul.f32 $3.200000000e+01, v8;
	v58 =	vand.u32 $0xFFFF0000, v11;
	v3 =	vadd.f32 v15, v3  }
0xe5: {  	[tilespmem:s3+$0xFFFFFFF0] =	vst v13;
	v6 =	vadd.f32 v58, v6  }
0xe6: {  	s0 =	sadd.s32 $0x1, s0;
	v60 =	vand.u32 $0xFFFF0000, v10;
	v2 =	vadd.f32 v2, v62;
	[tilespmem:s13+$0xFFFFFF90] =	vst v3  }
0xe7: {  	v5 =	vmul.f32 $3.200000000e+01, v5;
	p1 =	sne.s32 s0, $0x8;
	v59 =	vshll.u32 v10, $0x10;
	v9 =	vadd.f32 v60, v9;
	[tilespmem:s13+$0xFFFFFFA0] =	vst v6  }
.Ltmp3:
0xe8: {  	v4 =	vmul.f32 $3.200000000e+01, v4;
	v61 =	vshll.u32 v14, $0x10;
	v3 =	vadd.f32 v59, v7;
	[tilespmem:s13+$0xFFFFFFF0] =	vst v2;
	(pc) =	sbr.rel @p1 .LBB2_7-.Ltmp3, $4  }
0xe9: {  	v63 =	vand.u32 $0xFFFF0000, v14;
	v5 =	vadd.f32 v61, v5;
	[tilespmem:s13+$0xFFFFFFC0] =	vst v9  }
0xea: {  	[tilespmem:s13+$0xFFFFFFB0] =	vst v3;
	v3 =	vadd.f32 v63, v4  }
0xeb: {  	[tilespmem:s13+$0xFFFFFFD0] =	vst v5  }
0xec: {  	s24 =	sadd.s32 $0x80, s24;
	[tilespmem:s13+$0xFFFFFFE0] =	vst v3  }
0xed: {  	s0 =	sadd.s32 s8, s22  }
0xee: {  	s0 =	sshll.u32 s0, $0x7  }
0xef: {  	s3 =	simm.s32 $0x2400;
	s0 =	sadd.s32 s2, s0  }
0xf0: {  	[hbm4b:s0+s4] =	stream.linear.scatter [tilespmem:s3], [sflag:$0xC], $0x2000, $0x38;
	[tilespmem:$0x12400] =	vst v63  }
0xf1: {  	s0 =	simm.s32 @!p0 $0x11  }
0xf2: {  	_ =	swait.ge @!p0 [sflag:s0], $0x2000  }
0xf3: {  	[sflag:s0] =	ssyncset.done @!p0 $0x0  }
0xf4: {  	[sflag:s0] =	ssyncadd.s32 @!p0 $0xFFFFE000  }
0xf5: {  	v2 =	vld.msk [tilespmem:s22+$0x208], $0xff;
	_ =	sdelay $0x4  }
0xf6: {  	v3 =	vshll.u32 v2, $0x3  }
0xf7: {  	v2 =	vand.u32 $0x7, v2;
	v3 =	vand.u32 $0xFFFFFFC0, v3  }
0xf8: {  	v2 =	vor.u32 v2, v3  }
0xf9: {  	v2 =	vperm.xlane v2, v0;
	_ =	sdelay $0x1  }
0xfa: {  	v2 =	vadd.s32 v1, v2;
	_ =	sdelay $0x3  }
0xfb: {  	s15 =	simm.s32 $0x0;
	s20 =	simm.s32 $0xC400  }
0xfc: {  	[tilespmem:s20], [sflag:$0x7] =	stream.indirect_vreg.gather [hbm4b:s1+s15], $0x80, v2, vm0, $0xb8;
	[tilespmem:$0x12400] =	vst v63  }
0xfd: {  	s23 =	simm.s32 $0xCC00  }
0xfe: {  	[tilespmem:s23], [sflag:$0x7] =	stream.indirect_vreg.gather [hbm4b:s16+s15], $0x80, v2, vm0, $0xb8;
	[tilespmem:$0x12400] =	vst v63  }
0xff: {  	s24 =	simm.s32 $0xD400  }
0x100: {  	[tilespmem:s24], [sflag:$0x7] =	stream.indirect_vreg.gather [hbm4b:s17+s15], $0x80, v2, vm0, $0xb8;
	[tilespmem:$0x12400] =	vst v63  }
0x101: {  	s28 =	simm.s32 $0xDC00;
	s29 =	simm.s32 $0x3  }
0x102: {  	[tilespmem:s28], [sflag:$0x7] =	stream.indirect_vreg.gather [hbm4b:s18+s15], $0x80, v2, vm0, $0xb8;
	[tilespmem:$0x12400] =	vst v63  }
0x103: {  	_ =	swait.ge [sflag:s29], $0x2000  }
0x104: {  	[sflag:s29] =	ssyncset.done $0x0  }
0x105: {  	s0 =	simm.s32 $0x4470;
	s24 =	simm.s32 $0x0;
	[sflag:s29] =	ssyncadd.s32 $0xFFFFE000  }
.LBB2_11:
0x106: {  	v2 =	vld [tilespmem:s0+$0xFFFFFF90]  }
0x107: {  	v3 =	vld [tilespmem:s0+$0xFFFFFFA0]  }
0x108: {  	v4 =	vld [tilespmem:s0+$0x0]  }
0x109: {  	v6 =	vld [tilespmem:s0+$0xFFFFFFB0]  }
0x10a: {  	s3 =	sshll.u32 s24, $0x7;
	v7 =	vld [tilespmem:s0+$0xFFFFFFC0]  }
0x10b: {  	s20 =	sand.u32 $0xC00, s15;
	v8 =	vld [tilespmem:s0+$0xFFFFFFD0];
	s14 =	sadd.s32 $0x10400, s3  }
0x10c: {  	s9 =	sand.u32 $0x40, s15;
	v9 =	vld [tilespmem:s0+$0xFFFFFFE0];
	s3 =	sadd.s32 s20, s14  }
0x10d: {  	v10 =	vld [tilespmem:s0+$0xFFFFFFF0];
	s3 =	sadd.s32 s9, s3  }
0x10e: {  	v5 =	vld [tilespmem:s3+$0x30]  }
0x10f: {  	s29 =	sadd.s32 $0x400, s0;
	v11 =	vld [tilespmem:s3+$0x0]  }
0x110: {  	v14 =	vld [tilespmem:s29+$0xFFFFFF90]  }
0x111: {  	s23 =	simm.s32 $0x200;
	v12 =	vld [tilespmem:s3+$0x10]  }
0x112: {  	v13 =	vld [tilespmem:s3+$0x20];
	s3 =	sand.u32 $0xC00, s23;
	s23 =	simm.s32 $0x40;
	v4 =	vmul.f32 $3.200000000e+01, v4  }
0x113: {  	v16 =	vld [tilespmem:s29+$0xFFFFFFA0];
	v2 =	vmul.f32 $3.200000000e+01, v2;
	s28 =	sand.u32 $0x40, s23;
	s3 =	sadd.s32 s3, s14;
	v15 =	vand.u32 $0xFFFF0000, v5  }
0x114: {  	v3 =	vmul.f32 $3.200000000e+01, v3;
	s3 =	sadd.s32 s28, s3;
	v17 =	vshll.u32 v11, $0x10;
	v4 =	vadd.f32 v15, v4;
	v15 =	vld [tilespmem:s29+$0x0]  }
0x115: {  	v7 =	vmul.f32 $3.200000000e+01, v7;
	v18 =	vld [tilespmem:s3+$0x30];
	v11 =	vand.u32 $0xFFFF0000, v11;
	v2 =	vadd.f32 v17, v2  }
0x116: {  	v19 =	vld [tilespmem:s29+$0xFFFFFFC0];
	v6 =	vmul.f32 $3.200000000e+01, v6;
	v3 =	vadd.f32 v11, v3;
	v11 =	vand.u32 $0xFFFF0000, v12;
	[tilespmem:s0+$0x0] =	vst v4  }
0x117: {  	v20 =	vld [tilespmem:s29+$0xFFFFFFD0];
	v8 =	vmul.f32 $3.200000000e+01, v8;
	v7 =	vadd.f32 v11, v7;
	v4 =	vshll.u32 v12, $0x10;
	[tilespmem:s0+$0xFFFFFF90] =	vst v2  }
0x118: {  	v63 =	vld [tilespmem:s29+$0xFFFFFFB0];
	[tilespmem:s0+$0xFFFFFFA0] =	vst v3;
	v2 =	vadd.f32 v4, v6;
	v4 =	vmul.f32 $3.200000000e+01, v9;
	v6 =	vshll.u32 v13, $0x10  }
0x119: {  	v3 =	vand.u32 $0xFFFF0000, v13;
	[tilespmem:s0+$0xFFFFFFC0] =	vst v7;
	v9 =	vadd.f32 v6, v8;
	v6 =	vld [tilespmem:s29+$0xFFFFFFE0];
	v12 =	vmul.f32 $3.200000000e+01, v15  }
0x11a: {  	v8 =	vld [tilespmem:s29+$0xFFFFFFF0];
	[tilespmem:s0+$0xFFFFFFB0] =	vst v2;
	v2 =	vmul.f32 $3.200000000e+01, v10;
	v10 =	vadd.f32 v3, v4;
	v4 =	vand.u32 $0xFFFF0000, v18  }
0x11b: {  	v5 =	vshll.u32 v5, $0x10;
	v11 =	vld [tilespmem:s3+$0x0];
	v3 =	vmul.f32 $3.200000000e+01, v14;
	[tilespmem:s0+$0xFFFFFFD0] =	vst v9;
	v14 =	vadd.f32 v4, v12  }
0x11c: {  	s13 =	simm.s32 $0x4;
	v7 =	vmul.f32 $3.200000000e+01, v20;
	v9 =	vmul.f32 $3.200000000e+01, v19;
	v13 =	vadd.f32 v5, v2;
	v12 =	vld [tilespmem:s3+$0x10];
	[tilespmem:s0+$0xFFFFFFE0] =	vst v10  }
0x11d: {  	s19 =	simm.s32 $0x400;
	s20 =	smov.u32 s0;
	v4 =	vmul.f32 $3.200000000e+01, v16;
	v5 =	vmul.f32 $3.200000000e+01, v63;
	v2 =	vshll.u32 v18, $0x10;
	v10 =	vld [tilespmem:s3+$0x20];
	s3 =	sadd.s32 $0x400, s29;
	[tilespmem:s29+$0x0] =	vst v14  }
.LBB2_12:
0x11e: {  	s9 =	sand.u32 $0xC00, s19;
	v14 =	vld [tilespmem:s3+$0xFFFFFF90];
	s13 =	sadd.s32 $0x4, s13;
	v6 =	vmul.f32 $3.200000000e+01, v6;
	s23 =	sadd.s32 $0x40, s23;
	[tilespmem:s20+$0xFFFFFFF0] =	vst v13  }
0x11f: {  	s20 =	sand.u32 $0x40, s23;
	s9 =	sadd.s32 s9, s14;
	v13 =	vld [tilespmem:s3+$0xFFFFFFA0];
	p1 =	slt.u32 s13, $0x1C;
	v8 =	vmul.f32 $3.200000000e+01, v8  }
0x120: {  	s9 =	sadd.s32 s20, s9;
	v15 =	vld [tilespmem:s3+$0x0];
	v16 =	vshll.u32 v11, $0x10;
	v11 =	vand.u32 $0xFFFF0000, v11;
	s20 =	smov.u32 s29;
	s29 =	smov.u32 s3  }
0x121: {  	v17 =	vld [tilespmem:s9+$0x30];
	v16 =	vadd.f32 v16, v3;
	v18 =	vshll.u32 v12, $0x10;
	v12 =	vand.u32 $0xFFFF0000, v12  }
0x122: {  	v11 =	vadd.f32 v11, v4;
	v19 =	vld [tilespmem:s3+$0xFFFFFFB0];
	v20 =	vshll.u32 v10, $0x10;
	v10 =	vand.u32 $0xFFFF0000, v10  }
0x123: {  	v5 =	vadd.f32 v18, v5;
	v9 =	vadd.f32 v12, v9;
	v3 =	vmul.f32 $3.200000000e+01, v14;
	v14 =	vld [tilespmem:s3+$0xFFFFFFC0];
	[tilespmem:s20+$0xFFFFFF90] =	vst v16  }
0x124: {  	v7 =	vadd.f32 v20, v7;
	v10 =	vadd.f32 v10, v6;
	v4 =	vmul.f32 $3.200000000e+01, v13;
	v16 =	vld [tilespmem:s3+$0xFFFFFFD0];
	[tilespmem:s20+$0xFFFFFFA0] =	vst v11  }
.Ltmp4:
0x125: {  	v13 =	vadd.f32 v2, v8;
	v6 =	vld [tilespmem:s3+$0xFFFFFFE0];
	v12 =	vmul.f32 $3.200000000e+01, v15;
	[tilespmem:s20+$0xFFFFFFB0] =	vst v5;
	(pc) =	sbr.rel @p1 .LBB2_12-.Ltmp4, $4  }
0x126: {  	v2 =	vshll.u32 v17, $0x10;
	v15 =	vand.u32 $0xFFFF0000, v17;
	v8 =	vld [tilespmem:s3+$0xFFFFFFF0];
	[tilespmem:s20+$0xFFFFFFC0] =	vst v9  }
0x127: {  	v11 =	vld [tilespmem:s9+$0x0];
	v5 =	vmul.f32 $3.200000000e+01, v19;
	v15 =	vadd.f32 v15, v12;
	[tilespmem:s20+$0xFFFFFFD0] =	vst v7  }
0x128: {  	v12 =	vld [tilespmem:s9+$0x10];
	v9 =	vmul.f32 $3.200000000e+01, v14;
	[tilespmem:s20+$0xFFFFFFE0] =	vst v10  }
0x129: {  	s19 =	sadd.s32 $0x200, s19;
	s3 =	sadd.s32 $0x400, s3;
	v10 =	vld [tilespmem:s9+$0x20];
	v7 =	vmul.f32 $3.200000000e+01, v16;
	[tilespmem:s29+$0x0] =	vst v15  }
0x12a: {  	_ =	sdelay $0x1  }
0x12b: {  	v14 =	vshll.u32 v11, $0x10  }
0x12c: {  	v62 =	vmul.f32 $3.200000000e+01, v8;
	v57 =	vand.u32 $0xFFFF0000, v11;
	v3 =	vadd.f32 v14, v3  }
0x12d: {  	[tilespmem:s20+$0xFFFFFFF0] =	vst v13;
	v4 =	vadd.f32 v57, v4  }
0x12e: {  	s24 =	sadd.s32 $0x1, s24;
	v59 =	vand.u32 $0xFFFF0000, v12;
	v2 =	vadd.f32 v2, v62;
	[tilespmem:s29+$0xFFFFFF90] =	vst v3  }
0x12f: {  	p1 =	sne.s32 s24, $0x8;
	v58 =	vshll.u32 v12, $0x10;
	v9 =	vadd.f32 v59, v9;
	[tilespmem:s29+$0xFFFFFFA0] =	vst v4  }
.Ltmp5:
0x130: {  	v60 =	vmul.f32 $3.200000000e+01, v6;
	v61 =	vshll.u32 v10, $0x10;
	v3 =	vadd.f32 v58, v5;
	[tilespmem:s29+$0xFFFFFFF0] =	vst v2;
	(pc) =	sbr.rel @p1 .LBB2_11-.Ltmp5, $4  }
0x131: {  	v63 =	vand.u32 $0xFFFF0000, v10;
	v6 =	vadd.f32 v61, v7;
	[tilespmem:s29+$0xFFFFFFC0] =	vst v9  }
0x132: {  	[tilespmem:s29+$0xFFFFFFB0] =	vst v3;
	v3 =	vadd.f32 v63, v60  }
0x133: {  	[tilespmem:s29+$0xFFFFFFD0] =	vst v6  }
0x134: {  	s0 =	sadd.s32 $0x80, s0;
	[tilespmem:s29+$0xFFFFFFE0] =	vst v3  }
0x135: {  	s0 =	sadd.s32 s11, s22  }
0x136: {  	s0 =	sshll.u32 s0, $0x7  }
0x137: {  	s3 =	simm.s32 $0x4400;
	s0 =	sadd.s32 s2, s0  }
0x138: {  	[hbm4b:s0+s4] =	stream.linear.scatter [tilespmem:s3], [sflag:$0xD], $0x2000, $0x38;
	[tilespmem:$0x12400] =	vst v63  }
0x139: {  	s0 =	simm.s32 @!p0 $0x12  }
0x13a: {  	_ =	swait.ge @!p0 [sflag:s0], $0x2000  }
0x13b: {  	[sflag:s0] =	ssyncset.done @!p0 $0x0  }
0x13c: {  	[sflag:s0] =	ssyncadd.s32 @!p0 $0xFFFFE000  }
0x13d: {  	v2 =	vld.msk [tilespmem:s22+$0x308], $0xff;
	_ =	sdelay $0x4  }
0x13e: {  	v3 =	vshll.u32 v2, $0x3  }
0x13f: {  	v2 =	vand.u32 $0x7, v2;
	v3 =	vand.u32 $0xFFFFFFC0, v3  }
0x140: {  	v2 =	vor.u32 v2, v3  }
0x141: {  	v2 =	vperm.xlane v2, v0;
	_ =	sdelay $0x1  }
0x142: {  	v2 =	vadd.s32 v1, v2;
	_ =	sdelay $0x3  }
0x143: {  	s15 =	simm.s32 $0x0;
	s19 =	simm.s32 $0xE400  }
0x144: {  	[tilespmem:s19], [sflag:$0x8] =	stream.indirect_vreg.gather [hbm4b:s1+s15], $0x80, v2, vm0, $0xb8;
	[tilespmem:$0x12400] =	vst v63  }
0x145: {  	s20 =	simm.s32 $0xEC00  }
0x146: {  	[tilespmem:s20], [sflag:$0x8] =	stream.indirect_vreg.gather [hbm4b:s16+s15], $0x80, v2, vm0, $0xb8;
	[tilespmem:$0x12400] =	vst v63  }
0x147: {  	s23 =	simm.s32 $0xF400  }
0x148: {  	[tilespmem:s23], [sflag:$0x8] =	stream.indirect_vreg.gather [hbm4b:s17+s15], $0x80, v2, vm0, $0xb8;
	[tilespmem:$0x12400] =	vst v63  }
0x149: {  	s24 =	simm.s32 $0xFC00;
	s29 =	simm.s32 $0x4  }
0x14a: {  	[tilespmem:s24], [sflag:$0x8] =	stream.indirect_vreg.gather [hbm4b:s18+s15], $0x80, v2, vm0, $0xb8;
	[tilespmem:$0x12400] =	vst v63  }
0x14b: {  	_ =	swait.ge [sflag:s29], $0x2000  }
0x14c: {  	s28 =	simm.s32 $0x8400;
	[sflag:s29] =	ssyncset.done $0x0  }
0x14d: {  	s0 =	simm.s32 $0x6470;
	s24 =	simm.s32 $0x0;
	[sflag:s29] =	ssyncadd.s32 $0xFFFFE000  }
.LBB2_15:
0x14e: {  	v2 =	vld [tilespmem:s0+$0xFFFFFF90]  }
0x14f: {  	v3 =	vld [tilespmem:s0+$0xFFFFFFA0]  }
0x150: {  	v4 =	vld [tilespmem:s0+$0x0]  }
0x151: {  	v6 =	vld [tilespmem:s0+$0xFFFFFFB0]  }
0x152: {  	s3 =	sshll.u32 s24, $0x7;
	v7 =	vld [tilespmem:s0+$0xFFFFFFC0]  }
0x153: {  	s13 =	sand.u32 $0xC00, s15;
	v8 =	vld [tilespmem:s0+$0xFFFFFFD0];
	s14 =	sadd.s32 $0x10400, s3  }
0x154: {  	s9 =	sand.u32 $0x40, s15;
	v9 =	vld [tilespmem:s0+$0xFFFFFFE0];
	s3 =	sadd.s32 s13, s14  }
0x155: {  	v10 =	vld [tilespmem:s0+$0xFFFFFFF0];
	s3 =	sadd.s32 s9, s3  }
0x156: {  	v5 =	vld [tilespmem:s3+$0x30]  }
0x157: {  	s29 =	sadd.s32 $0x400, s0;
	v11 =	vld [tilespmem:s3+$0x0]  }
0x158: {  	v14 =	vld [tilespmem:s29+$0xFFFFFF90]  }
0x159: {  	s19 =	simm.s32 $0x200;
	v12 =	vld [tilespmem:s3+$0x10]  }
0x15a: {  	s23 =	simm.s32 $0x40;
	v13 =	vld [tilespmem:s3+$0x20];
	s3 =	sand.u32 $0xC00, s19;
	v4 =	vmul.f32 $3.200000000e+01, v4  }
0x15b: {  	s20 =	sand.u32 $0x40, s23;
	v16 =	vld [tilespmem:s29+$0xFFFFFFA0];
	v2 =	vmul.f32 $3.200000000e+01, v2;
	s3 =	sadd.s32 s3, s14;
	v15 =	vand.u32 $0xFFFF0000, v5  }
0x15c: {  	v3 =	vmul.f32 $3.200000000e+01, v3;
	s3 =	sadd.s32 s20, s3;
	v17 =	vshll.u32 v11, $0x10;
	v4 =	vadd.f32 v15, v4;
	v15 =	vld [tilespmem:s29+$0x0]  }
0x15d: {  	v7 =	vmul.f32 $3.200000000e+01, v7;
	v18 =	vld [tilespmem:s3+$0x30];
	v11 =	vand.u32 $0xFFFF0000, v11;
	v2 =	vadd.f32 v17, v2  }
0x15e: {  	v19 =	vld [tilespmem:s29+$0xFFFFFFC0];
	v6 =	vmul.f32 $3.200000000e+01, v6;
	v3 =	vadd.f32 v11, v3;
	v11 =	vand.u32 $0xFFFF0000, v12;
	[tilespmem:s0+$0x0] =	vst v4  }
0x15f: {  	v20 =	vld [tilespmem:s29+$0xFFFFFFD0];
	v8 =	vmul.f32 $3.200000000e+01, v8;
	v7 =	vadd.f32 v11, v7;
	v4 =	vshll.u32 v12, $0x10;
	[tilespmem:s0+$0xFFFFFF90] =	vst v2  }
0x160: {  	v63 =	vld [tilespmem:s29+$0xFFFFFFB0];
	[tilespmem:s0+$0xFFFFFFA0] =	vst v3;
	v2 =	vadd.f32 v4, v6;
	v4 =	vmul.f32 $3.200000000e+01, v9;
	v6 =	vshll.u32 v13, $0x10  }
0x161: {  	v3 =	vand.u32 $0xFFFF0000, v13;
	[tilespmem:s0+$0xFFFFFFC0] =	vst v7;
	v9 =	vadd.f32 v6, v8;
	v6 =	vld [tilespmem:s29+$0xFFFFFFE0];
	v12 =	vmul.f32 $3.200000000e+01, v15  }
0x162: {  	v8 =	vld [tilespmem:s29+$0xFFFFFFF0];
	[tilespmem:s0+$0xFFFFFFB0] =	vst v2;
	v2 =	vmul.f32 $3.200000000e+01, v10;
	v10 =	vadd.f32 v3, v4;
	v4 =	vand.u32 $0xFFFF0000, v18  }
0x163: {  	v5 =	vshll.u32 v5, $0x10;
	v11 =	vld [tilespmem:s3+$0x0];
	v3 =	vmul.f32 $3.200000000e+01, v14;
	[tilespmem:s0+$0xFFFFFFD0] =	vst v9;
	v14 =	vadd.f32 v4, v12  }
0x164: {  	s13 =	simm.s32 $0x4;
	v7 =	vmul.f32 $3.200000000e+01, v20;
	v9 =	vmul.f32 $3.200000000e+01, v19;
	v13 =	vadd.f32 v5, v2;
	v12 =	vld [tilespmem:s3+$0x10];
	[tilespmem:s0+$0xFFFFFFE0] =	vst v10  }
0x165: {  	s19 =	simm.s32 $0x400;
	s20 =	smov.u32 s0;
	v4 =	vmul.f32 $3.200000000e+01, v16;
	v5 =	vmul.f32 $3.200000000e+01, v63;
	v2 =	vshll.u32 v18, $0x10;
	v10 =	vld [tilespmem:s3+$0x20];
	s3 =	sadd.s32 $0x400, s29;
	[tilespmem:s29+$0x0] =	vst v14  }
.LBB2_16:
0x166: {  	s9 =	sand.u32 $0xC00, s19;
	v14 =	vld [tilespmem:s3+$0xFFFFFF90];
	s13 =	sadd.s32 $0x4, s13;
	v6 =	vmul.f32 $3.200000000e+01, v6;
	s23 =	sadd.s32 $0x40, s23;
	[tilespmem:s20+$0xFFFFFFF0] =	vst v13  }
0x167: {  	s20 =	sand.u32 $0x40, s23;
	s9 =	sadd.s32 s9, s14;
	v13 =	vld [tilespmem:s3+$0xFFFFFFA0];
	p0 =	slt.u32 s13, $0x1C;
	v8 =	vmul.f32 $3.200000000e+01, v8  }
0x168: {  	s9 =	sadd.s32 s20, s9;
	v15 =	vld [tilespmem:s3+$0x0];
	v16 =	vshll.u32 v11, $0x10;
	v11 =	vand.u32 $0xFFFF0000, v11;
	s20 =	smov.u32 s29;
	s29 =	smov.u32 s3  }
0x169: {  	v17 =	vld [tilespmem:s9+$0x30];
	v16 =	vadd.f32 v16, v3;
	v18 =	vshll.u32 v12, $0x10;
	v12 =	vand.u32 $0xFFFF0000, v12  }
0x16a: {  	v11 =	vadd.f32 v11, v4;
	v19 =	vld [tilespmem:s3+$0xFFFFFFB0];
	v20 =	vshll.u32 v10, $0x10;
	v10 =	vand.u32 $0xFFFF0000, v10  }
0x16b: {  	v5 =	vadd.f32 v18, v5;
	v9 =	vadd.f32 v12, v9;
	v3 =	vmul.f32 $3.200000000e+01, v14;
	v14 =	vld [tilespmem:s3+$0xFFFFFFC0];
	[tilespmem:s20+$0xFFFFFF90] =	vst v16  }
0x16c: {  	v7 =	vadd.f32 v20, v7;
	v10 =	vadd.f32 v10, v6;
	v4 =	vmul.f32 $3.200000000e+01, v13;
	v16 =	vld [tilespmem:s3+$0xFFFFFFD0];
	[tilespmem:s20+$0xFFFFFFA0] =	vst v11  }
.Ltmp6:
0x16d: {  	v13 =	vadd.f32 v2, v8;
	v6 =	vld [tilespmem:s3+$0xFFFFFFE0];
	v12 =	vmul.f32 $3.200000000e+01, v15;
	[tilespmem:s20+$0xFFFFFFB0] =	vst v5;
	(pc) =	sbr.rel @p0 .LBB2_16-.Ltmp6, $4  }
0x16e: {  	v2 =	vshll.u32 v17, $0x10;
	v15 =	vand.u32 $0xFFFF0000, v17;
	v8 =	vld [tilespmem:s3+$0xFFFFFFF0];
	[tilespmem:s20+$0xFFFFFFC0] =	vst v9  }
0x16f: {  	v11 =	vld [tilespmem:s9+$0x0];
	v5 =	vmul.f32 $3.200000000e+01, v19;
	v15 =	vadd.f32 v15, v12;
	[tilespmem:s20+$0xFFFFFFD0] =	vst v7  }
0x170: {  	v12 =	vld [tilespmem:s9+$0x10];
	v9 =	vmul.f32 $3.200000000e+01, v14;
	[tilespmem:s20+$0xFFFFFFE0] =	vst v10  }
0x171: {  	s19 =	sadd.s32 $0x200, s19;
	s3 =	sadd.s32 $0x400, s3;
	v10 =	vld [tilespmem:s9+$0x20];
	v7 =	vmul.f32 $3.200000000e+01, v16;
	[tilespmem:s29+$0x0] =	vst v15  }
0x172: {  	_ =	sdelay $0x1  }
0x173: {  	v14 =	vshll.u32 v11, $0x10  }
0x174: {  	v62 =	vmul.f32 $3.200000000e+01, v8;
	v57 =	vand.u32 $0xFFFF0000, v11;
	v3 =	vadd.f32 v14, v3  }
0x175: {  	[tilespmem:s20+$0xFFFFFFF0] =	vst v13;
	v4 =	vadd.f32 v57, v4  }
0x176: {  	s24 =	sadd.s32 $0x1, s24;
	v59 =	vand.u32 $0xFFFF0000, v12;
	v2 =	vadd.f32 v2, v62;
	[tilespmem:s29+$0xFFFFFF90] =	vst v3  }
0x177: {  	p0 =	sne.s32 s24, $0x8;
	v58 =	vshll.u32 v12, $0x10;
	v9 =	vadd.f32 v59, v9;
	[tilespmem:s29+$0xFFFFFFA0] =	vst v4  }
.Ltmp7:
0x178: {  	v60 =	vmul.f32 $3.200000000e+01, v6;
	v61 =	vshll.u32 v10, $0x10;
	v3 =	vadd.f32 v58, v5;
	[tilespmem:s29+$0xFFFFFFF0] =	vst v2;
	(pc) =	sbr.rel @p0 .LBB2_15-.Ltmp7, $4  }
0x179: {  	v63 =	vand.u32 $0xFFFF0000, v10;
	v6 =	vadd.f32 v61, v7;
	[tilespmem:s29+$0xFFFFFFC0] =	vst v9  }
0x17a: {  	[tilespmem:s29+$0xFFFFFFB0] =	vst v3;
	v3 =	vadd.f32 v63, v60  }
0x17b: {  	[tilespmem:s29+$0xFFFFFFD0] =	vst v6  }
0x17c: {  	s0 =	sadd.s32 $0x80, s0;
	[tilespmem:s29+$0xFFFFFFE0] =	vst v3  }
0x17d: {  	s0 =	sadd.s32 s12, s22  }
0x17e: {  	s0 =	sshll.u32 s0, $0x7  }
0x17f: {  	s3 =	simm.s32 $0x6400;
	s29 =	simm.s32 $0xA;
	s0 =	sadd.s32 s2, s0  }
0x180: {  	[hbm4b:s0+s4] =	stream.linear.scatter [tilespmem:s3], [sflag:$0xE], $0x2000, $0x38;
	[tilespmem:$0x12400] =	vst v63  }
0x181: {  	_ =	swait.ge [sflag:s29], $0x1000  }
0x182: {  	s22 =	sadd.s32 $0x2, s31;
	p0 =	sne.s32 s21, $0xF;
	s0 =	rddreg [dreg:$0x4]  }
0x183: {  	s0 =	sadd.s32 @p0 s0, s22  }
0x184: {  	s0 =	sshll.u32 @p0 s0, $0x9  }
0x185: {  	s9 =	simm.s32 @p0 $0x10400;
	[sflag:s29] =	ssyncset.done $0x0;
	s0 =	sand.u32 @p0 $0x1FFFFC00, s0  }
0x186: {  	s3 =	simm.s32 @p0 $0x0;
	[sflag:s29] =	ssyncadd.s32 $0xFFFFF000;
	s0 =	sadd.s32 @p0 s5, s0  }
0x187: {  	[tilespmem:s9], [sflag:$0x9] =	stream.linear.gather @p0 [hbm4b:s0+s3], $0x1000, $0x38;
	[tilespmem:$0x12400] =	vst v63  }
0x188: {  	s0 =	simm.s32 @p0 $0xB  }
0x189: {  	_ =	swait.ge @p0 [sflag:s0], $0x2000  }
0x18a: {  	s9 =	sshll.u32 @p0 s22, $0x3;
	[sflag:s0] =	ssyncset.done @p0 $0x0  }
0x18b: {  	[sflag:s0] =	ssyncadd.s32 @p0 $0xFFFFE000;
	s0 =	sand.u32 @p0 $0x3FFFFFF8, s9  }
0x18c: {  	v2 =	vld.msk @p0 [tilespmem:s0+$0x0], $0xff;
	_ =	sdelay $0x4  }
0x18d: {  	v3 =	vshll.u32 @p0 v2, $0x3  }
0x18e: {  	v4 =	vlaneseq.u32 @p0;
	v2 =	vand.u32 @p0 $0x7, v2;
	v3 =	vand.u32 @p0 $0xFFFFFFC0, v3  }
0x18f: {  	v2 =	vor.u32 @p0 v2, v3;
	v3 =	vand.u32 @p0 $0x7, v4;
	v4 =	vshrl.u32 @p0 v4, $0x3  }
0x190: {  	v2 =	vperm.xlane @p0 v2, v3;
	v3 =	vmul.u32 @p0 $0x8, v4;
	_ =	sdelay $0x1  }
0x191: {  	v2 =	vadd.s32 @p0 v3, v2;
	_ =	sdelay $0x3  }
0x192: {  	vm1 =	vmmov @p0 $0xffff;
	s0 =	simm.s32 @p0 $0x400  }
0x193: {  	[tilespmem:s0], [sflag:$0x1] =	stream.indirect_vreg.gather @p0 [hbm4b:s1+s3], $0x80, v2, vm1, $0xb8;
	[tilespmem:$0x12400] =	vst v63  }
0x194: {  	s0 =	simm.s32 @p0 $0xC00  }
0x195: {  	[tilespmem:s0], [sflag:$0x1] =	stream.indirect_vreg.gather @p0 [hbm4b:s16+s3], $0x80, v2, vm1, $0xb8;
	[tilespmem:$0x12400] =	vst v63  }
0x196: {  	s0 =	simm.s32 @p0 $0x1400  }
0x197: {  	[tilespmem:s0], [sflag:$0x1] =	stream.indirect_vreg.gather @p0 [hbm4b:s17+s3], $0x80, v2, vm1, $0xb8;
	[tilespmem:$0x12400] =	vst v63  }
0x198: {  	s0 =	simm.s32 @p0 $0x1C00  }
0x199: {  	[tilespmem:s0], [sflag:$0x1] =	stream.indirect_vreg.gather @p0 [hbm4b:s18+s3], $0x80, v2, vm1, $0xb8;
	[tilespmem:$0x12400] =	vst v63  }
0x19a: {  	s0 =	simm.s32 @!p0 $0xB  }
0x19b: {  	_ =	swait.ge @!p0 [sflag:s0], $0x2000  }
0x19c: {  	[sflag:s0] =	ssyncset.done @!p0 $0x0  }
0x19d: {  	s31 =	simm.s32 $0x5;
	[sflag:s0] =	ssyncadd.s32 @!p0 $0xFFFFE000  }
0x19e: {  	_ =	swait.ge [sflag:s31], $0x2000  }
0x19f: {  	s15 =	simm.s32 $0x0;
	[sflag:s31] =	ssyncset.done $0x0  }
0x1a0: {  	s24 =	simm.s32 $0x0;
	s0 =	simm.s32 $0x8470;
	[sflag:s31] =	ssyncadd.s32 $0xFFFFE000  }
.LBB2_19:
0x1a1: {  	v2 =	vld [tilespmem:s0+$0xFFFFFF90]  }
0x1a2: {  	v3 =	vld [tilespmem:s0+$0xFFFFFFA0]  }
0x1a3: {  	v4 =	vld [tilespmem:s0+$0x0]  }
0x1a4: {  	v6 =	vld [tilespmem:s0+$0xFFFFFFB0]  }
0x1a5: {  	s3 =	sshll.u32 s24, $0x7;
	v7 =	vld [tilespmem:s0+$0xFFFFFFC0]  }
0x1a6: {  	s20 =	sand.u32 $0xC00, s15;
	v8 =	vld [tilespmem:s0+$0xFFFFFFD0];
	s14 =	sadd.s32 $0x11400, s3  }
0x1a7: {  	s9 =	sand.u32 $0x40, s15;
	v9 =	vld [tilespmem:s0+$0xFFFFFFE0];
	s3 =	sadd.s32 s20, s14  }
0x1a8: {  	v10 =	vld [tilespmem:s0+$0xFFFFFFF0];
	s3 =	sadd.s32 s9, s3  }
0x1a9: {  	v5 =	vld [tilespmem:s3+$0x30]  }
0x1aa: {  	s29 =	sadd.s32 $0x400, s0;
	v11 =	vld [tilespmem:s3+$0x0]  }
0x1ab: {  	v14 =	vld [tilespmem:s29+$0xFFFFFF90]  }
0x1ac: {  	s23 =	simm.s32 $0x200;
	v12 =	vld [tilespmem:s3+$0x10]  }
0x1ad: {  	v13 =	vld [tilespmem:s3+$0x20];
	s3 =	sand.u32 $0xC00, s23;
	s23 =	simm.s32 $0x40;
	v4 =	vmul.f32 $3.200000000e+01, v4  }
0x1ae: {  	v16 =	vld [tilespmem:s29+$0xFFFFFFA0];
	v2 =	vmul.f32 $3.200000000e+01, v2;
	s31 =	sand.u32 $0x40, s23;
	s3 =	sadd.s32 s3, s14;
	v15 =	vand.u32 $0xFFFF0000, v5  }
0x1af: {  	v3 =	vmul.f32 $3.200000000e+01, v3;
	s3 =	sadd.s32 s31, s3;
	v17 =	vshll.u32 v11, $0x10;
	v4 =	vadd.f32 v15, v4;
	v15 =	vld [tilespmem:s29+$0x0]  }
0x1b0: {  	v7 =	vmul.f32 $3.200000000e+01, v7;
	v18 =	vld [tilespmem:s3+$0x30];
	v11 =	vand.u32 $0xFFFF0000, v11;
	v2 =	vadd.f32 v17, v2  }
0x1b1: {  	v19 =	vld [tilespmem:s29+$0xFFFFFFC0];
	v6 =	vmul.f32 $3.200000000e+01, v6;
	v3 =	vadd.f32 v11, v3;
	v11 =	vand.u32 $0xFFFF0000, v12;
	[tilespmem:s0+$0x0] =	vst v4  }
0x1b2: {  	v20 =	vld [tilespmem:s29+$0xFFFFFFD0];
	v8 =	vmul.f32 $3.200000000e+01, v8;
	v7 =	vadd.f32 v11, v7;
	v4 =	vshll.u32 v12, $0x10;
	[tilespmem:s0+$0xFFFFFF90] =	vst v2  }
0x1b3: {  	v63 =	vld [tilespmem:s29+$0xFFFFFFB0];
	[tilespmem:s0+$0xFFFFFFA0] =	vst v3;
	v2 =	vadd.f32 v4, v6;
	v4 =	vmul.f32 $3.200000000e+01, v9;
	v6 =	vshll.u32 v13, $0x10  }
0x1b4: {  	v3 =	vand.u32 $0xFFFF0000, v13;
	[tilespmem:s0+$0xFFFFFFC0] =	vst v7;
	v9 =	vadd.f32 v6, v8;
	v6 =	vld [tilespmem:s29+$0xFFFFFFE0];
	v12 =	vmul.f32 $3.200000000e+01, v15  }
0x1b5: {  	v8 =	vld [tilespmem:s29+$0xFFFFFFF0];
	[tilespmem:s0+$0xFFFFFFB0] =	vst v2;
	v2 =	vmul.f32 $3.200000000e+01, v10;
	v10 =	vadd.f32 v3, v4;
	v4 =	vand.u32 $0xFFFF0000, v18  }
0x1b6: {  	v5 =	vshll.u32 v5, $0x10;
	v11 =	vld [tilespmem:s3+$0x0];
	v3 =	vmul.f32 $3.200000000e+01, v14;
	[tilespmem:s0+$0xFFFFFFD0] =	vst v9;
	v14 =	vadd.f32 v4, v12  }
0x1b7: {  	s13 =	simm.s32 $0x4;
	v7 =	vmul.f32 $3.200000000e+01, v20;
	v9 =	vmul.f32 $3.200000000e+01, v19;
	v13 =	vadd.f32 v5, v2;
	v12 =	vld [tilespmem:s3+$0x10];
	[tilespmem:s0+$0xFFFFFFE0] =	vst v10  }
0x1b8: {  	s19 =	simm.s32 $0x400;
	s20 =	smov.u32 s0;
	v4 =	vmul.f32 $3.200000000e+01, v16;
	v5 =	vmul.f32 $3.200000000e+01, v63;
	v2 =	vshll.u32 v18, $0x10;
	v10 =	vld [tilespmem:s3+$0x20];
	s3 =	sadd.s32 $0x400, s29;
	[tilespmem:s29+$0x0] =	vst v14  }
.LBB2_20:
0x1b9: {  	s9 =	sand.u32 $0xC00, s19;
	v14 =	vld [tilespmem:s3+$0xFFFFFF90];
	s13 =	sadd.s32 $0x4, s13;
	v6 =	vmul.f32 $3.200000000e+01, v6;
	s23 =	sadd.s32 $0x40, s23;
	[tilespmem:s20+$0xFFFFFFF0] =	vst v13  }
0x1ba: {  	s20 =	sand.u32 $0x40, s23;
	s9 =	sadd.s32 s9, s14;
	v13 =	vld [tilespmem:s3+$0xFFFFFFA0];
	p0 =	slt.u32 s13, $0x1C;
	v8 =	vmul.f32 $3.200000000e+01, v8  }
0x1bb: {  	s9 =	sadd.s32 s20, s9;
	v15 =	vld [tilespmem:s3+$0x0];
	v16 =	vshll.u32 v11, $0x10;
	v11 =	vand.u32 $0xFFFF0000, v11;
	s20 =	smov.u32 s29;
	s29 =	smov.u32 s3  }
0x1bc: {  	v17 =	vld [tilespmem:s9+$0x30];
	v16 =	vadd.f32 v16, v3;
	v18 =	vshll.u32 v12, $0x10;
	v12 =	vand.u32 $0xFFFF0000, v12  }
0x1bd: {  	v11 =	vadd.f32 v11, v4;
	v19 =	vld [tilespmem:s3+$0xFFFFFFB0];
	v20 =	vshll.u32 v10, $0x10;
	v10 =	vand.u32 $0xFFFF0000, v10  }
0x1be: {  	v5 =	vadd.f32 v18, v5;
	v9 =	vadd.f32 v12, v9;
	v3 =	vmul.f32 $3.200000000e+01, v14;
	v14 =	vld [tilespmem:s3+$0xFFFFFFC0];
	[tilespmem:s20+$0xFFFFFF90] =	vst v16  }
0x1bf: {  	v7 =	vadd.f32 v20, v7;
	v10 =	vadd.f32 v10, v6;
	v4 =	vmul.f32 $3.200000000e+01, v13;
	v16 =	vld [tilespmem:s3+$0xFFFFFFD0];
	[tilespmem:s20+$0xFFFFFFA0] =	vst v11  }
.Ltmp8:
0x1c0: {  	v13 =	vadd.f32 v2, v8;
	v6 =	vld [tilespmem:s3+$0xFFFFFFE0];
	v12 =	vmul.f32 $3.200000000e+01, v15;
	[tilespmem:s20+$0xFFFFFFB0] =	vst v5;
	(pc) =	sbr.rel @p0 .LBB2_20-.Ltmp8, $4  }
0x1c1: {  	v2 =	vshll.u32 v17, $0x10;
	v15 =	vand.u32 $0xFFFF0000, v17;
	v8 =	vld [tilespmem:s3+$0xFFFFFFF0];
	[tilespmem:s20+$0xFFFFFFC0] =	vst v9  }
0x1c2: {  	v11 =	vld [tilespmem:s9+$0x0];
	v5 =	vmul.f32 $3.200000000e+01, v19;
	v15 =	vadd.f32 v15, v12;
	[tilespmem:s20+$0xFFFFFFD0] =	vst v7  }
0x1c3: {  	v12 =	vld [tilespmem:s9+$0x10];
	v9 =	vmul.f32 $3.200000000e+01, v14;
	[tilespmem:s20+$0xFFFFFFE0] =	vst v10  }
0x1c4: {  	s19 =	sadd.s32 $0x200, s19;
	s3 =	sadd.s32 $0x400, s3;
	v10 =	vld [tilespmem:s9+$0x20];
	v7 =	vmul.f32 $3.200000000e+01, v16;
	[tilespmem:s29+$0x0] =	vst v15  }
0x1c5: {  	_ =	sdelay $0x1  }
0x1c6: {  	v14 =	vshll.u32 v11, $0x10  }
0x1c7: {  	v62 =	vmul.f32 $3.200000000e+01, v8;
	v57 =	vand.u32 $0xFFFF0000, v11;
	v3 =	vadd.f32 v14, v3  }
0x1c8: {  	[tilespmem:s20+$0xFFFFFFF0] =	vst v13;
	v4 =	vadd.f32 v57, v4  }
0x1c9: {  	s24 =	sadd.s32 $0x1, s24;
	v59 =	vand.u32 $0xFFFF0000, v12;
	v2 =	vadd.f32 v2, v62;
	[tilespmem:s29+$0xFFFFFF90] =	vst v3  }
0x1ca: {  	p0 =	sne.s32 s24, $0x8;
	v58 =	vshll.u32 v12, $0x10;
	v9 =	vadd.f32 v59, v9;
	[tilespmem:s29+$0xFFFFFFA0] =	vst v4  }
.Ltmp9:
0x1cb: {  	v60 =	vmul.f32 $3.200000000e+01, v6;
	v61 =	vshll.u32 v10, $0x10;
	v3 =	vadd.f32 v58, v5;
	[tilespmem:s29+$0xFFFFFFF0] =	vst v2;
	(pc) =	sbr.rel @p0 .LBB2_19-.Ltmp9, $4  }
0x1cc: {  	v63 =	vand.u32 $0xFFFF0000, v10;
	v6 =	vadd.f32 v61, v7;
	[tilespmem:s29+$0xFFFFFFC0] =	vst v9  }
0x1cd: {  	[tilespmem:s29+$0xFFFFFFB0] =	vst v3;
	v3 =	vadd.f32 v63, v60  }
0x1ce: {  	[tilespmem:s29+$0xFFFFFFD0] =	vst v6  }
0x1cf: {  	s0 =	sadd.s32 $0x80, s0;
	[tilespmem:s29+$0xFFFFFFE0] =	vst v3  }
0x1d0: {  	s0 =	sshll.u32 s7, $0x7  }
0x1d1: {  	s3 =	simm.s32 $0xC;
	s0 =	sadd.s32 s2, s0  }
0x1d2: {  	[hbm4b:s0+s4] =	stream.linear.scatter [tilespmem:s28], [sflag:$0xF], $0x2000, $0x38;
	[tilespmem:$0x12400] =	vst v63  }
0x1d3: {  	p0 =	seq.s32 s21, $0xF;
	_ =	swait.ge [sflag:s3], $0x2000  }
0x1d4: {  	s0 =	sshll.u32 @!p0 s22, $0x3;
	[sflag:s3] =	ssyncset.done $0x0  }
0x1d5: {  	s7 =	sand.u32 @!p0 $0x3FFFFFF8, s0;
	[sflag:s3] =	ssyncadd.s32 $0xFFFFE000  }
0x1d6: {  	v2 =	vld.msk @!p0 [tilespmem:s7+$0x100], $0xff;
	_ =	sdelay $0x4  }
0x1d7: {  	v3 =	vshll.u32 @!p0 v2, $0x3  }
0x1d8: {  	v4 =	vlaneseq.u32 @!p0;
	v2 =	vand.u32 @!p0 $0x7, v2;
	v3 =	vand.u32 @!p0 $0xFFFFFFC0, v3  }
0x1d9: {  	v2 =	vor.u32 @!p0 v2, v3;
	v3 =	vand.u32 @!p0 $0x7, v4;
	v4 =	vshrl.u32 @!p0 v4, $0x3  }
0x1da: {  	v2 =	vperm.xlane @!p0 v2, v3;
	v3 =	vmul.u32 @!p0 $0x8, v4;
	_ =	sdelay $0x1  }
0x1db: {  	v2 =	vadd.s32 @!p0 v3, v2;
	_ =	sdelay $0x3  }
0x1dc: {  	vm1 =	vmmov @!p0 $0xffff;
	s0 =	simm.s32 @!p0 $0x0;
	s3 =	simm.s32 @!p0 $0x2400  }
0x1dd: {  	[tilespmem:s3], [sflag:$0x2] =	stream.indirect_vreg.gather @!p0 [hbm4b:s1+s0], $0x80, v2, vm1, $0xb8;
	[tilespmem:$0x12400] =	vst v63  }
0x1de: {  	s3 =	simm.s32 @!p0 $0x2C00  }
0x1df: {  	[tilespmem:s3], [sflag:$0x2] =	stream.indirect_vreg.gather @!p0 [hbm4b:s16+s0], $0x80, v2, vm1, $0xb8;
	[tilespmem:$0x12400] =	vst v63  }
0x1e0: {  	s3 =	simm.s32 @!p0 $0x3400  }
0x1e1: {  	[tilespmem:s3], [sflag:$0x2] =	stream.indirect_vreg.gather @!p0 [hbm4b:s17+s0], $0x80, v2, vm1, $0xb8;
	[tilespmem:$0x12400] =	vst v63  }
0x1e2: {  	s31 =	simm.s32 $0x6;
	s3 =	simm.s32 @!p0 $0x3C00  }
0x1e3: {  	[tilespmem:s3], [sflag:$0x2] =	stream.indirect_vreg.gather @!p0 [hbm4b:s18+s0], $0x80, v2, vm1, $0xb8;
	[tilespmem:$0x12400] =	vst v63  }
0x1e4: {  	_ =	swait.ge [sflag:s31], $0x2000  }
0x1e5: {  	s15 =	simm.s32 $0x0;
	[sflag:s31] =	ssyncset.done $0x0  }
0x1e6: {  	s22 =	simm.s32 $0x0;
	s0 =	simm.s32 $0xA470;
	[sflag:s31] =	ssyncadd.s32 $0xFFFFE000  }
.LBB2_23:
0x1e7: {  	v2 =	vld [tilespmem:s0+$0xFFFFFF90]  }
0x1e8: {  	v3 =	vld [tilespmem:s0+$0xFFFFFFA0]  }
0x1e9: {  	v4 =	vld [tilespmem:s0+$0x0]  }
0x1ea: {  	v6 =	vld [tilespmem:s0+$0xFFFFFFB0]  }
0x1eb: {  	s3 =	sshll.u32 s22, $0x7;
	v7 =	vld [tilespmem:s0+$0xFFFFFFC0]  }
0x1ec: {  	s24 =	sand.u32 $0xC00, s15;
	v8 =	vld [tilespmem:s0+$0xFFFFFFD0];
	s14 =	sadd.s32 $0x11400, s3  }
0x1ed: {  	s9 =	sand.u32 $0x40, s15;
	v9 =	vld [tilespmem:s0+$0xFFFFFFE0];
	s3 =	sadd.s32 s24, s14  }
0x1ee: {  	v10 =	vld [tilespmem:s0+$0xFFFFFFF0];
	s3 =	sadd.s32 s9, s3  }
0x1ef: {  	v5 =	vld [tilespmem:s3+$0x30]  }
0x1f0: {  	s24 =	sadd.s32 $0x400, s0;
	v11 =	vld [tilespmem:s3+$0x0]  }
0x1f1: {  	v14 =	vld [tilespmem:s24+$0xFFFFFF90]  }
0x1f2: {  	s29 =	simm.s32 $0x200;
	v12 =	vld [tilespmem:s3+$0x10]  }
0x1f3: {  	s23 =	simm.s32 $0x40;
	v13 =	vld [tilespmem:s3+$0x20];
	s3 =	sand.u32 $0xC00, s29;
	v4 =	vmul.f32 $3.200000000e+01, v4  }
0x1f4: {  	s31 =	sand.u32 $0x40, s23;
	v16 =	vld [tilespmem:s24+$0xFFFFFFA0];
	v2 =	vmul.f32 $3.200000000e+01, v2;
	s3 =	sadd.s32 s3, s14;
	v15 =	vand.u32 $0xFFFF0000, v5  }
0x1f5: {  	v3 =	vmul.f32 $3.200000000e+01, v3;
	s3 =	sadd.s32 s31, s3;
	v17 =	vshll.u32 v11, $0x10;
	v4 =	vadd.f32 v15, v4;
	v15 =	vld [tilespmem:s24+$0x0]  }
0x1f6: {  	v7 =	vmul.f32 $3.200000000e+01, v7;
	v18 =	vld [tilespmem:s3+$0x30];
	v11 =	vand.u32 $0xFFFF0000, v11;
	v2 =	vadd.f32 v17, v2  }
0x1f7: {  	v19 =	vld [tilespmem:s24+$0xFFFFFFC0];
	v6 =	vmul.f32 $3.200000000e+01, v6;
	v3 =	vadd.f32 v11, v3;
	v11 =	vand.u32 $0xFFFF0000, v12;
	[tilespmem:s0+$0x0] =	vst v4  }
0x1f8: {  	v20 =	vld [tilespmem:s24+$0xFFFFFFD0];
	v8 =	vmul.f32 $3.200000000e+01, v8;
	v7 =	vadd.f32 v11, v7;
	v4 =	vshll.u32 v12, $0x10;
	[tilespmem:s0+$0xFFFFFF90] =	vst v2  }
0x1f9: {  	v63 =	vld [tilespmem:s24+$0xFFFFFFB0];
	[tilespmem:s0+$0xFFFFFFA0] =	vst v3;
	v2 =	vadd.f32 v4, v6;
	v4 =	vmul.f32 $3.200000000e+01, v9;
	v6 =	vshll.u32 v13, $0x10  }
0x1fa: {  	v3 =	vand.u32 $0xFFFF0000, v13;
	[tilespmem:s0+$0xFFFFFFC0] =	vst v7;
	v9 =	vadd.f32 v6, v8;
	v6 =	vld [tilespmem:s24+$0xFFFFFFE0];
	v12 =	vmul.f32 $3.200000000e+01, v15  }
0x1fb: {  	v8 =	vld [tilespmem:s24+$0xFFFFFFF0];
	[tilespmem:s0+$0xFFFFFFB0] =	vst v2;
	v2 =	vmul.f32 $3.200000000e+01, v10;
	v10 =	vadd.f32 v3, v4;
	v4 =	vand.u32 $0xFFFF0000, v18  }
0x1fc: {  	v5 =	vshll.u32 v5, $0x10;
	v11 =	vld [tilespmem:s3+$0x0];
	v3 =	vmul.f32 $3.200000000e+01, v14;
	[tilespmem:s0+$0xFFFFFFD0] =	vst v9;
	v14 =	vadd.f32 v4, v12  }
0x1fd: {  	s13 =	simm.s32 $0x4;
	v7 =	vmul.f32 $3.200000000e+01, v20;
	v9 =	vmul.f32 $3.200000000e+01, v19;
	v13 =	vadd.f32 v5, v2;
	v12 =	vld [tilespmem:s3+$0x10];
	[tilespmem:s0+$0xFFFFFFE0] =	vst v10  }
0x1fe: {  	s19 =	simm.s32 $0x400;
	s20 =	smov.u32 s0;
	v4 =	vmul.f32 $3.200000000e+01, v16;
	v5 =	vmul.f32 $3.200000000e+01, v63;
	v2 =	vshll.u32 v18, $0x10;
	v10 =	vld [tilespmem:s3+$0x20];
	s3 =	sadd.s32 $0x400, s24;
	[tilespmem:s24+$0x0] =	vst v14  }
.LBB2_24:
0x1ff: {  	s9 =	sand.u32 $0xC00, s19;
	v14 =	vld [tilespmem:s3+$0xFFFFFF90];
	s13 =	sadd.s32 $0x4, s13;
	v6 =	vmul.f32 $3.200000000e+01, v6;
	s23 =	sadd.s32 $0x40, s23;
	[tilespmem:s20+$0xFFFFFFF0] =	vst v13  }
0x200: {  	s20 =	sand.u32 $0x40, s23;
	s9 =	sadd.s32 s9, s14;
	v13 =	vld [tilespmem:s3+$0xFFFFFFA0];
	p1 =	slt.u32 s13, $0x1C;
	v8 =	vmul.f32 $3.200000000e+01, v8  }
0x201: {  	s9 =	sadd.s32 s20, s9;
	v15 =	vld [tilespmem:s3+$0x0];
	v16 =	vshll.u32 v11, $0x10;
	v11 =	vand.u32 $0xFFFF0000, v11;
	s20 =	smov.u32 s24;
	s24 =	smov.u32 s3  }
0x202: {  	v17 =	vld [tilespmem:s9+$0x30];
	v16 =	vadd.f32 v16, v3;
	v18 =	vshll.u32 v12, $0x10;
	v12 =	vand.u32 $0xFFFF0000, v12  }
0x203: {  	v11 =	vadd.f32 v11, v4;
	v19 =	vld [tilespmem:s3+$0xFFFFFFB0];
	v20 =	vshll.u32 v10, $0x10;
	v10 =	vand.u32 $0xFFFF0000, v10  }
0x204: {  	v5 =	vadd.f32 v18, v5;
	v9 =	vadd.f32 v12, v9;
	v3 =	vmul.f32 $3.200000000e+01, v14;
	v14 =	vld [tilespmem:s3+$0xFFFFFFC0];
	[tilespmem:s20+$0xFFFFFF90] =	vst v16  }
0x205: {  	v7 =	vadd.f32 v20, v7;
	v10 =	vadd.f32 v10, v6;
	v4 =	vmul.f32 $3.200000000e+01, v13;
	v16 =	vld [tilespmem:s3+$0xFFFFFFD0];
	[tilespmem:s20+$0xFFFFFFA0] =	vst v11  }
.Ltmp10:
0x206: {  	v13 =	vadd.f32 v2, v8;
	v6 =	vld [tilespmem:s3+$0xFFFFFFE0];
	v12 =	vmul.f32 $3.200000000e+01, v15;
	[tilespmem:s20+$0xFFFFFFB0] =	vst v5;
	(pc) =	sbr.rel @p1 .LBB2_24-.Ltmp10, $4  }
0x207: {  	v2 =	vshll.u32 v17, $0x10;
	v15 =	vand.u32 $0xFFFF0000, v17;
	v8 =	vld [tilespmem:s3+$0xFFFFFFF0];
	[tilespmem:s20+$0xFFFFFFC0] =	vst v9  }
0x208: {  	v11 =	vld [tilespmem:s9+$0x0];
	v5 =	vmul.f32 $3.200000000e+01, v19;
	v15 =	vadd.f32 v15, v12;
	[tilespmem:s20+$0xFFFFFFD0] =	vst v7  }
0x209: {  	v12 =	vld [tilespmem:s9+$0x10];
	v9 =	vmul.f32 $3.200000000e+01, v14;
	[tilespmem:s20+$0xFFFFFFE0] =	vst v10  }
0x20a: {  	s19 =	sadd.s32 $0x200, s19;
	s3 =	sadd.s32 $0x400, s3;
	v10 =	vld [tilespmem:s9+$0x20];
	v7 =	vmul.f32 $3.200000000e+01, v16;
	[tilespmem:s24+$0x0] =	vst v15  }
0x20b: {  	_ =	sdelay $0x1  }
0x20c: {  	v14 =	vshll.u32 v11, $0x10  }
0x20d: {  	v62 =	vmul.f32 $3.200000000e+01, v8;
	v57 =	vand.u32 $0xFFFF0000, v11;
	v3 =	vadd.f32 v14, v3  }
0x20e: {  	[tilespmem:s20+$0xFFFFFFF0] =	vst v13;
	v4 =	vadd.f32 v57, v4  }
0x20f: {  	s22 =	sadd.s32 $0x1, s22;
	v59 =	vand.u32 $0xFFFF0000, v12;
	v2 =	vadd.f32 v2, v62;
	[tilespmem:s24+$0xFFFFFF90] =	vst v3  }
0x210: {  	p1 =	sne.s32 s22, $0x8;
	v58 =	vshll.u32 v12, $0x10;
	v9 =	vadd.f32 v59, v9;
	[tilespmem:s24+$0xFFFFFFA0] =	vst v4  }
.Ltmp11:
0x211: {  	v60 =	vmul.f32 $3.200000000e+01, v6;
	v61 =	vshll.u32 v10, $0x10;
	v3 =	vadd.f32 v58, v5;
	[tilespmem:s24+$0xFFFFFFF0] =	vst v2;
	(pc) =	sbr.rel @p1 .LBB2_23-.Ltmp11, $4  }
0x212: {  	v63 =	vand.u32 $0xFFFF0000, v10;
	v6 =	vadd.f32 v61, v7;
	[tilespmem:s24+$0xFFFFFFC0] =	vst v9  }
0x213: {  	[tilespmem:s24+$0xFFFFFFB0] =	vst v3;
	v3 =	vadd.f32 v63, v60  }
0x214: {  	[tilespmem:s24+$0xFFFFFFD0] =	vst v6  }
0x215: {  	s0 =	sadd.s32 $0x80, s0;
	[tilespmem:s24+$0xFFFFFFE0] =	vst v3  }
0x216: {  	s0 =	sadd.s32 s8, s26  }
0x217: {  	s0 =	sshll.u32 s0, $0x7  }
0x218: {  	s3 =	simm.s32 $0xA400;
	s31 =	simm.s32 $0xD;
	s0 =	sadd.s32 s2, s0  }
0x219: {  	[hbm4b:s0+s4] =	stream.linear.scatter [tilespmem:s3], [sflag:$0x10], $0x2000, $0x38;
	[tilespmem:$0x12400] =	vst v63  }
0x21a: {  	_ =	swait.ge [sflag:s31], $0x2000  }
0x21b: {  	[sflag:s31] =	ssyncset.done $0x0  }
0x21c: {  	[sflag:s31] =	ssyncadd.s32 $0xFFFFE000  }
0x21d: {  	v2 =	vld.msk @!p0 [tilespmem:s7+$0x200], $0xff;
	_ =	sdelay $0x4  }
0x21e: {  	v3 =	vshll.u32 @!p0 v2, $0x3  }
0x21f: {  	v4 =	vlaneseq.u32 @!p0;
	v2 =	vand.u32 @!p0 $0x7, v2;
	v3 =	vand.u32 @!p0 $0xFFFFFFC0, v3  }
0x220: {  	v2 =	vor.u32 @!p0 v2, v3;
	v3 =	vand.u32 @!p0 $0x7, v4;
	v4 =	vshrl.u32 @!p0 v4, $0x3  }
0x221: {  	v2 =	vperm.xlane @!p0 v2, v3;
	v3 =	vmul.u32 @!p0 $0x8, v4;
	_ =	sdelay $0x1  }
0x222: {  	v2 =	vadd.s32 @!p0 v3, v2;
	_ =	sdelay $0x3  }
0x223: {  	s0 =	simm.s32 @!p0 $0x0;
	s3 =	simm.s32 @!p0 $0x4400  }
0x224: {  	[tilespmem:s3], [sflag:$0x3] =	stream.indirect_vreg.gather @!p0 [hbm4b:s1+s0], $0x80, v2, vm1, $0xb8;
	[tilespmem:$0x12400] =	vst v63  }
0x225: {  	s3 =	simm.s32 @!p0 $0x4C00  }
0x226: {  	[tilespmem:s3], [sflag:$0x3] =	stream.indirect_vreg.gather @!p0 [hbm4b:s16+s0], $0x80, v2, vm1, $0xb8;
	[tilespmem:$0x12400] =	vst v63  }
0x227: {  	s3 =	simm.s32 @!p0 $0x5400  }
0x228: {  	[tilespmem:s3], [sflag:$0x3] =	stream.indirect_vreg.gather @!p0 [hbm4b:s17+s0], $0x80, v2, vm1, $0xb8;
	[tilespmem:$0x12400] =	vst v63  }
0x229: {  	s3 =	simm.s32 @!p0 $0x5C00  }
0x22a: {  	[tilespmem:s3], [sflag:$0x3] =	stream.indirect_vreg.gather @!p0 [hbm4b:s18+s0], $0x80, v2, vm1, $0xb8;
	[tilespmem:$0x12400] =	vst v63  }
0x22b: {  	_ =	swait.ge [sflag:s10], $0x2000  }
0x22c: {  	s15 =	simm.s32 $0x0;
	[sflag:s10] =	ssyncset.done $0x0  }
0x22d: {  	s22 =	simm.s32 $0x0;
	s0 =	simm.s32 $0xC470;
	[sflag:s10] =	ssyncadd.s32 $0xFFFFE000  }
.LBB2_27:
0x22e: {  	v2 =	vld [tilespmem:s0+$0xFFFFFF90]  }
0x22f: {  	v3 =	vld [tilespmem:s0+$0xFFFFFFA0]  }
0x230: {  	v4 =	vld [tilespmem:s0+$0x0]  }
0x231: {  	v6 =	vld [tilespmem:s0+$0xFFFFFFB0]  }
0x232: {  	s3 =	sshll.u32 s22, $0x7;
	v7 =	vld [tilespmem:s0+$0xFFFFFFC0]  }
0x233: {  	s24 =	sand.u32 $0xC00, s15;
	v8 =	vld [tilespmem:s0+$0xFFFFFFD0];
	s14 =	sadd.s32 $0x11400, s3  }
0x234: {  	s9 =	sand.u32 $0x40, s15;
	v9 =	vld [tilespmem:s0+$0xFFFFFFE0];
	s3 =	sadd.s32 s24, s14  }
0x235: {  	v10 =	vld [tilespmem:s0+$0xFFFFFFF0];
	s3 =	sadd.s32 s9, s3  }
0x236: {  	v5 =	vld [tilespmem:s3+$0x30]  }
0x237: {  	s24 =	sadd.s32 $0x400, s0;
	v11 =	vld [tilespmem:s3+$0x0]  }
0x238: {  	v14 =	vld [tilespmem:s24+$0xFFFFFF90]  }
0x239: {  	s29 =	simm.s32 $0x200;
	v12 =	vld [tilespmem:s3+$0x10]  }
0x23a: {  	s23 =	simm.s32 $0x40;
	v13 =	vld [tilespmem:s3+$0x20];
	s3 =	sand.u32 $0xC00, s29;
	v4 =	vmul.f32 $3.200000000e+01, v4  }
0x23b: {  	s31 =	sand.u32 $0x40, s23;
	v16 =	vld [tilespmem:s24+$0xFFFFFFA0];
	v2 =	vmul.f32 $3.200000000e+01, v2;
	s3 =	sadd.s32 s3, s14;
	v15 =	vand.u32 $0xFFFF0000, v5  }
0x23c: {  	v3 =	vmul.f32 $3.200000000e+01, v3;
	s3 =	sadd.s32 s31, s3;
	v17 =	vshll.u32 v11, $0x10;
	v4 =	vadd.f32 v15, v4;
	v15 =	vld [tilespmem:s24+$0x0]  }
0x23d: {  	v7 =	vmul.f32 $3.200000000e+01, v7;
	v18 =	vld [tilespmem:s3+$0x30];
	v11 =	vand.u32 $0xFFFF0000, v11;
	v2 =	vadd.f32 v17, v2  }
0x23e: {  	v19 =	vld [tilespmem:s24+$0xFFFFFFC0];
	v6 =	vmul.f32 $3.200000000e+01, v6;
	v3 =	vadd.f32 v11, v3;
	v11 =	vand.u32 $0xFFFF0000, v12;
	[tilespmem:s0+$0x0] =	vst v4  }
0x23f: {  	v20 =	vld [tilespmem:s24+$0xFFFFFFD0];
	v8 =	vmul.f32 $3.200000000e+01, v8;
	v7 =	vadd.f32 v11, v7;
	v4 =	vshll.u32 v12, $0x10;
	[tilespmem:s0+$0xFFFFFF90] =	vst v2  }
0x240: {  	v63 =	vld [tilespmem:s24+$0xFFFFFFB0];
	[tilespmem:s0+$0xFFFFFFA0] =	vst v3;
	v2 =	vadd.f32 v4, v6;
	v4 =	vmul.f32 $3.200000000e+01, v9;
	v6 =	vshll.u32 v13, $0x10  }
0x241: {  	v3 =	vand.u32 $0xFFFF0000, v13;
	[tilespmem:s0+$0xFFFFFFC0] =	vst v7;
	v9 =	vadd.f32 v6, v8;
	v6 =	vld [tilespmem:s24+$0xFFFFFFE0];
	v12 =	vmul.f32 $3.200000000e+01, v15  }
0x242: {  	v8 =	vld [tilespmem:s24+$0xFFFFFFF0];
	[tilespmem:s0+$0xFFFFFFB0] =	vst v2;
	v2 =	vmul.f32 $3.200000000e+01, v10;
	v10 =	vadd.f32 v3, v4;
	v4 =	vand.u32 $0xFFFF0000, v18  }
0x243: {  	v5 =	vshll.u32 v5, $0x10;
	v11 =	vld [tilespmem:s3+$0x0];
	v3 =	vmul.f32 $3.200000000e+01, v14;
	[tilespmem:s0+$0xFFFFFFD0] =	vst v9;
	v14 =	vadd.f32 v4, v12  }
0x244: {  	s13 =	simm.s32 $0x4;
	v7 =	vmul.f32 $3.200000000e+01, v20;
	v9 =	vmul.f32 $3.200000000e+01, v19;
	v13 =	vadd.f32 v5, v2;
	v12 =	vld [tilespmem:s3+$0x10];
	[tilespmem:s0+$0xFFFFFFE0] =	vst v10  }
0x245: {  	s19 =	simm.s32 $0x400;
	s20 =	smov.u32 s0;
	v4 =	vmul.f32 $3.200000000e+01, v16;
	v5 =	vmul.f32 $3.200000000e+01, v63;
	v2 =	vshll.u32 v18, $0x10;
	v10 =	vld [tilespmem:s3+$0x20];
	s3 =	sadd.s32 $0x400, s24;
	[tilespmem:s24+$0x0] =	vst v14  }
.LBB2_28:
0x246: {  	s9 =	sand.u32 $0xC00, s19;
	v14 =	vld [tilespmem:s3+$0xFFFFFF90];
	s13 =	sadd.s32 $0x4, s13;
	v6 =	vmul.f32 $3.200000000e+01, v6;
	s23 =	sadd.s32 $0x40, s23;
	[tilespmem:s20+$0xFFFFFFF0] =	vst v13  }
0x247: {  	s20 =	sand.u32 $0x40, s23;
	s9 =	sadd.s32 s9, s14;
	v13 =	vld [tilespmem:s3+$0xFFFFFFA0];
	p1 =	slt.u32 s13, $0x1C;
	v8 =	vmul.f32 $3.200000000e+01, v8  }
0x248: {  	s9 =	sadd.s32 s20, s9;
	v15 =	vld [tilespmem:s3+$0x0];
	v16 =	vshll.u32 v11, $0x10;
	v11 =	vand.u32 $0xFFFF0000, v11;
	s20 =	smov.u32 s24;
	s24 =	smov.u32 s3  }
0x249: {  	v17 =	vld [tilespmem:s9+$0x30];
	v16 =	vadd.f32 v16, v3;
	v18 =	vshll.u32 v12, $0x10;
	v12 =	vand.u32 $0xFFFF0000, v12  }
0x24a: {  	v11 =	vadd.f32 v11, v4;
	v19 =	vld [tilespmem:s3+$0xFFFFFFB0];
	v20 =	vshll.u32 v10, $0x10;
	v10 =	vand.u32 $0xFFFF0000, v10  }
0x24b: {  	v5 =	vadd.f32 v18, v5;
	v9 =	vadd.f32 v12, v9;
	v3 =	vmul.f32 $3.200000000e+01, v14;
	v14 =	vld [tilespmem:s3+$0xFFFFFFC0];
	[tilespmem:s20+$0xFFFFFF90] =	vst v16  }
0x24c: {  	v7 =	vadd.f32 v20, v7;
	v10 =	vadd.f32 v10, v6;
	v4 =	vmul.f32 $3.200000000e+01, v13;
	v16 =	vld [tilespmem:s3+$0xFFFFFFD0];
	[tilespmem:s20+$0xFFFFFFA0] =	vst v11  }
.Ltmp12:
0x24d: {  	v13 =	vadd.f32 v2, v8;
	v6 =	vld [tilespmem:s3+$0xFFFFFFE0];
	v12 =	vmul.f32 $3.200000000e+01, v15;
	[tilespmem:s20+$0xFFFFFFB0] =	vst v5;
	(pc) =	sbr.rel @p1 .LBB2_28-.Ltmp12, $4  }
0x24e: {  	v2 =	vshll.u32 v17, $0x10;
	v15 =	vand.u32 $0xFFFF0000, v17;
	v8 =	vld [tilespmem:s3+$0xFFFFFFF0];
	[tilespmem:s20+$0xFFFFFFC0] =	vst v9  }
0x24f: {  	v11 =	vld [tilespmem:s9+$0x0];
	v5 =	vmul.f32 $3.200000000e+01, v19;
	v15 =	vadd.f32 v15, v12;
	[tilespmem:s20+$0xFFFFFFD0] =	vst v7  }
0x250: {  	v12 =	vld [tilespmem:s9+$0x10];
	v9 =	vmul.f32 $3.200000000e+01, v14;
	[tilespmem:s20+$0xFFFFFFE0] =	vst v10  }
0x251: {  	s19 =	sadd.s32 $0x200, s19;
	s3 =	sadd.s32 $0x400, s3;
	v10 =	vld [tilespmem:s9+$0x20];
	v7 =	vmul.f32 $3.200000000e+01, v16;
	[tilespmem:s24+$0x0] =	vst v15  }
0x252: {  	_ =	sdelay $0x1  }
0x253: {  	v14 =	vshll.u32 v11, $0x10  }
0x254: {  	v62 =	vmul.f32 $3.200000000e+01, v8;
	v57 =	vand.u32 $0xFFFF0000, v11;
	v3 =	vadd.f32 v14, v3  }
0x255: {  	[tilespmem:s20+$0xFFFFFFF0] =	vst v13;
	v4 =	vadd.f32 v57, v4  }
0x256: {  	s22 =	sadd.s32 $0x1, s22;
	v59 =	vand.u32 $0xFFFF0000, v12;
	v2 =	vadd.f32 v2, v62;
	[tilespmem:s24+$0xFFFFFF90] =	vst v3  }
0x257: {  	p1 =	sne.s32 s22, $0x8;
	v58 =	vshll.u32 v12, $0x10;
	v9 =	vadd.f32 v59, v9;
	[tilespmem:s24+$0xFFFFFFA0] =	vst v4  }
.Ltmp13:
0x258: {  	v60 =	vmul.f32 $3.200000000e+01, v6;
	v61 =	vshll.u32 v10, $0x10;
	v3 =	vadd.f32 v58, v5;
	[tilespmem:s24+$0xFFFFFFF0] =	vst v2;
	(pc) =	sbr.rel @p1 .LBB2_27-.Ltmp13, $4  }
0x259: {  	v63 =	vand.u32 $0xFFFF0000, v10;
	v6 =	vadd.f32 v61, v7;
	[tilespmem:s24+$0xFFFFFFC0] =	vst v9  }
0x25a: {  	[tilespmem:s24+$0xFFFFFFB0] =	vst v3;
	v3 =	vadd.f32 v63, v60  }
0x25b: {  	[tilespmem:s24+$0xFFFFFFD0] =	vst v6  }
0x25c: {  	s0 =	sadd.s32 $0x80, s0;
	[tilespmem:s24+$0xFFFFFFE0] =	vst v3  }
0x25d: {  	s0 =	sadd.s32 s11, s26  }
0x25e: {  	s0 =	sshll.u32 s0, $0x7  }
0x25f: {  	s3 =	simm.s32 $0xC400;
	s0 =	sadd.s32 s2, s0  }
0x260: {  	[hbm4b:s0+s4] =	stream.linear.scatter [tilespmem:s3], [sflag:$0x11], $0x2000, $0x38;
	[tilespmem:$0x12400] =	vst v63  }
0x261: {  	_ =	swait.ge [sflag:s25], $0x2000  }
0x262: {  	[sflag:s25] =	ssyncset.done $0x0  }
0x263: {  	[sflag:s25] =	ssyncadd.s32 $0xFFFFE000  }
0x264: {  	v2 =	vld.msk @!p0 [tilespmem:s7+$0x300], $0xff;
	_ =	sdelay $0x4  }
0x265: {  	v3 =	vshll.u32 @!p0 v2, $0x3  }
0x266: {  	v4 =	vlaneseq.u32 @!p0;
	v2 =	vand.u32 @!p0 $0x7, v2;
	v3 =	vand.u32 @!p0 $0xFFFFFFC0, v3  }
0x267: {  	v2 =	vor.u32 @!p0 v2, v3;
	v3 =	vand.u32 @!p0 $0x7, v4;
	v4 =	vshrl.u32 @!p0 v4, $0x3  }
0x268: {  	v2 =	vperm.xlane @!p0 v2, v3;
	v3 =	vmul.u32 @!p0 $0x8, v4;
	_ =	sdelay $0x1  }
0x269: {  	v2 =	vadd.s32 @!p0 v3, v2;
	_ =	sdelay $0x3  }
0x26a: {  	s0 =	simm.s32 @!p0 $0x0;
	s3 =	simm.s32 @!p0 $0x6400  }
0x26b: {  	[tilespmem:s3], [sflag:$0x4] =	stream.indirect_vreg.gather @!p0 [hbm4b:s1+s0], $0x80, v2, vm1, $0xb8;
	[tilespmem:$0x12400] =	vst v63  }
0x26c: {  	s3 =	simm.s32 @!p0 $0x6C00  }
0x26d: {  	[tilespmem:s3], [sflag:$0x4] =	stream.indirect_vreg.gather @!p0 [hbm4b:s16+s0], $0x80, v2, vm1, $0xb8;
	[tilespmem:$0x12400] =	vst v63  }
0x26e: {  	s3 =	simm.s32 @!p0 $0x7400  }
0x26f: {  	[tilespmem:s3], [sflag:$0x4] =	stream.indirect_vreg.gather @!p0 [hbm4b:s17+s0], $0x80, v2, vm1, $0xb8;
	[tilespmem:$0x12400] =	vst v63  }
0x270: {  	s3 =	simm.s32 @!p0 $0x7C00  }
0x271: {  	[tilespmem:s3], [sflag:$0x4] =	stream.indirect_vreg.gather @!p0 [hbm4b:s18+s0], $0x80, v2, vm1, $0xb8;
	[tilespmem:$0x12400] =	vst v63  }
0x272: {  	_ =	swait.ge [sflag:s30], $0x2000  }
0x273: {  	s15 =	simm.s32 $0x0;
	[sflag:s30] =	ssyncset.done $0x0  }
0x274: {  	s7 =	simm.s32 $0x0;
	s0 =	simm.s32 $0xE470;
	[sflag:s30] =	ssyncadd.s32 $0xFFFFE000  }
.LBB2_31:
0x275: {  	v2 =	vld [tilespmem:s0+$0xFFFFFF90]  }
0x276: {  	v3 =	vld [tilespmem:s0+$0xFFFFFFA0]  }
0x277: {  	v4 =	vld [tilespmem:s0+$0x0]  }
0x278: {  	v6 =	vld [tilespmem:s0+$0xFFFFFFB0]  }
0x279: {  	s3 =	sshll.u32 s15, $0x7;
	v7 =	vld [tilespmem:s0+$0xFFFFFFC0]  }
0x27a: {  	s24 =	sand.u32 $0xC00, s7;
	v8 =	vld [tilespmem:s0+$0xFFFFFFD0];
	s14 =	sadd.s32 $0x11400, s3  }
0x27b: {  	s9 =	sand.u32 $0x40, s7;
	v9 =	vld [tilespmem:s0+$0xFFFFFFE0];
	s3 =	sadd.s32 s24, s14  }
0x27c: {  	v10 =	vld [tilespmem:s0+$0xFFFFFFF0];
	s3 =	sadd.s32 s9, s3  }
0x27d: {  	v5 =	vld [tilespmem:s3+$0x30]  }
0x27e: {  	s22 =	sadd.s32 $0x400, s0;
	v11 =	vld [tilespmem:s3+$0x0]  }
0x27f: {  	v14 =	vld [tilespmem:s22+$0xFFFFFF90]  }
0x280: {  	s29 =	simm.s32 $0x200;
	v12 =	vld [tilespmem:s3+$0x10]  }
0x281: {  	s23 =	simm.s32 $0x40;
	v13 =	vld [tilespmem:s3+$0x20];
	s3 =	sand.u32 $0xC00, s29;
	v4 =	vmul.f32 $3.200000000e+01, v4  }
0x282: {  	s31 =	sand.u32 $0x40, s23;
	v16 =	vld [tilespmem:s22+$0xFFFFFFA0];
	v2 =	vmul.f32 $3.200000000e+01, v2;
	s3 =	sadd.s32 s3, s14;
	v15 =	vand.u32 $0xFFFF0000, v5  }
0x283: {  	v3 =	vmul.f32 $3.200000000e+01, v3;
	s3 =	sadd.s32 s31, s3;
	v17 =	vshll.u32 v11, $0x10;
	v4 =	vadd.f32 v15, v4;
	v15 =	vld [tilespmem:s22+$0x0]  }
0x284: {  	v7 =	vmul.f32 $3.200000000e+01, v7;
	v18 =	vld [tilespmem:s3+$0x30];
	v11 =	vand.u32 $0xFFFF0000, v11;
	v2 =	vadd.f32 v17, v2  }
0x285: {  	v19 =	vld [tilespmem:s22+$0xFFFFFFC0];
	v6 =	vmul.f32 $3.200000000e+01, v6;
	v3 =	vadd.f32 v11, v3;
	v11 =	vand.u32 $0xFFFF0000, v12;
	[tilespmem:s0+$0x0] =	vst v4  }
0x286: {  	v20 =	vld [tilespmem:s22+$0xFFFFFFD0];
	v8 =	vmul.f32 $3.200000000e+01, v8;
	v7 =	vadd.f32 v11, v7;
	v4 =	vshll.u32 v12, $0x10;
	[tilespmem:s0+$0xFFFFFF90] =	vst v2  }
0x287: {  	v63 =	vld [tilespmem:s22+$0xFFFFFFB0];
	[tilespmem:s0+$0xFFFFFFA0] =	vst v3;
	v2 =	vadd.f32 v4, v6;
	v4 =	vmul.f32 $3.200000000e+01, v9;
	v6 =	vshll.u32 v13, $0x10  }
0x288: {  	v3 =	vand.u32 $0xFFFF0000, v13;
	[tilespmem:s0+$0xFFFFFFC0] =	vst v7;
	v9 =	vadd.f32 v6, v8;
	v6 =	vld [tilespmem:s22+$0xFFFFFFE0];
	v12 =	vmul.f32 $3.200000000e+01, v15  }
0x289: {  	v8 =	vld [tilespmem:s22+$0xFFFFFFF0];
	[tilespmem:s0+$0xFFFFFFB0] =	vst v2;
	v2 =	vmul.f32 $3.200000000e+01, v10;
	v10 =	vadd.f32 v3, v4;
	v4 =	vand.u32 $0xFFFF0000, v18  }
0x28a: {  	v5 =	vshll.u32 v5, $0x10;
	v11 =	vld [tilespmem:s3+$0x0];
	v3 =	vmul.f32 $3.200000000e+01, v14;
	[tilespmem:s0+$0xFFFFFFD0] =	vst v9;
	v14 =	vadd.f32 v4, v12  }
0x28b: {  	s13 =	simm.s32 $0x4;
	v7 =	vmul.f32 $3.200000000e+01, v20;
	v9 =	vmul.f32 $3.200000000e+01, v19;
	v13 =	vadd.f32 v5, v2;
	v12 =	vld [tilespmem:s3+$0x10];
	[tilespmem:s0+$0xFFFFFFE0] =	vst v10  }
0x28c: {  	s19 =	simm.s32 $0x400;
	s20 =	smov.u32 s0;
	v4 =	vmul.f32 $3.200000000e+01, v16;
	v5 =	vmul.f32 $3.200000000e+01, v63;
	v2 =	vshll.u32 v18, $0x10;
	v10 =	vld [tilespmem:s3+$0x20];
	s3 =	sadd.s32 $0x400, s22;
	[tilespmem:s22+$0x0] =	vst v14  }
.LBB2_32:
0x28d: {  	s9 =	sand.u32 $0xC00, s19;
	v14 =	vld [tilespmem:s3+$0xFFFFFF90];
	s13 =	sadd.s32 $0x4, s13;
	v6 =	vmul.f32 $3.200000000e+01, v6;
	s23 =	sadd.s32 $0x40, s23;
	[tilespmem:s20+$0xFFFFFFF0] =	vst v13  }
0x28e: {  	s20 =	sand.u32 $0x40, s23;
	s9 =	sadd.s32 s9, s14;
	v13 =	vld [tilespmem:s3+$0xFFFFFFA0];
	p0 =	slt.u32 s13, $0x1C;
	v8 =	vmul.f32 $3.200000000e+01, v8  }
0x28f: {  	s9 =	sadd.s32 s20, s9;
	v15 =	vld [tilespmem:s3+$0x0];
	v16 =	vshll.u32 v11, $0x10;
	v11 =	vand.u32 $0xFFFF0000, v11;
	s20 =	smov.u32 s22;
	s22 =	smov.u32 s3  }
0x290: {  	v17 =	vld [tilespmem:s9+$0x30];
	v16 =	vadd.f32 v16, v3;
	v18 =	vshll.u32 v12, $0x10;
	v12 =	vand.u32 $0xFFFF0000, v12  }
0x291: {  	v11 =	vadd.f32 v11, v4;
	v19 =	vld [tilespmem:s3+$0xFFFFFFB0];
	v20 =	vshll.u32 v10, $0x10;
	v10 =	vand.u32 $0xFFFF0000, v10  }
0x292: {  	v5 =	vadd.f32 v18, v5;
	v9 =	vadd.f32 v12, v9;
	v3 =	vmul.f32 $3.200000000e+01, v14;
	v14 =	vld [tilespmem:s3+$0xFFFFFFC0];
	[tilespmem:s20+$0xFFFFFF90] =	vst v16  }
0x293: {  	v7 =	vadd.f32 v20, v7;
	v10 =	vadd.f32 v10, v6;
	v4 =	vmul.f32 $3.200000000e+01, v13;
	v16 =	vld [tilespmem:s3+$0xFFFFFFD0];
	[tilespmem:s20+$0xFFFFFFA0] =	vst v11  }
.Ltmp14:
0x294: {  	v13 =	vadd.f32 v2, v8;
	v6 =	vld [tilespmem:s3+$0xFFFFFFE0];
	v12 =	vmul.f32 $3.200000000e+01, v15;
	[tilespmem:s20+$0xFFFFFFB0] =	vst v5;
	(pc) =	sbr.rel @p0 .LBB2_32-.Ltmp14, $4  }
0x295: {  	v2 =	vshll.u32 v17, $0x10;
	v15 =	vand.u32 $0xFFFF0000, v17;
	v8 =	vld [tilespmem:s3+$0xFFFFFFF0];
	[tilespmem:s20+$0xFFFFFFC0] =	vst v9  }
0x296: {  	v11 =	vld [tilespmem:s9+$0x0];
	v5 =	vmul.f32 $3.200000000e+01, v19;
	v15 =	vadd.f32 v15, v12;
	[tilespmem:s20+$0xFFFFFFD0] =	vst v7  }
0x297: {  	v12 =	vld [tilespmem:s9+$0x10];
	v9 =	vmul.f32 $3.200000000e+01, v14;
	[tilespmem:s20+$0xFFFFFFE0] =	vst v10  }
0x298: {  	s19 =	sadd.s32 $0x200, s19;
	s3 =	sadd.s32 $0x400, s3;
	v10 =	vld [tilespmem:s9+$0x20];
	v7 =	vmul.f32 $3.200000000e+01, v16;
	[tilespmem:s22+$0x0] =	vst v15  }
0x299: {  	_ =	sdelay $0x1  }
0x29a: {  	v14 =	vshll.u32 v11, $0x10  }
0x29b: {  	v62 =	vmul.f32 $3.200000000e+01, v8;
	v57 =	vand.u32 $0xFFFF0000, v11;
	v3 =	vadd.f32 v14, v3  }
0x29c: {  	[tilespmem:s20+$0xFFFFFFF0] =	vst v13;
	v4 =	vadd.f32 v57, v4  }
0x29d: {  	s15 =	sadd.s32 $0x1, s15;
	v59 =	vand.u32 $0xFFFF0000, v12;
	v2 =	vadd.f32 v2, v62;
	[tilespmem:s22+$0xFFFFFF90] =	vst v3  }
0x29e: {  	p0 =	sne.s32 s15, $0x8;
	v58 =	vshll.u32 v12, $0x10;
	v9 =	vadd.f32 v59, v9;
	[tilespmem:s22+$0xFFFFFFA0] =	vst v4  }
.Ltmp15:
0x29f: {  	v60 =	vmul.f32 $3.200000000e+01, v6;
	v61 =	vshll.u32 v10, $0x10;
	v3 =	vadd.f32 v58, v5;
	[tilespmem:s22+$0xFFFFFFF0] =	vst v2;
	(pc) =	sbr.rel @p0 .LBB2_31-.Ltmp15, $4  }
0x2a0: {  	v63 =	vand.u32 $0xFFFF0000, v10;
	v6 =	vadd.f32 v61, v7;
	[tilespmem:s22+$0xFFFFFFC0] =	vst v9  }
0x2a1: {  	[tilespmem:s22+$0xFFFFFFB0] =	vst v3;
	v3 =	vadd.f32 v63, v60  }
0x2a2: {  	[tilespmem:s22+$0xFFFFFFD0] =	vst v6  }
0x2a3: {  	s0 =	sadd.s32 $0x80, s0;
	[tilespmem:s22+$0xFFFFFFE0] =	vst v3  }
0x2a4: {  	s21 =	sadd.s32 $0x1, s21  }
0x2a5: {  	p0 =	sne.s32 s21, $0x10  }
.Ltmp16:
0x2a6: {  	_ = 	snop;
	(pc) =	sbr.rel @p0 .LBB2_2-.Ltmp16, $4  }
0x2a7: {  	s0 =	sadd.s32 s12, s26  }
0x2a8: {  	s0 =	sshll.u32 s0, $0x7  }
0x2a9: {  	s3 =	simm.s32 $0xE400;
	s0 =	sadd.s32 s2, s0  }
0x2aa: {  	[hbm4b:s0+s4] =	stream.linear.scatter [tilespmem:s3], [sflag:$0x12], $0x2000, $0x38;
	[tilespmem:$0x12400] =	vst v63  }
0x2ab: {  	s0 =	simm.s32 $0xF  }
0x2ac: {  	_ =	swait.ge [sflag:s0], $0x2000  }
0x2ad: {  	[sflag:s0] =	ssyncset.done $0x0  }
0x2ae: {  	s26 =	simm.s32 $0x10;
	[sflag:s0] =	ssyncadd.s32 $0xFFFFE000  }
0x2af: {  	_ =	swait.ge [sflag:s26], $0x2000  }
0x2b0: {  	[sflag:s26] =	ssyncset.done $0x0  }
0x2b1: {  	s29 =	simm.s32 $0x11;
	[sflag:s26] =	ssyncadd.s32 $0xFFFFE000  }
0x2b2: {  	_ =	swait.ge [sflag:s29], $0x2000  }
0x2b3: {  	[sflag:s29] =	ssyncset.done $0x0  }
0x2b4: {  	s3 =	simm.s32 $0x12;
	[sflag:s29] =	ssyncadd.s32 $0xFFFFE000  }
0x2b5: {  	_ =	swait.ge [sflag:s3], $0x2000  }
0x2b6: {  	s7 =	rddreg [dreg:$0xb]  }
0x2b7: {  	s31 =	rddreg [dreg:$0xa];
	s7 =	sadd.s32 $0x1, s7  }
0x2b8: {  	p0 =	sne.s32 s7, s31  }
.Ltmp17:
0x2b9: {  	_ = 	snop;
	(pc) =	sbr.rel @p0 .LBB2_1-.Ltmp17, $3  }
0x2ba: {  	_ =	sdelay $0x1  }
0x2bb: {  	[sflag:s3] =	ssyncset.done $0x0  }
0x2bc: {  	[sflag:s3] =	ssyncadd.s32 $0xFFFFE000  }
0x2bd: {  	_ =	sfence.sel $0x180000  }
0x2be: {  	[bflag:$0x0] =	sbarrier.arrive $0xFFFF  }
0x2bf: {  	_ =	strace $0x90000047  }
0x2c0: {  	s0 =	stileid.u32;
	[bflag:$0x2] =	sbarrier.arrive $0xFFFF  }
0x2c1: {  	p0 =	sne.s32 s0, $0x0;
	s0 =	rddreg [dreg:$0x3]  }
0x2c2: {  	s0 =	sadd.s32 @!p0 $0x100000, s0  }
0x2c3: {  	[sflag:s0] =	ssyncadd.tile.s32 @!p0 $0x1;
	_ =	shalt  }
.Lfunc_end2:
_tile_overlayer_lowered:
.L_overlay_start_2:
0x2c4: {  	(tag) =	ssettag $0x2  }
0x2c5: {  	s0 =	rddreg [dreg:$0x0];
	s2 =	stileid.u32  }
0x2c6: {  	s1 =	rddreg [dreg:$0x1];
	p0 =	sne.s32 s2, $0x0  }
0x2c7: {  	s3 =	rddreg [dreg:$0x2];
	[bflag:$0x3] =	sbarrier.arrive $0xFFFF;
	s2 =	simm.s32 @!p0 $0x1C13  }
0x2c8: {  	[timem:s3], [sflag:s2] =	dma.local @!p0 [hbm:s0], s1  }
0x2c9: {  	s0 =	simm.s32 @!p0 $0x13  }
0x2ca: {  	_ =	swait.ge @!p0 [sflag:s0], s1  }
0x2cb: {  	s1 =	ssub.s32 @!p0 $0x0, s1;
	[sflag:s0] =	ssyncset.done @!p0 $0x0  }
0x2cc: {  	[sflag:s0] =	ssyncadd.s32 @!p0 s1  }
0x2cd: {  	[bflag:$0x3] =	sbarrier.arrive $0xFFFF  }
0x2ce: {  	_ =	shalt  }

</sc_bundles>
